<compile_context>
chip_gen: v7x
topology: tpu7x:2x2x1
jax: 0.10.2.dev20260603
libtpu: 0.0.44.dev20260713+nightly
codegen_flags: <defaults>
</compile_context>

<pallas_src>
import jax
import jax.numpy as jnp
from jax import lax
from jax.experimental import pallas as pl
from jax.experimental.pallas import tpu as pltpu
from jax.experimental.pallas import tpu_sc as plsc

N_NODES = 10000
N_TARGET = 8192
E = 160000
L = 3
D = 128
H = 4
AV = 128
OUT_DIM = 128

W = 256
NB = N_TARGET // W
C = 1024
E_PAD = E + C

NC = 2
NS = 16
NW = NC * NS
EDGES_PER_W = E // NW
EK = 200
ECH = EDGES_PER_W // EK
CEN_PER_W = N_TARGET // NW
CK = 128
A1P = 128


def _sc_gather_body(feat, topic, idxT, txt, nlst, fa1,
                    hid_out, a1_out,
                    ie0, ie1, ie2, ie3, r0, r1, r2, r3,
                    icen, rcen, sema, semc):
    wid = lax.axis_index("s") * NC + lax.axis_index("c")
    ebase = wid * EDGES_PER_W

    def fire(k):
        b = ebase + k * EK
        pltpu.sync_copy(idxT.at[pl.ds(b, EK)], ie0)
        pltpu.sync_copy(idxT.at[pl.ds(E + b, EK)], ie1)
        pltpu.sync_copy(idxT.at[pl.ds(2 * E + b, EK)], ie2)
        pltpu.sync_copy(txt.at[pl.ds(b, EK)], ie3)
        pltpu.async_copy(feat.at[ie0], r0, sema)
        pltpu.async_copy(feat.at[ie1], r1, sema)
        pltpu.async_copy(feat.at[ie2], r2, sema)
        pltpu.async_copy(topic.at[ie3], r3, sema)

    def drain():
        pltpu.make_async_copy(feat.at[ie0], r0, sema).wait()
        pltpu.make_async_copy(feat.at[ie1], r1, sema).wait()
        pltpu.make_async_copy(feat.at[ie2], r2, sema).wait()
        pltpu.make_async_copy(topic.at[ie3], r3, sema).wait()

    def compute_store(k):
        def erow(e, c2):
            for u in range(2):
                ee = e * 2 + u
                for d8 in range(D // 16):
                    s = pl.ds(d8 * 16, 16)
                    r0[ee, s] = (r0[ee, s] + r1[ee, s] + r2[ee, s]) \
                        * (1.0 / 3.0) + r3[ee, s]
            return c2
        lax.fori_loop(0, EK // 2, erow, 0)
        pltpu.sync_copy(r0, hid_out.at[pl.ds(ebase + k * EK, EK)])

    def body(k, carry):
        fire(k)
        drain()
        compute_store(k)
        return carry
    lax.fori_loop(0, ECH, body, 0)

    cbase = wid * CEN_PER_W

    def cchunk(k, carry):
        b = cbase + k * CK
        pltpu.sync_copy(nlst.at[pl.ds(b, CK)], icen)
        pltpu.async_copy(fa1.at[icen], rcen, semc).wait()
        pltpu.sync_copy(rcen, a1_out.at[pl.ds(b, CK)])
        return carry
    lax.fori_loop(0, CEN_PER_W // CK, cchunk, 0)


def _sc_gather(feat, topic, idxT, txt, nlst, fa1):
    mesh = plsc.VectorSubcoreMesh(core_axis_name="c", subcore_axis_name="s")
    fn = pl.kernel(
        _sc_gather_body,
        mesh=mesh,
        out_type=(
            jax.ShapeDtypeStruct((E_PAD, D), jnp.float32),
            jax.ShapeDtypeStruct((N_TARGET, A1P), jnp.float32),
        ),
        scratch_types=(
            [pltpu.VMEM((EK,), jnp.int32) for _ in range(4)]
            + [pltpu.VMEM((EK, D), jnp.float32) for _ in range(4)]
            + [pltpu.VMEM((CK,), jnp.int32),
               pltpu.VMEM((CK, A1P), jnp.float32),
               pltpu.SemaphoreType.DMA,
               pltpu.SemaphoreType.DMA]
        ),
    )
    return fn(feat, topic, idxT, txt, nlst, fa1)


def _fa1_body(feat_ref, attn1p_ref, out_ref):
    out_ref[...] = jnp.dot(feat_ref[...], attn1p_ref[...],
                           preferred_element_type=jnp.float32)


def _tc_fa1(features, attn1p):
    return pl.pallas_call(
        _fa1_body,
        out_shape=jax.ShapeDtypeStruct((N_NODES, A1P), jnp.float32),
    )(features, attn1p)


def _tcb_body(off_ref, hid_hbm, tgt_hbm, a1_ref, attn2_ref,
              fc1w_ref, fc1b_ref, fc2w_ref,
              h_ref, s_ref, hid_buf, tgt_buf, accn, accd, sem1, sem2):
    t = pl.program_id(0)
    start = off_ref[t]
    end = off_ref[t + 1]
    astart = (start // C) * C
    trip = (end - astart + C - 1) // C

    accn[...] = jnp.zeros((W, H * D), jnp.float32)
    accd[...] = jnp.zeros((W, H), jnp.float32)

    def dma_pair(c):
        p = c & 1
        s0 = astart + c * C
        cp1 = pltpu.make_async_copy(hid_hbm.at[pl.ds(s0, C), :],
                                    hid_buf.at[p], sem1.at[p])
        cp2 = pltpu.make_async_copy(tgt_hbm.at[pl.ds(s0, C), :],
                                    tgt_buf.at[p], sem2.at[p])
        return cp1, cp2

    @pl.when(trip > 0)
    def _prime():
        cp1, cp2 = dma_pair(0)
        cp1.start()
        cp2.start()

    def chunk(c, carry):
        @pl.when(c + 1 < trip)
        def _next():
            cp1, cp2 = dma_pair(c + 1)
            cp1.start()
            cp2.start()
        p = c & 1
        s0 = astart + c * C
        cp1, cp2 = dma_pair(c)
        cp1.wait()
        cp2.wait()
        tv = tgt_buf[p]
        jg = lax.broadcasted_iota(jnp.int32, (C, 1), 0) + s0
        mask = (jg >= start) & (jg < end)
        rel = jnp.clip(tv - t * W, 0, W - 1)
        onehot = jnp.where(
            (rel == lax.broadcasted_iota(jnp.int32, (C, W), 1)) & mask,
            1.0, 0.0)
        hidm = jnp.where(mask, hid_buf[p], 0.0)
        a2 = lax.dot_general(hidm, attn2_ref[...],
                             (((1,), (1,)), ((), ())),
                             preferred_element_type=jnp.float32)
        a1e = jnp.dot(onehot, a1_ref[:, :H],
                      preferred_element_type=jnp.float32)
        a = a1e + a2
        a = jnp.where(a > 0, a, 0.01 * a)
        ae = jnp.where(mask, jnp.exp(a), 0.0)
        vals = jnp.concatenate(
            [ae[:, h:h + 1] * hidm for h in range(H)], axis=1)
        accn[...] += lax.dot_general(onehot, vals,
                                     (((0,), (0,)), ((), ())),
                                     preferred_element_type=jnp.float32)
        accd[...] += lax.dot_general(onehot, ae,
                                     (((0,), (0,)), ((), ())),
                                     preferred_element_type=jnp.float32)
        return carry
    lax.fori_loop(0, trip, chunk, 0)

    num = accn[...]
    den = accd[...]
    hp = jnp.concatenate(
        [num[:, h * D:(h + 1) * D] / (den[:, h:h + 1] + 1e-9)
         for h in range(H)], axis=1)
    hp = jnp.where(hp > 0, hp, jnp.exp(jnp.minimum(hp, 0.0)) - 1.0)
    h_ref[...] = hp

    q = jnp.tanh(jnp.dot(hp, fc1w_ref[...],
                         preferred_element_type=jnp.float32)
                 + fc1b_ref[...][None, :])
    sp = jnp.dot(q, fc2w_ref[...], preferred_element_type=jnp.float32)
    ssum = jnp.sum(sp)

    @pl.when(t == 0)
    def _init():
        s_ref[...] = jnp.zeros((1, 1), jnp.float32)

    s_ref[...] += ssum


def _tc_b(off, hidden, tgt3, a1, attn2, fc1_w, fc1_b, fc2_w):
    return pl.pallas_call(
        _tcb_body,
        grid=(NB,),
        in_specs=[
            pl.BlockSpec(memory_space=pltpu.SMEM),
            pl.BlockSpec(memory_space=pl.ANY),
            pl.BlockSpec(memory_space=pl.ANY),
            pl.BlockSpec((W, A1P), lambda t: (t, 0)),
            pl.BlockSpec((H, D), lambda t: (0, 0)),
            pl.BlockSpec((H * D, AV), lambda t: (0, 0)),
            pl.BlockSpec((AV,), lambda t: (0,)),
            pl.BlockSpec((AV, 1), lambda t: (0, 0)),
        ],
        out_specs=[
            pl.BlockSpec((W, H * D), lambda t: (t, 0)),
            pl.BlockSpec((1, 1), lambda t: (0, 0)),
        ],
        out_shape=[
            jax.ShapeDtypeStruct((N_TARGET, H * D), jnp.float32),
            jax.ShapeDtypeStruct((1, 1), jnp.float32),
        ],
        scratch_shapes=[
            pltpu.VMEM((2, C, D), jnp.float32),
            pltpu.VMEM((2, C, 1), jnp.int32),
            pltpu.VMEM((W, H * D), jnp.float32),
            pltpu.VMEM((W, H), jnp.float32),
            pltpu.SemaphoreType.DMA((2,)),
            pltpu.SemaphoreType.DMA((2,)),
        ],
    )(off, hidden, tgt3, a1, attn2, fc1_w, fc1_b, fc2_w)


def _tcc_body(h0_ref, h1_ref, s0_ref, s1_ref, fcuw_ref, fcub_ref,
              hu_ref, lg_ref, beta_ref):
    sv = jnp.concatenate([s0_ref[...], s1_ref[...]], axis=0) \
        * (1.0 / N_TARGET)
    ex = jnp.exp(sv - jnp.max(sv))
    beta = ex / jnp.sum(ex)

    t = pl.program_id(0)

    @pl.when(t == 0)
    def _():
        beta_ref[...] = beta

    hu = beta[0:1, 0:1] * h0_ref[...] + beta[1:2, 0:1] * h1_ref[...]
    hu_ref[...] = hu
    lg_ref[...] = jnp.dot(hu, fcuw_ref[...],
                          preferred_element_type=jnp.float32) \
        + fcub_ref[...][None, :]


def _tc_c(h0, h1, s0, s1, fc_user_w, fc_user_b):
    return pl.pallas_call(
        _tcc_body,
        grid=(NB,),
        in_specs=[
            pl.BlockSpec((W, H * D), lambda t: (t, 0)),
            pl.BlockSpec((W, H * D), lambda t: (t, 0)),
            pl.BlockSpec((1, 1), lambda t: (0, 0)),
            pl.BlockSpec((1, 1), lambda t: (0, 0)),
            pl.BlockSpec((H * D, OUT_DIM), lambda t: (0, 0)),
            pl.BlockSpec((OUT_DIM,), lambda t: (0,)),
        ],
        out_specs=[
            pl.BlockSpec((W, H * D), lambda t: (t, 0)),
            pl.BlockSpec((W, OUT_DIM), lambda t: (t, 0)),
            pl.BlockSpec((2, 1), lambda t: (0, 0)),
        ],
        out_shape=[
            jax.ShapeDtypeStruct((N_TARGET, H * D), jnp.float32),
            jax.ShapeDtypeStruct((N_TARGET, OUT_DIM), jnp.float32),
            jax.ShapeDtypeStruct((2, 1), jnp.float32),
        ],
    )(h0, h1, s0, s1, fc_user_w, fc_user_b)


def kernel(features, topic, type_mask,
           edge_metapath_indices_0, edge_metapath_indices_1,
           edge_metapath_text_indices_0, edge_metapath_text_indices_1,
           target_idx_0, target_idx_1, node_list_0, node_list_1,
           attn1, attn2, fc1_w, fc1_b, fc2_w, fc_user_w, fc_user_b):
    del type_mask
    zpad = jnp.zeros((C,), jnp.int32)
    bnd = jnp.arange(NB + 1, dtype=jnp.int32) * W
    attn1p = jnp.pad(attn1, ((0, 0), (0, A1P - H)))
    fa1 = _tc_fa1(features, attn1p)

    idxTs = [edge_metapath_indices_0.T.astype(jnp.int32).reshape(-1),
             edge_metapath_indices_1.T.astype(jnp.int32).reshape(-1)]
    txts = [edge_metapath_text_indices_0.astype(jnp.int32),
            edge_metapath_text_indices_1.astype(jnp.int32)]
    nls = [node_list_0.astype(jnp.int32), node_list_1.astype(jnp.int32)]
    tgts = [target_idx_0.astype(jnp.int32), target_idx_1.astype(jnp.int32)]

    hs, ss = [], []
    for m in range(2):
        tgt3 = jnp.concatenate([tgts[m], zpad]).reshape(E_PAD, 1)
        off = jnp.searchsorted(tgts[m], bnd).astype(jnp.int32)
        hidden, a1 = _sc_gather(features, topic, idxTs[m], txts[m],
                                nls[m], fa1)
        h, s = _tc_b(off, hidden, tgt3, a1, attn2, fc1_w, fc1_b, fc2_w)
        hs.append(h)
        ss.append(s)

    h_user, logits, beta2 = _tc_c(hs[0], hs[1], ss[0], ss[1],
                                  fc_user_w, fc_user_b)
    return h_user, logits, beta2.reshape(2)

# --- scband reference (transcript-rebuilt; emitter-appended) ---
"""Pipeline reference for scband-magnn-lp-layer-6889127542843 (READ-ONLY COPY).

The authoritative reference and input builder live on the scoring server;
editing this copy changes nothing except your own understanding.
"""

import jax, jax.numpy as jnp
import numpy as np

N_NODES = 10000
N_TARGET = 8192
E = 160000
L = 3
IN_DIM = 128
OUT_DIM = 128
H = 4
ATTN_VEC = 128

def setup_inputs(seed: int = 0):
    key = jax.random.key(seed)
    ks = jax.random.split(key, 20)
    inp = {}
    inp['features'] = jax.random.normal(ks[0], (N_NODES, IN_DIM), dtype=jnp.float32)
    inp['topic'] = jax.random.normal(ks[1], (N_NODES, IN_DIM), dtype=jnp.float32)
    inp['type_mask'] = jax.random.randint(ks[2], (N_NODES,), 0, 3)
    inp['edge_metapath_indices_0'] = jax.random.randint(ks[3], (E, L), 0, N_NODES)
    inp['edge_metapath_indices_1'] = jax.random.randint(ks[4], (E, L), 0, N_NODES)
    inp['edge_metapath_text_indices_0'] = jax.random.randint(ks[5], (E,), 0, N_NODES)
    inp['edge_metapath_text_indices_1'] = jax.random.randint(ks[6], (E,), 0, N_NODES)
    inp['target_idx_0'] = jnp.sort(jax.random.randint(ks[7], (E,), 0, N_TARGET))
    inp['target_idx_1'] = jnp.sort(jax.random.randint(ks[8], (E,), 0, N_TARGET))
    inp['node_list_0'] = jax.random.randint(ks[9], (N_TARGET,), 0, N_NODES)
    inp['node_list_1'] = jax.random.randint(ks[10], (N_TARGET,), 0, N_NODES)
    sc = 1.0 / np.sqrt(IN_DIM)
    inp['attn1'] = jax.random.normal(ks[11], (IN_DIM, H), dtype=jnp.float32) * sc
    inp['attn2'] = jax.random.normal(ks[12], (H, IN_DIM), dtype=jnp.float32) * sc
    inp['fc1_w'] = jax.random.normal(ks[13], (H * IN_DIM, ATTN_VEC), dtype=jnp.float32) * (1.0 / np.sqrt(H * IN_DIM))
    inp['fc1_b'] = jnp.zeros((ATTN_VEC,), dtype=jnp.float32)
    inp['fc2_w'] = jax.random.normal(ks[14], (ATTN_VEC, 1), dtype=jnp.float32) * (1.0 / np.sqrt(ATTN_VEC))
    inp['fc_user_w'] = jax.random.normal(ks[15], (H * IN_DIM, OUT_DIM), dtype=jnp.float32) * (1.0 / np.sqrt(H * IN_DIM))
    inp['fc_user_b'] = jnp.zeros((OUT_DIM,), dtype=jnp.float32)
    return inp

def _metapath_agg(features, topic, attn1, attn2, idx, txt, tgt, nl):
    # intra-metapath: encode each metapath instance (rnn_type='average') + GAT-style
    # attention with segment softmax over destination (target) nodes
    edata = jnp.take(features, idx, axis=0)            # [E, L, D] gather
    hidden = jnp.mean(edata, axis=1) + jnp.take(topic, txt, axis=0)  # [E, D]
    center = jnp.take(features, nl, axis=0)            # [NT, D]
    a1 = center @ attn1                                # [NT, H]
    a2 = hidden @ attn2.T                              # [E, H]
    a = jax.nn.leaky_relu(jnp.take(a1, tgt, axis=0) + a2, 0.01)
    m = jax.ops.segment_max(a, tgt, num_segments=N_TARGET)
    m = jnp.where(jnp.isfinite(m), m, 0.0)
    ae = jnp.exp(a - jnp.take(m, tgt, axis=0))
    denom = jax.ops.segment_sum(ae, tgt, num_segments=N_TARGET)
    w = ae / (jnp.take(denom, tgt, axis=0) + 1e-9)     # [E, H]
    heads = []
    for h in range(H):
        heads.append(jax.ops.segment_sum(w[:, h:h + 1] * hidden, tgt, num_segments=N_TARGET))
    hp = jax.nn.elu(jnp.stack(heads, axis=1))          # [NT, H, D]
    return hp.reshape(N_TARGET, H * IN_DIM)

def reference(features, topic, type_mask, edge_metapath_indices_0, edge_metapath_indices_1, edge_metapath_text_indices_0, edge_metapath_text_indices_1, target_idx_0, target_idx_1, node_list_0, node_list_1, attn1, attn2, fc1_w, fc1_b, fc2_w, fc_user_w, fc_user_b):
    del type_mask  # node-type routing folded into shared feature matrix
    h0 = _metapath_agg(features, topic, attn1, attn2, edge_metapath_indices_0, edge_metapath_text_indices_0, target_idx_0, node_list_0)
    h1 = _metapath_agg(features, topic, attn1, attn2, edge_metapath_indices_1, edge_metapath_text_indices_1, target_idx_1, node_list_1)
    # inter-metapath attention (beta)
    s0 = jnp.mean(jnp.tanh(h0 @ fc1_w + fc1_b) @ fc2_w)
    s1 = jnp.mean(jnp.tanh(h1 @ fc1_w + fc1_b) @ fc2_w)
    beta = jax.nn.softmax(jnp.stack([s0, s1]))
    h_user = beta[0] * h0 + beta[1] * h1               # [NT, H*D]
    logits_user = h_user @ fc_user_w + fc_user_b       # [NT, out_dim]
    return h_user, logits_user, beta

if __name__ == "__main__":
    import jax
    _d = setup_inputs()
    print(jax.jit(kernel)(*tuple(_d.values())))

</pallas_src>

<mosaic_0001>
#map = affine_map<(d0, d1) -> (0, 0)>
#map1 = affine_map<(d0, d1) -> (0)>
module attributes {stable_mosaic.version = 14 : i64} {
  func.func @_sc_gather_body(%arg0: i32, %arg1: i32, %arg2: memref<10000x128xf32, #tpu.memory_space<hbm>>, %arg3: memref<10000x128xf32, #tpu.memory_space<hbm>>, %arg4: memref<480000xi32, #tpu.memory_space<hbm>>, %arg5: memref<160000xi32, #tpu.memory_space<hbm>>, %arg6: memref<8192xi32, #tpu.memory_space<hbm>>, %arg7: memref<10000x128xf32, #tpu.memory_space<hbm>>, %arg8: memref<161024x128xf32, #tpu.memory_space<hbm>>, %arg9: memref<8192x128xf32, #tpu.memory_space<hbm>>, %arg10: memref<200xi32, #tpu.memory_space<vmem>>, %arg11: memref<200xi32, #tpu.memory_space<vmem>>, %arg12: memref<200xi32, #tpu.memory_space<vmem>>, %arg13: memref<200xi32, #tpu.memory_space<vmem>>, %arg14: memref<200x128xf32, #tpu.memory_space<vmem>>, %arg15: memref<200x128xf32, #tpu.memory_space<vmem>>, %arg16: memref<200x128xf32, #tpu.memory_space<vmem>>, %arg17: memref<200x128xf32, #tpu.memory_space<vmem>>, %arg18: memref<128xi32, #tpu.memory_space<vmem>>, %arg19: memref<128x128xf32, #tpu.memory_space<vmem>>, %arg20: memref<!tpu.dma_semaphore, #tpu.memory_space<semaphore_mem>>, %arg21: memref<!tpu.dma_semaphore, #tpu.memory_space<semaphore_mem>>) attributes {dimension_semantics = [#tpu.dimension_semantics<core_parallel>, #tpu.dimension_semantics<subcore_parallel>], iteration_bounds = array<i64: 2, 16>, scalar_prefetch = 0 : i64, scratch_operands = 12 : i64, tpu.core_type = #tpu.core_type<sc_vector_subcore>, window_params = [{transform_indices = #map}, {transform_indices = #map}, {transform_indices = #map1}, {transform_indices = #map1}, {transform_indices = #map1}, {transform_indices = #map}, {transform_indices = #map}, {transform_indices = #map}]} {
    %mul3A = arith.constant 2 : i32
    %mul3A_0 = arith.muli %arg1, %mul3A : i32
    %add3A = arith.addi %mul3A_0, %arg0 : i32
    %mul3A_1 = arith.constant 5000 : i32
    %mul3A_2 = arith.muli %add3A, %mul3A_1 : i32
    %scan3A = arith.constant 0 : i32
    %scan3A_3 = arith.constant 0 : i32
    %scan3A_4 = arith.constant 25 : i32
    %scan3A_5 = arith.addi %scan3A_3, %scan3A_4 : i32
    %scan3A_6 = arith.constant 1 : i32
    scf.for %scan3A_16 = %scan3A_3 to %scan3A_5 step %scan3A_6  : i32 {
      %mul3A_17 = arith.constant 200 : i32
      %mul3A_18 = arith.muli %scan3A_16, %mul3A_17 : i32
      %add3A_19 = arith.addi %mul3A_2, %mul3A_18 : i32
      "tpu.region"() ({
        %run_scoped3A = tpu.sem_alloc : memref<!tpu.dma_semaphore, #tpu.memory_space<semaphore_mem>>
        %dma_start3A_55 = tpu.memref_slice %arg4[%add3A_19] : memref<480000xi32, #tpu.memory_space<hbm>> -> memref<200xi32, #tpu.memory_space<hbm>>
        %dma_start3A_56 = tpu.memref_slice %arg4[%add3A_19] : memref<480000xi32, #tpu.memory_space<hbm>> -> memref<200xi32, #tpu.memory_space<hbm>>
        tpu.enqueue_dma source(%dma_start3A_56 : memref<200xi32, #tpu.memory_space<hbm>>) target(%arg10 : memref<200xi32, #tpu.memory_space<vmem>>) target_semaphore(%run_scoped3A : memref<!tpu.dma_semaphore, #tpu.memory_space<semaphore_mem>>)
        %dma_wait3A_57 = tpu.memref_slice %arg4[%add3A_19] : memref<480000xi32, #tpu.memory_space<hbm>> -> memref<200xi32, #tpu.memory_space<hbm>>
        %dma_wait3A_58 = tpu.memref_slice %arg4[%add3A_19] : memref<480000xi32, #tpu.memory_space<hbm>> -> memref<200xi32, #tpu.memory_space<hbm>>
        tpu.wait_dma2 semaphore(%run_scoped3A : memref<!tpu.dma_semaphore, #tpu.memory_space<semaphore_mem>>) src(%dma_wait3A_58 : memref<200xi32, #tpu.memory_space<hbm>>) dst(%arg10 : memref<200xi32, #tpu.memory_space<vmem>>)
        tpu.yield
      }) : () -> ()
      %add3A_20 = arith.constant 160000 : i32
      %add3A_21 = arith.addi %add3A_20, %add3A_19 : i32
      "tpu.region"() ({
        %run_scoped3A = tpu.sem_alloc : memref<!tpu.dma_semaphore, #tpu.memory_space<semaphore_mem>>
        %dma_start3A_55 = tpu.memref_slice %arg4[%add3A_21] : memref<480000xi32, #tpu.memory_space<hbm>> -> memref<200xi32, #tpu.memory_space<hbm>>
        %dma_start3A_56 = tpu.memref_slice %arg4[%add3A_21] : memref<480000xi32, #tpu.memory_space<hbm>> -> memref<200xi32, #tpu.memory_space<hbm>>
        tpu.enqueue_dma source(%dma_start3A_56 : memref<200xi32, #tpu.memory_space<hbm>>) target(%arg11 : memref<200xi32, #tpu.memory_space<vmem>>) target_semaphore(%run_scoped3A : memref<!tpu.dma_semaphore, #tpu.memory_space<semaphore_mem>>)
        %dma_wait3A_57 = tpu.memref_slice %arg4[%add3A_21] : memref<480000xi32, #tpu.memory_space<hbm>> -> memref<200xi32, #tpu.memory_space<hbm>>
        %dma_wait3A_58 = tpu.memref_slice %arg4[%add3A_21] : memref<480000xi32, #tpu.memory_space<hbm>> -> memref<200xi32, #tpu.memory_space<hbm>>
        tpu.wait_dma2 semaphore(%run_scoped3A : memref<!tpu.dma_semaphore, #tpu.memory_space<semaphore_mem>>) src(%dma_wait3A_58 : memref<200xi32, #tpu.memory_space<hbm>>) dst(%arg11 : memref<200xi32, #tpu.memory_space<vmem>>)
        tpu.yield
      }) : () -> ()
      %add3A_22 = arith.constant 320000 : i32
      %add3A_23 = arith.addi %add3A_22, %add3A_19 : i32
      "tpu.region"() ({
        %run_scoped3A = tpu.sem_alloc : memref<!tpu.dma_semaphore, #tpu.memory_space<semaphore_mem>>
        %dma_start3A_55 = tpu.memref_slice %arg4[%add3A_23] : memref<480000xi32, #tpu.memory_space<hbm>> -> memref<200xi32, #tpu.memory_space<hbm>>
        %dma_start3A_56 = tpu.memref_slice %arg4[%add3A_23] : memref<480000xi32, #tpu.memory_space<hbm>> -> memref<200xi32, #tpu.memory_space<hbm>>
        tpu.enqueue_dma source(%dma_start3A_56 : memref<200xi32, #tpu.memory_space<hbm>>) target(%arg12 : memref<200xi32, #tpu.memory_space<vmem>>) target_semaphore(%run_scoped3A : memref<!tpu.dma_semaphore, #tpu.memory_space<semaphore_mem>>)
        %dma_wait3A_57 = tpu.memref_slice %arg4[%add3A_23] : memref<480000xi32, #tpu.memory_space<hbm>> -> memref<200xi32, #tpu.memory_space<hbm>>
        %dma_wait3A_58 = tpu.memref_slice %arg4[%add3A_23] : memref<480000xi32, #tpu.memory_space<hbm>> -> memref<200xi32, #tpu.memory_space<hbm>>
        tpu.wait_dma2 semaphore(%run_scoped3A : memref<!tpu.dma_semaphore, #tpu.memory_space<semaphore_mem>>) src(%dma_wait3A_58 : memref<200xi32, #tpu.memory_space<hbm>>) dst(%arg12 : memref<200xi32, #tpu.memory_space<vmem>>)
        tpu.yield
      }) : () -> ()
      "tpu.region"() ({
        %run_scoped3A = tpu.sem_alloc : memref<!tpu.dma_semaphore, #tpu.memory_space<semaphore_mem>>
        %dma_start3A_55 = tpu.memref_slice %arg5[%add3A_19] : memref<160000xi32, #tpu.memory_space<hbm>> -> memref<200xi32, #tpu.memory_space<hbm>>
        %dma_start3A_56 = tpu.memref_slice %arg5[%add3A_19] : memref<160000xi32, #tpu.memory_space<hbm>> -> memref<200xi32, #tpu.memory_space<hbm>>
        tpu.enqueue_dma source(%dma_start3A_56 : memref<200xi32, #tpu.memory_space<hbm>>) target(%arg13 : memref<200xi32, #tpu.memory_space<vmem>>) target_semaphore(%run_scoped3A : memref<!tpu.dma_semaphore, #tpu.memory_space<semaphore_mem>>)
        %dma_wait3A_57 = tpu.memref_slice %arg5[%add3A_19] : memref<160000xi32, #tpu.memory_space<hbm>> -> memref<200xi32, #tpu.memory_space<hbm>>
        %dma_wait3A_58 = tpu.memref_slice %arg5[%add3A_19] : memref<160000xi32, #tpu.memory_space<hbm>> -> memref<200xi32, #tpu.memory_space<hbm>>
        tpu.wait_dma2 semaphore(%run_scoped3A : memref<!tpu.dma_semaphore, #tpu.memory_space<semaphore_mem>>) src(%dma_wait3A_58 : memref<200xi32, #tpu.memory_space<hbm>>) dst(%arg13 : memref<200xi32, #tpu.memory_space<vmem>>)
        tpu.yield
      }) : () -> ()
      %dma_start3A = arith.constant 0 : i32
      %dma_start3A_24 = arith.constant 0 : i32
      %dma_start3A_25 = tpu.memref_slice %arg2[%dma_start3A, %dma_start3A_24] : memref<10000x128xf32, #tpu.memory_space<hbm>> -> memref<10000x128xf32, #tpu.memory_space<hbm>>
      tpu.enqueue_indirect_dma source(%dma_start3A_25 : memref<10000x128xf32, #tpu.memory_space<hbm>>) target(%arg14 : memref<200x128xf32, #tpu.memory_space<vmem>>) offsets(%arg10 : memref<200xi32, #tpu.memory_space<vmem>>) semaphore(%arg20 : memref<!tpu.dma_semaphore, #tpu.memory_space<semaphore_mem>>)
      %dma_start3A_26 = arith.constant 0 : i32
      %dma_start3A_27 = arith.constant 0 : i32
      %dma_start3A_28 = tpu.memref_slice %arg2[%dma_start3A_26, %dma_start3A_27] : memref<10000x128xf32, #tpu.memory_space<hbm>> -> memref<10000x128xf32, #tpu.memory_space<hbm>>
      tpu.enqueue_indirect_dma source(%dma_start3A_28 : memref<10000x128xf32, #tpu.memory_space<hbm>>) target(%arg15 : memref<200x128xf32, #tpu.memory_space<vmem>>) offsets(%arg11 : memref<200xi32, #tpu.memory_space<vmem>>) semaphore(%arg20 : memref<!tpu.dma_semaphore, #tpu.memory_space<semaphore_mem>>)
      %dma_start3A_29 = arith.constant 0 : i32
      %dma_start3A_30 = arith.constant 0 : i32
      %dma_start3A_31 = tpu.memref_slice %arg2[%dma_start3A_29, %dma_start3A_30] : memref<10000x128xf32, #tpu.memory_space<hbm>> -> memref<10000x128xf32, #tpu.memory_space<hbm>>
      tpu.enqueue_indirect_dma source(%dma_start3A_31 : memref<10000x128xf32, #tpu.memory_space<hbm>>) target(%arg16 : memref<200x128xf32, #tpu.memory_space<vmem>>) offsets(%arg12 : memref<200xi32, #tpu.memory_space<vmem>>) semaphore(%arg20 : memref<!tpu.dma_semaphore, #tpu.memory_space<semaphore_mem>>)
      %dma_start3A_32 = arith.constant 0 : i32
      %dma_start3A_33 = arith.constant 0 : i32
      %dma_start3A_34 = tpu.memref_slice %arg3[%dma_start3A_32, %dma_start3A_33] : memref<10000x128xf32, #tpu.memory_space<hbm>> -> memref<10000x128xf32, #tpu.memory_space<hbm>>
      tpu.enqueue_indirect_dma source(%dma_start3A_34 : memref<10000x128xf32, #tpu.memory_space<hbm>>) target(%arg17 : memref<200x128xf32, #tpu.memory_space<vmem>>) offsets(%arg13 : memref<200xi32, #tpu.memory_space<vmem>>) semaphore(%arg20 : memref<!tpu.dma_semaphore, #tpu.memory_space<semaphore_mem>>)
      %dma_wait3A = arith.constant 0 : i32
      %dma_wait3A_35 = arith.constant 0 : i32
      %dma_wait3A_36 = tpu.memref_slice %arg2[%dma_wait3A, %dma_wait3A_35] : memref<10000x128xf32, #tpu.memory_space<hbm>> -> memref<10000x128xf32, #tpu.memory_space<hbm>>
      tpu.wait_indirect_dma semaphore(%arg20 : memref<!tpu.dma_semaphore, #tpu.memory_space<semaphore_mem>>) src(%dma_wait3A_36 : memref<10000x128xf32, #tpu.memory_space<hbm>>) dst(%arg14 : memref<200x128xf32, #tpu.memory_space<vmem>>)
      %dma_wait3A_37 = arith.constant 0 : i32
      %dma_wait3A_38 = arith.constant 0 : i32
      %dma_wait3A_39 = tpu.memref_slice %arg2[%dma_wait3A_37, %dma_wait3A_38] : memref<10000x128xf32, #tpu.memory_space<hbm>> -> memref<10000x128xf32, #tpu.memory_space<hbm>>
      tpu.wait_indirect_dma semaphore(%arg20 : memref<!tpu.dma_semaphore, #tpu.memory_space<semaphore_mem>>) src(%dma_wait3A_39 : memref<10000x128xf32, #tpu.memory_space<hbm>>) dst(%arg15 : memref<200x128xf32, #tpu.memory_space<vmem>>)
      %dma_wait3A_40 = arith.constant 0 : i32
      %dma_wait3A_41 = arith.constant 0 : i32
      %dma_wait3A_42 = tpu.memref_slice %arg2[%dma_wait3A_40, %dma_wait3A_41] : memref<10000x128xf32, #tpu.memory_space<hbm>> -> memref<10000x128xf32, #tpu.memory_space<hbm>>
      tpu.wait_indirect_dma semaphore(%arg20 : memref<!tpu.dma_semaphore, #tpu.memory_space<semaphore_mem>>) src(%dma_wait3A_42 : memref<10000x128xf32, #tpu.memory_space<hbm>>) dst(%arg16 : memref<200x128xf32, #tpu.memory_space<vmem>>)
      %dma_wait3A_43 = arith.constant 0 : i32
      %dma_wait3A_44 = arith.constant 0 : i32
      %dma_wait3A_45 = tpu.memref_slice %arg3[%dma_wait3A_43, %dma_wait3A_44] : memref<10000x128xf32, #tpu.memory_space<hbm>> -> memref<10000x128xf32, #tpu.memory_space<hbm>>
      tpu.wait_indirect_dma semaphore(%arg20 : memref<!tpu.dma_semaphore, #tpu.memory_space<semaphore_mem>>) src(%dma_wait3A_45 : memref<10000x128xf32, #tpu.memory_space<hbm>>) dst(%arg17 : memref<200x128xf32, #tpu.memory_space<vmem>>)
      %scan3A_46 = arith.constant 0 : i32
      %scan3A_47 = arith.constant 0 : i32
      %scan3A_48 = arith.constant 100 : i32
      %scan3A_49 = arith.addi %scan3A_47, %scan3A_48 : i32
      %scan3A_50 = arith.constant 1 : i32
      scf.for %scan3A_55 = %scan3A_47 to %scan3A_49 step %scan3A_50  : i32 {
        %mul3A_56 = arith.constant 2 : i32
        %mul3A_57 = arith.muli %scan3A_55, %mul3A_56 : i32
        %add3A_58 = arith.constant 0 : i32
        %add3A_59 = arith.addi %mul3A_57, %add3A_58 : i32
        %get3A = arith.index_cast %add3A_59 : i32 to index
        %get3A_60 = arith.constant 0 : index
        %get3A_61 = tpu.vector_load %arg14[%get3A, %get3A_60] {strides = array<i32>} : memref<200x128xf32, #tpu.memory_space<vmem>>, vector<1x16xf32>,
        %get3A_62 = vector.shape_cast %get3A_61 : vector<1x16xf32> to vector<16xf32>
        %get3A_63 = arith.index_cast %add3A_59 : i32 to index
        %get3A_64 = arith.constant 0 : index
        %get3A_65 = tpu.vector_load %arg15[%get3A_63, %get3A_64] {strides = array<i32>} : memref<200x128xf32, #tpu.memory_space<vmem>>, vector<1x16xf32>,
        %get3A_66 = vector.shape_cast %get3A_65 : vector<1x16xf32> to vector<16xf32>
        %add3A_67 = arith.addf %get3A_62, %get3A_66 : vector<16xf32>
        %get3A_68 = arith.index_cast %add3A_59 : i32 to index
        %get3A_69 = arith.constant 0 : index
        %get3A_70 = tpu.vector_load %arg16[%get3A_68, %get3A_69] {strides = array<i32>} : memref<200x128xf32, #tpu.memory_space<vmem>>, vector<1x16xf32>,
        %get3A_71 = vector.shape_cast %get3A_70 : vector<1x16xf32> to vector<16xf32>
        %add3A_72 = arith.addf %add3A_67, %get3A_71 : vector<16xf32>
        %mul3A_73 = arith.constant 0.333333343 : f32
        %mul3A_74 = vector.broadcast %mul3A_73 : f32 to vector<16xf32>
        %mul3A_75 = arith.mulf %add3A_72, %mul3A_74 : vector<16xf32>
        %get3A_76 = arith.index_cast %add3A_59 : i32 to index
        %get3A_77 = arith.constant 0 : index
        %get3A_78 = tpu.vector_load %arg17[%get3A_76, %get3A_77] {strides = array<i32>} : memref<200x128xf32, #tpu.memory_space<vmem>>, vector<1x16xf32>,
        %get3A_79 = vector.shape_cast %get3A_78 : vector<1x16xf32> to vector<16xf32>
        %add3A_80 = arith.addf %mul3A_75, %get3A_79 : vector<16xf32>
        %swap3A = arith.index_cast %add3A_59 : i32 to index
        %swap3A_81 = arith.constant 0 : index
        %swap3A_82 = tpu.vector_load %arg14[%swap3A, %swap3A_81] {strides = array<i32>} : memref<200x128xf32, #tpu.memory_space<vmem>>, vector<1x16xf32>,
        %swap3A_83 = vector.shape_cast %swap3A_82 : vector<1x16xf32> to vector<16xf32>
        %swap3A_84 = vector.shape_cast %add3A_80 : vector<16xf32> to vector<1x16xf32>
        tpu.vector_store %arg14[%swap3A, %swap3A_81], %swap3A_84 {strides = array<i32>} : memref<200x128xf32, #tpu.memory_space<vmem>>, vector<1x16xf32>,
        %get3A_85 = arith.index_cast %add3A_59 : i32 to index
        %get3A_86 = arith.constant 16 : index
        %get3A_87 = tpu.vector_load %arg14[%get3A_85, %get3A_86] {strides = array<i32>} : memref<200x128xf32, #tpu.memory_space<vmem>>, vector<1x16xf32>,
        %get3A_88 = vector.shape_cast %get3A_87 : vector<1x16xf32> to vector<16xf32>
        %get3A_89 = arith.index_cast %add3A_59 : i32 to index
        %get3A_90 = arith.constant 16 : index
        %get3A_91 = tpu.vector_load %arg15[%get3A_89, %get3A_90] {strides = array<i32>} : memref<200x128xf32, #tpu.memory_space<vmem>>, vector<1x16xf32>,
        %get3A_92 = vector.shape_cast %get3A_91 : vector<1x16xf32> to vector<16xf32>
        %add3A_93 = arith.addf %get3A_88, %get3A_92 : vector<16xf32>
        %get3A_94 = arith.index_cast %add3A_59 : i32 to index
        %get3A_95 = arith.constant 16 : index
        %get3A_96 = tpu.vector_load %arg16[%get3A_94, %get3A_95] {strides = array<i32>} : memref<200x128xf32, #tpu.memory_space<vmem>>, vector<1x16xf32>,
        %get3A_97 = vector.shape_cast %get3A_96 : vector<1x16xf32> to vector<16xf32>
        %add3A_98 = arith.addf %add3A_93, %get3A_97 : vector<16xf32>
        %mul3A_99 = arith.constant 0.333333343 : f32
        %mul3A_100 = vector.broadcast %mul3A_99 : f32 to vector<16xf32>
        %mul3A_101 = arith.mulf %add3A_98, %mul3A_100 : vector<16xf32>
        %get3A_102 = arith.index_cast %add3A_59 : i32 to index
        %get3A_103 = arith.constant 16 : index
        %get3A_104 = tpu.vector_load %arg17[%get3A_102, %get3A_103] {strides = array<i32>} : memref<200x128xf32, #tpu.memory_space<vmem>>, vector<1x16xf32>,
        %get3A_105 = vector.shape_cast %get3A_104 : vector<1x16xf32> to vector<16xf32>
        %add3A_106 = arith.addf %mul3A_101, %get3A_105 : vector<16xf32>
        %swap3A_107 = arith.index_cast %add3A_59 : i32 to index
        %swap3A_108 = arith.constant 16 : index
        %swap3A_109 = tpu.vector_load %arg14[%swap3A_107, %swap3A_108] {strides = array<i32>} : memref<200x128xf32, #tpu.memory_space<vmem>>, vector<1x16xf32>,
        %swap3A_110 = vector.shape_cast %swap3A_109 : vector<1x16xf32> to vector<16xf32>
        %swap3A_111 = vector.shape_cast %add3A_106 : vector<16xf32> to vector<1x16xf32>
        tpu.vector_store %arg14[%swap3A_107, %swap3A_108], %swap3A_111 {strides = array<i32>} : memref<200x128xf32, #tpu.memory_space<vmem>>, vector<1x16xf32>,
        %get3A_112 = arith.index_cast %add3A_59 : i32 to index
        %get3A_113 = arith.constant 32 : index
        %get3A_114 = tpu.vector_load %arg14[%get3A_112, %get3A_113] {strides = array<i32>} : memref<200x128xf32, #tpu.memory_space<vmem>>, vector<1x16xf32>,
        %get3A_115 = vector.shape_cast %get3A_114 : vector<1x16xf32> to vector<16xf32>
        %get3A_116 = arith.index_cast %add3A_59 : i32 to index
        %get3A_117 = arith.constant 32 : index
        %get3A_118 = tpu.vector_load %arg15[%get3A_116, %get3A_117] {strides = array<i32>} : memref<200x128xf32, #tpu.memory_space<vmem>>, vector<1x16xf32>,
        %get3A_119 = vector.shape_cast %get3A_118 : vector<1x16xf32> to vector<16xf32>
        %add3A_120 = arith.addf %get3A_115, %get3A_119 : vector<16xf32>
        %get3A_121 = arith.index_cast %add3A_59 : i32 to index
        %get3A_122 = arith.constant 32 : index
        %get3A_123 = tpu.vector_load %arg16[%get3A_121, %get3A_122] {strides = array<i32>} : memref<200x128xf32, #tpu.memory_space<vmem>>, vector<1x16xf32>,
        %get3A_124 = vector.shape_cast %get3A_123 : vector<1x16xf32> to vector<16xf32>
        %add3A_125 = arith.addf %add3A_120, %get3A_124 : vector<16xf32>
        %mul3A_126 = arith.constant 0.333333343 : f32
        %mul3A_127 = vector.broadcast %mul3A_126 : f32 to vector<16xf32>
        %mul3A_128 = arith.mulf %add3A_125, %mul3A_127 : vector<16xf32>
        %get3A_129 = arith.index_cast %add3A_59 : i32 to index
        %get3A_130 = arith.constant 32 : index
        %get3A_131 = tpu.vector_load %arg17[%get3A_129, %get3A_130] {strides = array<i32>} : memref<200x128xf32, #tpu.memory_space<vmem>>, vector<1x16xf32>,
        %get3A_132 = vector.shape_cast %get3A_131 : vector<1x16xf32> to vector<16xf32>
        %add3A_133 = arith.addf %mul3A_128, %get3A_132 : vector<16xf32>
        %swap3A_134 = arith.index_cast %add3A_59 : i32 to index
        %swap3A_135 = arith.constant 32 : index
        %swap3A_136 = tpu.vector_load %arg14[%swap3A_134, %swap3A_135] {strides = array<i32>} : memref<200x128xf32, #tpu.memory_space<vmem>>, vector<1x16xf32>,
        %swap3A_137 = vector.shape_cast %swap3A_136 : vector<1x16xf32> to vector<16xf32>
        %swap3A_138 = vector.shape_cast %add3A_133 : vector<16xf32> to vector<1x16xf32>
        tpu.vector_store %arg14[%swap3A_134, %swap3A_135], %swap3A_138 {strides = array<i32>} : memref<200x128xf32, #tpu.memory_space<vmem>>, vector<1x16xf32>,
        %get3A_139 = arith.index_cast %add3A_59 : i32 to index
        %get3A_140 = arith.constant 48 : index
        %get3A_141 = tpu.vector_load %arg14[%get3A_139, %get3A_140] {strides = array<i32>} : memref<200x128xf32, #tpu.memory_space<vmem>>, vector<1x16xf32>,
        %get3A_142 = vector.shape_cast %get3A_141 : vector<1x16xf32> to vector<16xf32>
        %get3A_143 = arith.index_cast %add3A_59 : i32 to index
        %get3A_144 = arith.constant 48 : index
        %get3A_145 = tpu.vector_load %arg15[%get3A_143, %get3A_144] {strides = array<i32>} : memref<200x128xf32, #tpu.memory_space<vmem>>, vector<1x16xf32>,
        %get3A_146 = vector.shape_cast %get3A_145 : vector<1x16xf32> to vector<16xf32>
        %add3A_147 = arith.addf %get3A_142, %get3A_146 : vector<16xf32>
        %get3A_148 = arith.index_cast %add3A_59 : i32 to index
        %get3A_149 = arith.constant 48 : index
        %get3A_150 = tpu.vector_load %arg16[%get3A_148, %get3A_149] {strides = array<i32>} : memref<200x128xf32, #tpu.memory_space<vmem>>, vector<1x16xf32>,
        %get3A_151 = vector.shape_cast %get3A_150 : vector<1x16xf32> to vector<16xf32>
        %add3A_152 = arith.addf %add3A_147, %get3A_151 : vector<16xf32>
        %mul3A_153 = arith.constant 0.333333343 : f32
        %mul3A_154 = vector.broadcast %mul3A_153 : f32 to vector<16xf32>
        %mul3A_155 = arith.mulf %add3A_152, %mul3A_154 : vector<16xf32>
        %get3A_156 = arith.index_cast %add3A_59 : i32 to index
        %get3A_157 = arith.constant 48 : index
        %get3A_158 = tpu.vector_load %arg17[%get3A_156, %get3A_157] {strides = array<i32>} : memref<200x128xf32, #tpu.memory_space<vmem>>, vector<1x16xf32>,
        %get3A_159 = vector.shape_cast %get3A_158 : vector<1x16xf32> to vector<16xf32>
        %add3A_160 = arith.addf %mul3A_155, %get3A_159 : vector<16xf32>
        %swap3A_161 = arith.index_cast %add3A_59 : i32 to index
        %swap3A_162 = arith.constant 48 : index
        %swap3A_163 = tpu.vector_load %arg14[%swap3A_161, %swap3A_162] {strides = array<i32>} : memref<200x128xf32, #tpu.memory_space<vmem>>, vector<1x16xf32>,
        %swap3A_164 = vector.shape_cast %swap3A_163 : vector<1x16xf32> to vector<16xf32>
        %swap3A_165 = vector.shape_cast %add3A_160 : vector<16xf32> to vector<1x16xf32>
        tpu.vector_store %arg14[%swap3A_161, %swap3A_162], %swap3A_165 {strides = array<i32>} : memref<200x128xf32, #tpu.memory_space<vmem>>, vector<1x16xf32>,
        %get3A_166 = arith.index_cast %add3A_59 : i32 to index
        %get3A_167 = arith.constant 64 : index
        %get3A_168 = tpu.vector_load %arg14[%get3A_166, %get3A_167] {strides = array<i32>} : memref<200x128xf32, #tpu.memory_space<vmem>>, vector<1x16xf32>,
        %get3A_169 = vector.shape_cast %get3A_168 : vector<1x16xf32> to vector<16xf32>
        %get3A_170 = arith.index_cast %add3A_59 : i32 to index
        %get3A_171 = arith.constant 64 : index
        %get3A_172 = tpu.vector_load %arg15[%get3A_170, %get3A_171] {strides = array<i32>} : memref<200x128xf32, #tpu.memory_space<vmem>>, vector<1x16xf32>,
        %get3A_173 = vector.shape_cast %get3A_172 : vector<1x16xf32> to vector<16xf32>
        %add3A_174 = arith.addf %get3A_169, %get3A_173 : vector<16xf32>
        %get3A_175 = arith.index_cast %add3A_59 : i32 to index
        %get3A_176 = arith.constant 64 : index
        %get3A_177 = tpu.vector_load %arg16[%get3A_175, %get3A_176] {strides = array<i32>} : memref<200x128xf32, #tpu.memory_space<vmem>>, vector<1x16xf32>,
        %get3A_178 = vector.shape_cast %get3A_177 : vector<1x16xf32> to vector<16xf32>
        %add3A_179 = arith.addf %add3A_174, %get3A_178 : vector<16xf32>
        %mul3A_180 = arith.constant 0.333333343 : f32
        %mul3A_181 = vector.broadcast %mul3A_180 : f32 to vector<16xf32>
        %mul3A_182 = arith.mulf %add3A_179, %mul3A_181 : vector<16xf32>
        %get3A_183 = arith.index_cast %add3A_59 : i32 to index
        %get3A_184 = arith.constant 64 : index
        %get3A_185 = tpu.vector_load %arg17[%get3A_183, %get3A_184] {strides = array<i32>} : memref<200x128xf32, #tpu.memory_space<vmem>>, vector<1x16xf32>,
        %get3A_186 = vector.shape_cast %get3A_185 : vector<1x16xf32> to vector<16xf32>
        %add3A_187 = arith.addf %mul3A_182, %get3A_186 : vector<16xf32>
        %swap3A_188 = arith.index_cast %add3A_59 : i32 to index
        %swap3A_189 = arith.constant 64 : index
        %swap3A_190 = tpu.vector_load %arg14[%swap3A_188, %swap3A_189] {strides = array<i32>} : memref<200x128xf32, #tpu.memory_space<vmem>>, vector<1x16xf32>,
        %swap3A_191 = vector.shape_cast %swap3A_190 : vector<1x16xf32> to vector<16xf32>
        %swap3A_192 = vector.shape_cast %add3A_187 : vector<16xf32> to vector<1x16xf32>
        tpu.vector_store %arg14[%swap3A_188, %swap3A_189], %swap3A_192 {strides = array<i32>} : memref<200x128xf32, #tpu.memory_space<vmem>>, vector<1x16xf32>,
        %get3A_193 = arith.index_cast %add3A_59 : i32 to index
        %get3A_194 = arith.constant 80 : index
        %get3A_195 = tpu.vector_load %arg14[%get3A_193, %get3A_194] {strides = array<i32>} : memref<200x128xf32, #tpu.memory_space<vmem>>, vector<1x16xf32>,
        %get3A_196 = vector.shape_cast %get3A_195 : vector<1x16xf32> to vector<16xf32>
        %get3A_197 = arith.index_cast %add3A_59 : i32 to index
        %get3A_198 = arith.constant 80 : index
        %get3A_199 = tpu.vector_load %arg15[%get3A_197, %get3A_198] {strides = array<i32>} : memref<200x128xf32, #tpu.memory_space<vmem>>, vector<1x16xf32>,
        %get3A_200 = vector.shape_cast %get3A_199 : vector<1x16xf32> to vector<16xf32>
        %add3A_201 = arith.addf %get3A_196, %get3A_200 : vector<16xf32>
        %get3A_202 = arith.index_cast %add3A_59 : i32 to index
        %get3A_203 = arith.constant 80 : index
        %get3A_204 = tpu.vector_load %arg16[%get3A_202, %get3A_203] {strides = array<i32>} : memref<200x128xf32, #tpu.memory_space<vmem>>, vector<1x16xf32>,
        %get3A_205 = vector.shape_cast %get3A_204 : vector<1x16xf32> to vector<16xf32>
        %add3A_206 = arith.addf %add3A_201, %get3A_205 : vector<16xf32>
        %mul3A_207 = arith.constant 0.333333343 : f32
        %mul3A_208 = vector.broadcast %mul3A_207 : f32 to vector<16xf32>
        %mul3A_209 = arith.mulf %add3A_206, %mul3A_208 : vector<16xf32>
        %get3A_210 = arith.index_cast %add3A_59 : i32 to index
        %get3A_211 = arith.constant 80 : index
        %get3A_212 = tpu.vector_load %arg17[%get3A_210, %get3A_211] {strides = array<i32>} : memref<200x128xf32, #tpu.memory_space<vmem>>, vector<1x16xf32>,
        %get3A_213 = vector.shape_cast %get3A_212 : vector<1x16xf32> to vector<16xf32>
        %add3A_214 = arith.addf %mul3A_209, %get3A_213 : vector<16xf32>
        %swap3A_215 = arith.index_cast %add3A_59 : i32 to index
        %swap3A_216 = arith.constant 80 : index
        %swap3A_217 = tpu.vector_load %arg14[%swap3A_215, %swap3A_216] {strides = array<i32>} : memref<200x128xf32, #tpu.memory_space<vmem>>, vector<1x16xf32>,
        %swap3A_218 = vector.shape_cast %swap3A_217 : vector<1x16xf32> to vector<16xf32>
        %swap3A_219 = vector.shape_cast %add3A_214 : vector<16xf32> to vector<1x16xf32>
        tpu.vector_store %arg14[%swap3A_215, %swap3A_216], %swap3A_219 {strides = array<i32>} : memref<200x128xf32, #tpu.memory_space<vmem>>, vector<1x16xf32>,
        %get3A_220 = arith.index_cast %add3A_59 : i32 to index
        %get3A_221 = arith.constant 96 : index
        %get3A_222 = tpu.vector_load %arg14[%get3A_220, %get3A_221] {strides = array<i32>} : memref<200x128xf32, #tpu.memory_space<vmem>>, vector<1x16xf32>,
        %get3A_223 = vector.shape_cast %get3A_222 : vector<1x16xf32> to vector<16xf32>
        %get3A_224 = arith.index_cast %add3A_59 : i32 to index
        %get3A_225 = arith.constant 96 : index
        %get3A_226 = tpu.vector_load %arg15[%get3A_224, %get3A_225] {strides = array<i32>} : memref<200x128xf32, #tpu.memory_space<vmem>>, vector<1x16xf32>,
        %get3A_227 = vector.shape_cast %get3A_226 : vector<1x16xf32> to vector<16xf32>
        %add3A_228 = arith.addf %get3A_223, %get3A_227 : vector<16xf32>
        %get3A_229 = arith.index_cast %add3A_59 : i32 to index
        %get3A_230 = arith.constant 96 : index
        %get3A_231 = tpu.vector_load %arg16[%get3A_229, %get3A_230] {strides = array<i32>} : memref<200x128xf32, #tpu.memory_space<vmem>>, vector<1x16xf32>,
        %get3A_232 = vector.shape_cast %get3A_231 : vector<1x16xf32> to vector<16xf32>
        %add3A_233 = arith.addf %add3A_228, %get3A_232 : vector<16xf32>
        %mul3A_234 = arith.constant 0.333333343 : f32
        %mul3A_235 = vector.broadcast %mul3A_234 : f32 to vector<16xf32>
        %mul3A_236 = arith.mulf %add3A_233, %mul3A_235 : vector<16xf32>
        %get3A_237 = arith.index_cast %add3A_59 : i32 to index
        %get3A_238 = arith.constant 96 : index
        %get3A_239 = tpu.vector_load %arg17[%get3A_237, %get3A_238] {strides = array<i32>} : memref<200x128xf32, #tpu.memory_space<vmem>>, vector<1x16xf32>,
        %get3A_240 = vector.shape_cast %get3A_239 : vector<1x16xf32> to vector<16xf32>
        %add3A_241 = arith.addf %mul3A_236, %get3A_240 : vector<16xf32>
        %swap3A_242 = arith.index_cast %add3A_59 : i32 to index
        %swap3A_243 = arith.constant 96 : index
        %swap3A_244 = tpu.vector_load %arg14[%swap3A_242, %swap3A_243] {strides = array<i32>} : memref<200x128xf32, #tpu.memory_space<vmem>>, vector<1x16xf32>,
        %swap3A_245 = vector.shape_cast %swap3A_244 : vector<1x16xf32> to vector<16xf32>
        %swap3A_246 = vector.shape_cast %add3A_241 : vector<16xf32> to vector<1x16xf32>
        tpu.vector_store %arg14[%swap3A_242, %swap3A_243], %swap3A_246 {strides = array<i32>} : memref<200x128xf32, #tpu.memory_space<vmem>>, vector<1x16xf32>,
        %get3A_247 = arith.index_cast %add3A_59 : i32 to index
        %get3A_248 = arith.constant 112 : index
        %get3A_249 = tpu.vector_load %arg14[%get3A_247, %get3A_248] {strides = array<i32>} : memref<200x128xf32, #tpu.memory_space<vmem>>, vector<1x16xf32>,
        %get3A_250 = vector.shape_cast %get3A_249 : vector<1x16xf32> to vector<16xf32>
        %get3A_251 = arith.index_cast %add3A_59 : i32 to index
        %get3A_252 = arith.constant 112 : index
        %get3A_253 = tpu.vector_load %arg15[%get3A_251, %get3A_252] {strides = array<i32>} : memref<200x128xf32, #tpu.memory_space<vmem>>, vector<1x16xf32>,
        %get3A_254 = vector.shape_cast %get3A_253 : vector<1x16xf32> to vector<16xf32>
        %add3A_255 = arith.addf %get3A_250, %get3A_254 : vector<16xf32>
        %get3A_256 = arith.index_cast %add3A_59 : i32 to index
        %get3A_257 = arith.constant 112 : index
        %get3A_258 = tpu.vector_load %arg16[%get3A_256, %get3A_257] {strides = array<i32>} : memref<200x128xf32, #tpu.memory_space<vmem>>, vector<1x16xf32>,
        %get3A_259 = vector.shape_cast %get3A_258 : vector<1x16xf32> to vector<16xf32>
        %add3A_260 = arith.addf %add3A_255, %get3A_259 : vector<16xf32>
        %mul3A_261 = arith.constant 0.333333343 : f32
        %mul3A_262 = vector.broadcast %mul3A_261 : f32 to vector<16xf32>
        %mul3A_263 = arith.mulf %add3A_260, %mul3A_262 : vector<16xf32>
        %get3A_264 = arith.index_cast %add3A_59 : i32 to index
        %get3A_265 = arith.constant 112 : index
        %get3A_266 = tpu.vector_load %arg17[%get3A_264, %get3A_265] {strides = array<i32>} : memref<200x128xf32, #tpu.memory_space<vmem>>, vector<1x16xf32>,
        %get3A_267 = vector.shape_cast %get3A_266 : vector<1x16xf32> to vector<16xf32>
        %add3A_268 = arith.addf %mul3A_263, %get3A_267 : vector<16xf32>
        %swap3A_269 = arith.index_cast %add3A_59 : i32 to index
        %swap3A_270 = arith.constant 112 : index
        %swap3A_271 = tpu.vector_load %arg14[%swap3A_269, %swap3A_270] {strides = array<i32>} : memref<200x128xf32, #tpu.memory_space<vmem>>, vector<1x16xf32>,
        %swap3A_272 = vector.shape_cast %swap3A_271 : vector<1x16xf32> to vector<16xf32>
        %swap3A_273 = vector.shape_cast %add3A_268 : vector<16xf32> to vector<1x16xf32>
        tpu.vector_store %arg14[%swap3A_269, %swap3A_270], %swap3A_273 {strides = array<i32>} : memref<200x128xf32, #tpu.memory_space<vmem>>, vector<1x16xf32>,
        %mul3A_274 = arith.constant 2 : i32
        %mul3A_275 = arith.muli %scan3A_55, %mul3A_274 : i32
        %add3A_276 = arith.constant 1 : i32
        %add3A_277 = arith.addi %mul3A_275, %add3A_276 : i32
        %get3A_278 = arith.index_cast %add3A_277 : i32 to index
        %get3A_279 = arith.constant 0 : index
        %get3A_280 = tpu.vector_load %arg14[%get3A_278, %get3A_279] {strides = array<i32>} : memref<200x128xf32, #tpu.memory_space<vmem>>, vector<1x16xf32>,
        %get3A_281 = vector.shape_cast %get3A_280 : vector<1x16xf32> to vector<16xf32>
        %get3A_282 = arith.index_cast %add3A_277 : i32 to index
        %get3A_283 = arith.constant 0 : index
        %get3A_284 = tpu.vector_load %arg15[%get3A_282, %get3A_283] {strides = array<i32>} : memref<200x128xf32, #tpu.memory_space<vmem>>, vector<1x16xf32>,
        %get3A_285 = vector.shape_cast %get3A_284 : vector<1x16xf32> to vector<16xf32>
        %add3A_286 = arith.addf %get3A_281, %get3A_285 : vector<16xf32>
        %get3A_287 = arith.index_cast %add3A_277 : i32 to index
        %get3A_288 = arith.constant 0 : index
        %get3A_289 = tpu.vector_load %arg16[%get3A_287, %get3A_288] {strides = array<i32>} : memref<200x128xf32, #tpu.memory_space<vmem>>, vector<1x16xf32>,
        %get3A_290 = vector.shape_cast %get3A_289 : vector<1x16xf32> to vector<16xf32>
        %add3A_291 = arith.addf %add3A_286, %get3A_290 : vector<16xf32>
        %mul3A_292 = arith.constant 0.333333343 : f32
        %mul3A_293 = vector.broadcast %mul3A_292 : f32 to vector<16xf32>
        %mul3A_294 = arith.mulf %add3A_291, %mul3A_293 : vector<16xf32>
        %get3A_295 = arith.index_cast %add3A_277 : i32 to index
        %get3A_296 = arith.constant 0 : index
        %get3A_297 = tpu.vector_load %arg17[%get3A_295, %get3A_296] {strides = array<i32>} : memref<200x128xf32, #tpu.memory_space<vmem>>, vector<1x16xf32>,
        %get3A_298 = vector.shape_cast %get3A_297 : vector<1x16xf32> to vector<16xf32>
        %add3A_299 = arith.addf %mul3A_294, %get3A_298 : vector<16xf32>
        %swap3A_300 = arith.index_cast %add3A_277 : i32 to index
        %swap3A_301 = arith.constant 0 : index
        %swap3A_302 = tpu.vector_load %arg14[%swap3A_300, %swap3A_301] {strides = array<i32>} : memref<200x128xf32, #tpu.memory_space<vmem>>, vector<1x16xf32>,
        %swap3A_303 = vector.shape_cast %swap3A_302 : vector<1x16xf32> to vector<16xf32>
        %swap3A_304 = vector.shape_cast %add3A_299 : vector<16xf32> to vector<1x16xf32>
        tpu.vector_store %arg14[%swap3A_300, %swap3A_301], %swap3A_304 {strides = array<i32>} : memref<200x128xf32, #tpu.memory_space<vmem>>, vector<1x16xf32>,
        %get3A_305 = arith.index_cast %add3A_277 : i32 to index
        %get3A_306 = arith.constant 16 : index
        %get3A_307 = tpu.vector_load %arg14[%get3A_305, %get3A_306] {strides = array<i32>} : memref<200x128xf32, #tpu.memory_space<vmem>>, vector<1x16xf32>,
        %get3A_308 = vector.shape_cast %get3A_307 : vector<1x16xf32> to vector<16xf32>
        %get3A_309 = arith.index_cast %add3A_277 : i32 to index
        %get3A_310 = arith.constant 16 : index
        %get3A_311 = tpu.vector_load %arg15[%get3A_309, %get3A_310] {strides = array<i32>} : memref<200x128xf32, #tpu.memory_space<vmem>>, vector<1x16xf32>,
        %get3A_312 = vector.shape_cast %get3A_311 : vector<1x16xf32> to vector<16xf32>
        %add3A_313 = arith.addf %get3A_308, %get3A_312 : vector<16xf32>
        %get3A_314 = arith.index_cast %add3A_277 : i32 to index
        %get3A_315 = arith.constant 16 : index
        %get3A_316 = tpu.vector_load %arg16[%get3A_314, %get3A_315] {strides = array<i32>} : memref<200x128xf32, #tpu.memory_space<vmem>>, vector<1x16xf32>,
        %get3A_317 = vector.shape_cast %get3A_316 : vector<1x16xf32> to vector<16xf32>
        %add3A_318 = arith.addf %add3A_313, %get3A_317 : vector<16xf32>
        %mul3A_319 = arith.constant 0.333333343 : f32
        %mul3A_320 = vector.broadcast %mul3A_319 : f32 to vector<16xf32>
        %mul3A_321 = arith.mulf %add3A_318, %mul3A_320 : vector<16xf32>
        %get3A_322 = arith.index_cast %add3A_277 : i32 to index
        %get3A_323 = arith.constant 16 : index
        %get3A_324 = tpu.vector_load %arg17[%get3A_322, %get3A_323] {strides = array<i32>} : memref<200x128xf32, #tpu.memory_space<vmem>>, vector<1x16xf32>,
        %get3A_325 = vector.shape_cast %get3A_324 : vector<1x16xf32> to vector<16xf32>
        %add3A_326 = arith.addf %mul3A_321, %get3A_325 : vector<16xf32>
        %swap3A_327 = arith.index_cast %add3A_277 : i32 to index
        %swap3A_328 = arith.constant 16 : index
        %swap3A_329 = tpu.vector_load %arg14[%swap3A_327, %swap3A_328] {strides = array<i32>} : memref<200x128xf32, #tpu.memory_space<vmem>>, vector<1x16xf32>,
        %swap3A_330 = vector.shape_cast %swap3A_329 : vector<1x16xf32> to vector<16xf32>
        %swap3A_331 = vector.shape_cast %add3A_326 : vector<16xf32> to vector<1x16xf32>
        tpu.vector_store %arg14[%swap3A_327, %swap3A_328], %swap3A_331 {strides = array<i32>} : memref<200x128xf32, #tpu.memory_space<vmem>>, vector<1x16xf32>,
        %get3A_332 = arith.index_cast %add3A_277 : i32 to index
        %get3A_333 = arith.constant 32 : index
        %get3A_334 = tpu.vector_load %arg14[%get3A_332, %get3A_333] {strides = array<i32>} : memref<200x128xf32, #tpu.memory_space<vmem>>, vector<1x16xf32>,
        %get3A_335 = vector.shape_cast %get3A_334 : vector<1x16xf32> to vector<16xf32>
        %get3A_336 = arith.index_cast %add3A_277 : i32 to index
        %get3A_337 = arith.constant 32 : index
        %get3A_338 = tpu.vector_load %arg15[%get3A_336, %get3A_337] {strides = array<i32>} : memref<200x128xf32, #tpu.memory_space<vmem>>, vector<1x16xf32>,
        %get3A_339 = vector.shape_cast %get3A_338 : vector<1x16xf32> to vector<16xf32>
        %add3A_340 = arith.addf %get3A_335, %get3A_339 : vector<16xf32>
        %get3A_341 = arith.index_cast %add3A_277 : i32 to index
        %get3A_342 = arith.constant 32 : index
        %get3A_343 = tpu.vector_load %arg16[%get3A_341, %get3A_342] {strides = array<i32>} : memref<200x128xf32, #tpu.memory_space<vmem>>, vector<1x16xf32>,
        %get3A_344 = vector.shape_cast %get3A_343 : vector<1x16xf32> to vector<16xf32>
        %add3A_345 = arith.addf %add3A_340, %get3A_344 : vector<16xf32>
        %mul3A_346 = arith.constant 0.333333343 : f32
        %mul3A_347 = vector.broadcast %mul3A_346 : f32 to vector<16xf32>
        %mul3A_348 = arith.mulf %add3A_345, %mul3A_347 : vector<16xf32>
        %get3A_349 = arith.index_cast %add3A_277 : i32 to index
        %get3A_350 = arith.constant 32 : index
        %get3A_351 = tpu.vector_load %arg17[%get3A_349, %get3A_350] {strides = array<i32>} : memref<200x128xf32, #tpu.memory_space<vmem>>, vector<1x16xf32>,
        %get3A_352 = vector.shape_cast %get3A_351 : vector<1x16xf32> to vector<16xf32>
        %add3A_353 = arith.addf %mul3A_348, %get3A_352 : vector<16xf32>
        %swap3A_354 = arith.index_cast %add3A_277 : i32 to index
        %swap3A_355 = arith.constant 32 : index
        %swap3A_356 = tpu.vector_load %arg14[%swap3A_354, %swap3A_355] {strides = array<i32>} : memref<200x128xf32, #tpu.memory_space<vmem>>, vector<1x16xf32>,
        %swap3A_357 = vector.shape_cast %swap3A_356 : vector<1x16xf32> to vector<16xf32>
        %swap3A_358 = vector.shape_cast %add3A_353 : vector<16xf32> to vector<1x16xf32>
        tpu.vector_store %arg14[%swap3A_354, %swap3A_355], %swap3A_358 {strides = array<i32>} : memref<200x128xf32, #tpu.memory_space<vmem>>, vector<1x16xf32>,
        %get3A_359 = arith.index_cast %add3A_277 : i32 to index
        %get3A_360 = arith.constant 48 : index
        %get3A_361 = tpu.vector_load %arg14[%get3A_359, %get3A_360] {strides = array<i32>} : memref<200x128xf32, #tpu.memory_space<vmem>>, vector<1x16xf32>,
        %get3A_362 = vector.shape_cast %get3A_361 : vector<1x16xf32> to vector<16xf32>
        %get3A_363 = arith.index_cast %add3A_277 : i32 to index
        %get3A_364 = arith.constant 48 : index
        %get3A_365 = tpu.vector_load %arg15[%get3A_363, %get3A_364] {strides = array<i32>} : memref<200x128xf32, #tpu.memory_space<vmem>>, vector<1x16xf32>,
        %get3A_366 = vector.shape_cast %get3A_365 : vector<1x16xf32> to vector<16xf32>
        %add3A_367 = arith.addf %get3A_362, %get3A_366 : vector<16xf32>
        %get3A_368 = arith.index_cast %add3A_277 : i32 to index
        %get3A_369 = arith.constant 48 : index
        %get3A_370 = tpu.vector_load %arg16[%get3A_368, %get3A_369] {strides = array<i32>} : memref<200x128xf32, #tpu.memory_space<vmem>>, vector<1x16xf32>,
        %get3A_371 = vector.shape_cast %get3A_370 : vector<1x16xf32> to vector<16xf32>
        %add3A_372 = arith.addf %add3A_367, %get3A_371 : vector<16xf32>
        %mul3A_373 = arith.constant 0.333333343 : f32
        %mul3A_374 = vector.broadcast %mul3A_373 : f32 to vector<16xf32>
        %mul3A_375 = arith.mulf %add3A_372, %mul3A_374 : vector<16xf32>
        %get3A_376 = arith.index_cast %add3A_277 : i32 to index
        %get3A_377 = arith.constant 48 : index
        %get3A_378 = tpu.vector_load %arg17[%get3A_376, %get3A_377] {strides = array<i32>} : memref<200x128xf32, #tpu.memory_space<vmem>>, vector<1x16xf32>,
        %get3A_379 = vector.shape_cast %get3A_378 : vector<1x16xf32> to vector<16xf32>
        %add3A_380 = arith.addf %mul3A_375, %get3A_379 : vector<16xf32>
        %swap3A_381 = arith.index_cast %add3A_277 : i32 to index
        %swap3A_382 = arith.constant 48 : index
        %swap3A_383 = tpu.vector_load %arg14[%swap3A_381, %swap3A_382] {strides = array<i32>} : memref<200x128xf32, #tpu.memory_space<vmem>>, vector<1x16xf32>,
        %swap3A_384 = vector.shape_cast %swap3A_383 : vector<1x16xf32> to vector<16xf32>
        %swap3A_385 = vector.shape_cast %add3A_380 : vector<16xf32> to vector<1x16xf32>
        tpu.vector_store %arg14[%swap3A_381, %swap3A_382], %swap3A_385 {strides = array<i32>} : memref<200x128xf32, #tpu.memory_space<vmem>>, vector<1x16xf32>,
        %get3A_386 = arith.index_cast %add3A_277 : i32 to index
        %get3A_387 = arith.constant 64 : index
        %get3A_388 = tpu.vector_load %arg14[%get3A_386, %get3A_387] {strides = array<i32>} : memref<200x128xf32, #tpu.memory_space<vmem>>, vector<1x16xf32>,
        %get3A_389 = vector.shape_cast %get3A_388 : vector<1x16xf32> to vector<16xf32>
        %get3A_390 = arith.index_cast %add3A_277 : i32 to index
        %get3A_391 = arith.constant 64 : index
        %get3A_392 = tpu.vector_load %arg15[%get3A_390, %get3A_391] {strides = array<i32>} : memref<200x128xf32, #tpu.memory_space<vmem>>, vector<1x16xf32>,
        %get3A_393 = vector.shape_cast %get3A_392 : vector<1x16xf32> to vector<16xf32>
        %add3A_394 = arith.addf %get3A_389, %get3A_393 : vector<16xf32>
        %get3A_395 = arith.index_cast %add3A_277 : i32 to index
        %get3A_396 = arith.constant 64 : index
        %get3A_397 = tpu.vector_load %arg16[%get3A_395, %get3A_396] {strides = array<i32>} : memref<200x128xf32, #tpu.memory_space<vmem>>, vector<1x16xf32>,
        %get3A_398 = vector.shape_cast %get3A_397 : vector<1x16xf32> to vector<16xf32>
        %add3A_399 = arith.addf %add3A_394, %get3A_398 : vector<16xf32>
        %mul3A_400 = arith.constant 0.333333343 : f32
        %mul3A_401 = vector.broadcast %mul3A_400 : f32 to vector<16xf32>
        %mul3A_402 = arith.mulf %add3A_399, %mul3A_401 : vector<16xf32>
        %get3A_403 = arith.index_cast %add3A_277 : i32 to index
        %get3A_404 = arith.constant 64 : index
        %get3A_405 = tpu.vector_load %arg17[%get3A_403, %get3A_404] {strides = array<i32>} : memref<200x128xf32, #tpu.memory_space<vmem>>, vector<1x16xf32>,
        %get3A_406 = vector.shape_cast %get3A_405 : vector<1x16xf32> to vector<16xf32>
        %add3A_407 = arith.addf %mul3A_402, %get3A_406 : vector<16xf32>
        %swap3A_408 = arith.index_cast %add3A_277 : i32 to index
        %swap3A_409 = arith.constant 64 : index
        %swap3A_410 = tpu.vector_load %arg14[%swap3A_408, %swap3A_409] {strides = array<i32>} : memref<200x128xf32, #tpu.memory_space<vmem>>, vector<1x16xf32>,
        %swap3A_411 = vector.shape_cast %swap3A_410 : vector<1x16xf32> to vector<16xf32>
        %swap3A_412 = vector.shape_cast %add3A_407 : vector<16xf32> to vector<1x16xf32>
        tpu.vector_store %arg14[%swap3A_408, %swap3A_409], %swap3A_412 {strides = array<i32>} : memref<200x128xf32, #tpu.memory_space<vmem>>, vector<1x16xf32>,
        %get3A_413 = arith.index_cast %add3A_277 : i32 to index
        %get3A_414 = arith.constant 80 : index
        %get3A_415 = tpu.vector_load %arg14[%get3A_413, %get3A_414] {strides = array<i32>} : memref<200x128xf32, #tpu.memory_space<vmem>>, vector<1x16xf32>,
        %get3A_416 = vector.shape_cast %get3A_415 : vector<1x16xf32> to vector<16xf32>
        %get3A_417 = arith.index_cast %add3A_277 : i32 to index
        %get3A_418 = arith.constant 80 : index
        %get3A_419 = tpu.vector_load %arg15[%get3A_417, %get3A_418] {strides = array<i32>} : memref<200x128xf32, #tpu.memory_space<vmem>>, vector<1x16xf32>,
        %get3A_420 = vector.shape_cast %get3A_419 : vector<1x16xf32> to vector<16xf32>
        %add3A_421 = arith.addf %get3A_416, %get3A_420 : vector<16xf32>
        %get3A_422 = arith.index_cast %add3A_277 : i32 to index
        %get3A_423 = arith.constant 80 : index
        %get3A_424 = tpu.vector_load %arg16[%get3A_422, %get3A_423] {strides = array<i32>} : memref<200x128xf32, #tpu.memory_space<vmem>>, vector<1x16xf32>,
        %get3A_425 = vector.shape_cast %get3A_424 : vector<1x16xf32> to vector<16xf32>
        %add3A_426 = arith.addf %add3A_421, %get3A_425 : vector<16xf32>
        %mul3A_427 = arith.constant 0.333333343 : f32
        %mul3A_428 = vector.broadcast %mul3A_427 : f32 to vector<16xf32>
        %mul3A_429 = arith.mulf %add3A_426, %mul3A_428 : vector<16xf32>
        %get3A_430 = arith.index_cast %add3A_277 : i32 to index
        %get3A_431 = arith.constant 80 : index
        %get3A_432 = tpu.vector_load %arg17[%get3A_430, %get3A_431] {strides = array<i32>} : memref<200x128xf32, #tpu.memory_space<vmem>>, vector<1x16xf32>,
        %get3A_433 = vector.shape_cast %get3A_432 : vector<1x16xf32> to vector<16xf32>
        %add3A_434 = arith.addf %mul3A_429, %get3A_433 : vector<16xf32>
        %swap3A_435 = arith.index_cast %add3A_277 : i32 to index
        %swap3A_436 = arith.constant 80 : index
        %swap3A_437 = tpu.vector_load %arg14[%swap3A_435, %swap3A_436] {strides = array<i32>} : memref<200x128xf32, #tpu.memory_space<vmem>>, vector<1x16xf32>,
        %swap3A_438 = vector.shape_cast %swap3A_437 : vector<1x16xf32> to vector<16xf32>
        %swap3A_439 = vector.shape_cast %add3A_434 : vector<16xf32> to vector<1x16xf32>
        tpu.vector_store %arg14[%swap3A_435, %swap3A_436], %swap3A_439 {strides = array<i32>} : memref<200x128xf32, #tpu.memory_space<vmem>>, vector<1x16xf32>,
        %get3A_440 = arith.index_cast %add3A_277 : i32 to index
        %get3A_441 = arith.constant 96 : index
        %get3A_442 = tpu.vector_load %arg14[%get3A_440, %get3A_441] {strides = array<i32>} : memref<200x128xf32, #tpu.memory_space<vmem>>, vector<1x16xf32>,
        %get3A_443 = vector.shape_cast %get3A_442 : vector<1x16xf32> to vector<16xf32>
        %get3A_444 = arith.index_cast %add3A_277 : i32 to index
        %get3A_445 = arith.constant 96 : index
        %get3A_446 = tpu.vector_load %arg15[%get3A_444, %get3A_445] {strides = array<i32>} : memref<200x128xf32, #tpu.memory_space<vmem>>, vector<1x16xf32>,
        %get3A_447 = vector.shape_cast %get3A_446 : vector<1x16xf32> to vector<16xf32>
        %add3A_448 = arith.addf %get3A_443, %get3A_447 : vector<16xf32>
        %get3A_449 = arith.index_cast %add3A_277 : i32 to index
        %get3A_450 = arith.constant 96 : index
        %get3A_451 = tpu.vector_load %arg16[%get3A_449, %get3A_450] {strides = array<i32>} : memref<200x128xf32, #tpu.memory_space<vmem>>, vector<1x16xf32>,
        %get3A_452 = vector.shape_cast %get3A_451 : vector<1x16xf32> to vector<16xf32>
        %add3A_453 = arith.addf %add3A_448, %get3A_452 : vector<16xf32>
        %mul3A_454 = arith.constant 0.333333343 : f32
        %mul3A_455 = vector.broadcast %mul3A_454 : f32 to vector<16xf32>
        %mul3A_456 = arith.mulf %add3A_453, %mul3A_455 : vector<16xf32>
        %get3A_457 = arith.index_cast %add3A_277 : i32 to index
        %get3A_458 = arith.constant 96 : index
        %get3A_459 = tpu.vector_load %arg17[%get3A_457, %get3A_458] {strides = array<i32>} : memref<200x128xf32, #tpu.memory_space<vmem>>, vector<1x16xf32>,
        %get3A_460 = vector.shape_cast %get3A_459 : vector<1x16xf32> to vector<16xf32>
        %add3A_461 = arith.addf %mul3A_456, %get3A_460 : vector<16xf32>
        %swap3A_462 = arith.index_cast %add3A_277 : i32 to index
        %swap3A_463 = arith.constant 96 : index
        %swap3A_464 = tpu.vector_load %arg14[%swap3A_462, %swap3A_463] {strides = array<i32>} : memref<200x128xf32, #tpu.memory_space<vmem>>, vector<1x16xf32>,
        %swap3A_465 = vector.shape_cast %swap3A_464 : vector<1x16xf32> to vector<16xf32>
        %swap3A_466 = vector.shape_cast %add3A_461 : vector<16xf32> to vector<1x16xf32>
        tpu.vector_store %arg14[%swap3A_462, %swap3A_463], %swap3A_466 {strides = array<i32>} : memref<200x128xf32, #tpu.memory_space<vmem>>, vector<1x16xf32>,
        %get3A_467 = arith.index_cast %add3A_277 : i32 to index
        %get3A_468 = arith.constant 112 : index
        %get3A_469 = tpu.vector_load %arg14[%get3A_467, %get3A_468] {strides = array<i32>} : memref<200x128xf32, #tpu.memory_space<vmem>>, vector<1x16xf32>,
        %get3A_470 = vector.shape_cast %get3A_469 : vector<1x16xf32> to vector<16xf32>
        %get3A_471 = arith.index_cast %add3A_277 : i32 to index
        %get3A_472 = arith.constant 112 : index
        %get3A_473 = tpu.vector_load %arg15[%get3A_471, %get3A_472] {strides = array<i32>} : memref<200x128xf32, #tpu.memory_space<vmem>>, vector<1x16xf32>,
        %get3A_474 = vector.shape_cast %get3A_473 : vector<1x16xf32> to vector<16xf32>
        %add3A_475 = arith.addf %get3A_470, %get3A_474 : vector<16xf32>
        %get3A_476 = arith.index_cast %add3A_277 : i32 to index
        %get3A_477 = arith.constant 112 : index
        %get3A_478 = tpu.vector_load %arg16[%get3A_476, %get3A_477] {strides = array<i32>} : memref<200x128xf32, #tpu.memory_space<vmem>>, vector<1x16xf32>,
        %get3A_479 = vector.shape_cast %get3A_478 : vector<1x16xf32> to vector<16xf32>
        %add3A_480 = arith.addf %add3A_475, %get3A_479 : vector<16xf32>
        %mul3A_481 = arith.constant 0.333333343 : f32
        %mul3A_482 = vector.broadcast %mul3A_481 : f32 to vector<16xf32>
        %mul3A_483 = arith.mulf %add3A_480, %mul3A_482 : vector<16xf32>
        %get3A_484 = arith.index_cast %add3A_277 : i32 to index
        %get3A_485 = arith.constant 112 : index
        %get3A_486 = tpu.vector_load %arg17[%get3A_484, %get3A_485] {strides = array<i32>} : memref<200x128xf32, #tpu.memory_space<vmem>>, vector<1x16xf32>,
        %get3A_487 = vector.shape_cast %get3A_486 : vector<1x16xf32> to vector<16xf32>
        %add3A_488 = arith.addf %mul3A_483, %get3A_487 : vector<16xf32>
        %swap3A_489 = arith.index_cast %add3A_277 : i32 to index
        %swap3A_490 = arith.constant 112 : index
        %swap3A_491 = tpu.vector_load %arg14[%swap3A_489, %swap3A_490] {strides = array<i32>} : memref<200x128xf32, #tpu.memory_space<vmem>>, vector<1x16xf32>,
        %swap3A_492 = vector.shape_cast %swap3A_491 : vector<1x16xf32> to vector<16xf32>
        %swap3A_493 = vector.shape_cast %add3A_488 : vector<16xf32> to vector<1x16xf32>
        tpu.vector_store %arg14[%swap3A_489, %swap3A_490], %swap3A_493 {strides = array<i32>} : memref<200x128xf32, #tpu.memory_space<vmem>>, vector<1x16xf32>,
      }
      %scan3A_51 = arith.constant 100 : i32
      %mul3A_52 = arith.constant 200 : i32
      %mul3A_53 = arith.muli %scan3A_16, %mul3A_52 : i32
      %add3A_54 = arith.addi %mul3A_2, %mul3A_53 : i32
      "tpu.region"() ({
        %run_scoped3A = tpu.sem_alloc : memref<!tpu.dma_semaphore, #tpu.memory_space<semaphore_mem>>
        %dma_start3A_55 = arith.constant 0 : i32
        %dma_start3A_56 = tpu.memref_slice %arg8[%add3A_54, %dma_start3A_55] : memref<161024x128xf32, #tpu.memory_space<hbm>> -> memref<200x128xf32, #tpu.memory_space<hbm>>
        %dma_start3A_57 = arith.constant 0 : i32
        %dma_start3A_58 = tpu.memref_slice %arg8[%add3A_54, %dma_start3A_57] : memref<161024x128xf32, #tpu.memory_space<hbm>> -> memref<200x128xf32, #tpu.memory_space<hbm>>
        tpu.enqueue_dma source(%arg14 : memref<200x128xf32, #tpu.memory_space<vmem>>) target(%dma_start3A_58 : memref<200x128xf32, #tpu.memory_space<hbm>>) target_semaphore(%run_scoped3A : memref<!tpu.dma_semaphore, #tpu.memory_space<semaphore_mem>>)
        %dma_wait3A_59 = arith.constant 0 : i32
        %dma_wait3A_60 = tpu.memref_slice %arg8[%add3A_54, %dma_wait3A_59] : memref<161024x128xf32, #tpu.memory_space<hbm>> -> memref<200x128xf32, #tpu.memory_space<hbm>>
        %dma_wait3A_61 = arith.constant 0 : i32
        %dma_wait3A_62 = tpu.memref_slice %arg8[%add3A_54, %dma_wait3A_61] : memref<161024x128xf32, #tpu.memory_space<hbm>> -> memref<200x128xf32, #tpu.memory_space<hbm>>
        tpu.wait_dma2 semaphore(%run_scoped3A : memref<!tpu.dma_semaphore, #tpu.memory_space<semaphore_mem>>) src(%arg14 : memref<200x128xf32, #tpu.memory_space<vmem>>) dst(%dma_wait3A_62 : memref<200x128xf32, #tpu.memory_space<hbm>>)
        tpu.yield
      }) : () -> ()
    }
    %scan3A_7 = arith.constant 25 : i32
    %mul3A_8 = arith.constant 256 : i32
    %mul3A_9 = arith.muli %add3A, %mul3A_8 : i32
    %scan3A_10 = arith.constant 0 : i32
    %scan3A_11 = arith.constant 0 : i32
    %scan3A_12 = arith.constant 2 : i32
    %scan3A_13 = arith.addi %scan3A_11, %scan3A_12 : i32
    %scan3A_14 = arith.constant 1 : i32
    scf.for %scan3A_16 = %scan3A_11 to %scan3A_13 step %scan3A_14  : i32 {
      %mul3A_17 = arith.constant 128 : i32
      %mul3A_18 = arith.muli %scan3A_16, %mul3A_17 : i32
      %add3A_19 = arith.addi %mul3A_9, %mul3A_18 : i32
      "tpu.region"() ({
        %run_scoped3A = tpu.sem_alloc : memref<!tpu.dma_semaphore, #tpu.memory_space<semaphore_mem>>
        %dma_start3A_24 = tpu.memref_slice %arg6[%add3A_19] : memref<8192xi32, #tpu.memory_space<hbm>> -> memref<128xi32, #tpu.memory_space<hbm>>
        %dma_start3A_25 = tpu.memref_slice %arg6[%add3A_19] : memref<8192xi32, #tpu.memory_space<hbm>> -> memref<128xi32, #tpu.memory_space<hbm>>
        tpu.enqueue_dma source(%dma_start3A_25 : memref<128xi32, #tpu.memory_space<hbm>>) target(%arg18 : memref<128xi32, #tpu.memory_space<vmem>>) target_semaphore(%run_scoped3A : memref<!tpu.dma_semaphore, #tpu.memory_space<semaphore_mem>>)
        %dma_wait3A_26 = tpu.memref_slice %arg6[%add3A_19] : memref<8192xi32, #tpu.memory_space<hbm>> -> memref<128xi32, #tpu.memory_space<hbm>>
        %dma_wait3A_27 = tpu.memref_slice %arg6[%add3A_19] : memref<8192xi32, #tpu.memory_space<hbm>> -> memref<128xi32, #tpu.memory_space<hbm>>
        tpu.wait_dma2 semaphore(%run_scoped3A : memref<!tpu.dma_semaphore, #tpu.memory_space<semaphore_mem>>) src(%dma_wait3A_27 : memref<128xi32, #tpu.memory_space<hbm>>) dst(%arg18 : memref<128xi32, #tpu.memory_space<vmem>>)
        tpu.yield
      }) : () -> ()
      %dma_start3A = arith.constant 0 : i32
      %dma_start3A_20 = arith.constant 0 : i32
      %dma_start3A_21 = tpu.memref_slice %arg7[%dma_start3A, %dma_start3A_20] : memref<10000x128xf32, #tpu.memory_space<hbm>> -> memref<10000x128xf32, #tpu.memory_space<hbm>>
      tpu.enqueue_indirect_dma source(%dma_start3A_21 : memref<10000x128xf32, #tpu.memory_space<hbm>>) target(%arg19 : memref<128x128xf32, #tpu.memory_space<vmem>>) offsets(%arg18 : memref<128xi32, #tpu.memory_space<vmem>>) semaphore(%arg21 : memref<!tpu.dma_semaphore, #tpu.memory_space<semaphore_mem>>)
      %dma_wait3A = arith.constant 0 : i32
      %dma_wait3A_22 = arith.constant 0 : i32
      %dma_wait3A_23 = tpu.memref_slice %arg7[%dma_wait3A, %dma_wait3A_22] : memref<10000x128xf32, #tpu.memory_space<hbm>> -> memref<10000x128xf32, #tpu.memory_space<hbm>>
      tpu.wait_indirect_dma semaphore(%arg21 : memref<!tpu.dma_semaphore, #tpu.memory_space<semaphore_mem>>) src(%dma_wait3A_23 : memref<10000x128xf32, #tpu.memory_space<hbm>>) dst(%arg19 : memref<128x128xf32, #tpu.memory_space<vmem>>)
      "tpu.region"() ({
        %run_scoped3A = tpu.sem_alloc : memref<!tpu.dma_semaphore, #tpu.memory_space<semaphore_mem>>
        %dma_start3A_24 = arith.constant 0 : i32
        %dma_start3A_25 = tpu.memref_slice %arg9[%add3A_19, %dma_start3A_24] : memref<8192x128xf32, #tpu.memory_space<hbm>> -> memref<128x128xf32, #tpu.memory_space<hbm>>
        %dma_start3A_26 = arith.constant 0 : i32
        %dma_start3A_27 = tpu.memref_slice %arg9[%add3A_19, %dma_start3A_26] : memref<8192x128xf32, #tpu.memory_space<hbm>> -> memref<128x128xf32, #tpu.memory_space<hbm>>
        tpu.enqueue_dma source(%arg19 : memref<128x128xf32, #tpu.memory_space<vmem>>) target(%dma_start3A_27 : memref<128x128xf32, #tpu.memory_space<hbm>>) target_semaphore(%run_scoped3A : memref<!tpu.dma_semaphore, #tpu.memory_space<semaphore_mem>>)
        %dma_wait3A_28 = arith.constant 0 : i32
        %dma_wait3A_29 = tpu.memref_slice %arg9[%add3A_19, %dma_wait3A_28] : memref<8192x128xf32, #tpu.memory_space<hbm>> -> memref<128x128xf32, #tpu.memory_space<hbm>>
        %dma_wait3A_30 = arith.constant 0 : i32
        %dma_wait3A_31 = tpu.memref_slice %arg9[%add3A_19, %dma_wait3A_30] : memref<8192x128xf32, #tpu.memory_space<hbm>> -> memref<128x128xf32, #tpu.memory_space<hbm>>
        tpu.wait_dma2 semaphore(%run_scoped3A : memref<!tpu.dma_semaphore, #tpu.memory_space<semaphore_mem>>) src(%arg19 : memref<128x128xf32, #tpu.memory_space<vmem>>) dst(%dma_wait3A_31 : memref<128x128xf32, #tpu.memory_space<hbm>>)
        tpu.yield
      }) : () -> ()
    }
    %scan3A_15 = arith.constant 2 : i32
    return
  }
}

#map = affine_map<(d0, d1) -> (0, 0)>
#map1 = affine_map<(d0, d1) -> (0)>
module attributes {stable_mosaic.version = 14 : i64} {
  func.func @_sc_gather_body(%arg0: i32, %arg1: i32, %arg2: memref<10000x128xf32, #tpu.memory_space<hbm>>, %arg3: memref<10000x128xf32, #tpu.memory_space<hbm>>, %arg4: memref<480000xi32, #tpu.memory_space<hbm>>, %arg5: memref<160000xi32, #tpu.memory_space<hbm>>, %arg6: memref<8192xi32, #tpu.memory_space<hbm>>, %arg7: memref<10000x128xf32, #tpu.memory_space<hbm>>, %arg8: memref<161024x128xf32, #tpu.memory_space<hbm>>, %arg9: memref<8192x128xf32, #tpu.memory_space<hbm>>, %arg10: memref<200xi32, #tpu.memory_space<vmem>>, %arg11: memref<200xi32, #tpu.memory_space<vmem>>, %arg12: memref<200xi32, #tpu.memory_space<vmem>>, %arg13: memref<200xi32, #tpu.memory_space<vmem>>, %arg14: memref<200x128xf32, #tpu.memory_space<vmem>>, %arg15: memref<200x128xf32, #tpu.memory_space<vmem>>, %arg16: memref<200x128xf32, #tpu.memory_space<vmem>>, %arg17: memref<200x128xf32, #tpu.memory_space<vmem>>, %arg18: memref<128xi32, #tpu.memory_space<vmem>>, %arg19: memref<128x128xf32, #tpu.memory_space<vmem>>, %arg20: memref<!tpu.dma_semaphore, #tpu.memory_space<semaphore_mem>>, %arg21: memref<!tpu.dma_semaphore, #tpu.memory_space<semaphore_mem>>) attributes {dimension_semantics = [#tpu.dimension_semantics<core_parallel>, #tpu.dimension_semantics<subcore_parallel>], iteration_bounds = array<i64: 2, 16>, scalar_prefetch = 0 : i64, scratch_operands = 12 : i64, tpu.core_type = #tpu.core_type<sc_vector_subcore>, window_params = [{transform_indices = #map}, {transform_indices = #map}, {transform_indices = #map1}, {transform_indices = #map1}, {transform_indices = #map1}, {transform_indices = #map}, {transform_indices = #map}, {transform_indices = #map}]} {
    %mul3A = arith.constant 2 : i32
    %mul3A_0 = arith.muli %arg1, %mul3A : i32
    %add3A = arith.addi %mul3A_0, %arg0 : i32
    %mul3A_1 = arith.constant 5000 : i32
    %mul3A_2 = arith.muli %add3A, %mul3A_1 : i32
    %scan3A = arith.constant 0 : i32
    %scan3A_3 = arith.constant 0 : i32
    %scan3A_4 = arith.constant 25 : i32
    %scan3A_5 = arith.addi %scan3A_3, %scan3A_4 : i32
    %scan3A_6 = arith.constant 1 : i32
    scf.for %scan3A_16 = %scan3A_3 to %scan3A_5 step %scan3A_6  : i32 {
      %mul3A_17 = arith.constant 200 : i32
      %mul3A_18 = arith.muli %scan3A_16, %mul3A_17 : i32
      %add3A_19 = arith.addi %mul3A_2, %mul3A_18 : i32
      "tpu.region"() ({
        %run_scoped3A = tpu.sem_alloc : memref<!tpu.dma_semaphore, #tpu.memory_space<semaphore_mem>>
        %dma_start3A_55 = tpu.memref_slice %arg4[%add3A_19] : memref<480000xi32, #tpu.memory_space<hbm>> -> memref<200xi32, #tpu.memory_space<hbm>>
        %dma_start3A_56 = tpu.memref_slice %arg4[%add3A_19] : memref<480000xi32, #tpu.memory_space<hbm>> -> memref<200xi32, #tpu.memory_space<hbm>>
        tpu.enqueue_dma source(%dma_start3A_56 : memref<200xi32, #tpu.memory_space<hbm>>) target(%arg10 : memref<200xi32, #tpu.memory_space<vmem>>) target_semaphore(%run_scoped3A : memref<!tpu.dma_semaphore, #tpu.memory_space<semaphore_mem>>)
        %dma_wait3A_57 = tpu.memref_slice %arg4[%add3A_19] : memref<480000xi32, #tpu.memory_space<hbm>> -> memref<200xi32, #tpu.memory_space<hbm>>
        %dma_wait3A_58 = tpu.memref_slice %arg4[%add3A_19] : memref<480000xi32, #tpu.memory_space<hbm>> -> memref<200xi32, #tpu.memory_space<hbm>>
        tpu.wait_dma2 semaphore(%run_scoped3A : memref<!tpu.dma_semaphore, #tpu.memory_space<semaphore_mem>>) src(%dma_wait3A_58 : memref<200xi32, #tpu.memory_space<hbm>>) dst(%arg10 : memref<200xi32, #tpu.memory_space<vmem>>)
        tpu.yield
      }) : () -> ()
      %add3A_20 = arith.constant 160000 : i32
      %add3A_21 = arith.addi %add3A_20, %add3A_19 : i32
      "tpu.region"() ({
        %run_scoped3A = tpu.sem_alloc : memref<!tpu.dma_semaphore, #tpu.memory_space<semaphore_mem>>
        %dma_start3A_55 = tpu.memref_slice %arg4[%add3A_21] : memref<480000xi32, #tpu.memory_space<hbm>> -> memref<200xi32, #tpu.memory_space<hbm>>
        %dma_start3A_56 = tpu.memref_slice %arg4[%add3A_21] : memref<480000xi32, #tpu.memory_space<hbm>> -> memref<200xi32, #tpu.memory_space<hbm>>
        tpu.enqueue_dma source(%dma_start3A_56 : memref<200xi32, #tpu.memory_space<hbm>>) target(%arg11 : memref<200xi32, #tpu.memory_space<vmem>>) target_semaphore(%run_scoped3A : memref<!tpu.dma_semaphore, #tpu.memory_space<semaphore_mem>>)
        %dma_wait3A_57 = tpu.memref_slice %arg4[%add3A_21] : memref<480000xi32, #tpu.memory_space<hbm>> -> memref<200xi32, #tpu.memory_space<hbm>>
        %dma_wait3A_58 = tpu.memref_slice %arg4[%add3A_21] : memref<480000xi32, #tpu.memory_space<hbm>> -> memref<200xi32, #tpu.memory_space<hbm>>
        tpu.wait_dma2 semaphore(%run_scoped3A : memref<!tpu.dma_semaphore, #tpu.memory_space<semaphore_mem>>) src(%dma_wait3A_58 : memref<200xi32, #tpu.memory_space<hbm>>) dst(%arg11 : memref<200xi32, #tpu.memory_space<vmem>>)
        tpu.yield
      }) : () -> ()
      %add3A_22 = arith.constant 320000 : i32
      %add3A_23 = arith.addi %add3A_22, %add3A_19 : i32
      "tpu.region"() ({
        %run_scoped3A = tpu.sem_alloc : memref<!tpu.dma_semaphore, #tpu.memory_space<semaphore_mem>>
        %dma_start3A_55 = tpu.memref_slice %arg4[%add3A_23] : memref<480000xi32, #tpu.memory_space<hbm>> -> memref<200xi32, #tpu.memory_space<hbm>>
        %dma_start3A_56 = tpu.memref_slice %arg4[%add3A_23] : memref<480000xi32, #tpu.memory_space<hbm>> -> memref<200xi32, #tpu.memory_space<hbm>>
        tpu.enqueue_dma source(%dma_start3A_56 : memref<200xi32, #tpu.memory_space<hbm>>) target(%arg12 : memref<200xi32, #tpu.memory_space<vmem>>) target_semaphore(%run_scoped3A : memref<!tpu.dma_semaphore, #tpu.memory_space<semaphore_mem>>)
        %dma_wait3A_57 = tpu.memref_slice %arg4[%add3A_23] : memref<480000xi32, #tpu.memory_space<hbm>> -> memref<200xi32, #tpu.memory_space<hbm>>
        %dma_wait3A_58 = tpu.memref_slice %arg4[%add3A_23] : memref<480000xi32, #tpu.memory_space<hbm>> -> memref<200xi32, #tpu.memory_space<hbm>>
        tpu.wait_dma2 semaphore(%run_scoped3A : memref<!tpu.dma_semaphore, #tpu.memory_space<semaphore_mem>>) src(%dma_wait3A_58 : memref<200xi32, #tpu.memory_space<hbm>>) dst(%arg12 : memref<200xi32, #tpu.memory_space<vmem>>)
        tpu.yield
      }) : () -> ()
      "tpu.region"() ({
        %run_scoped3A = tpu.sem_alloc : memref<!tpu.dma_semaphore, #tpu.memory_space<semaphore_mem>>
        %dma_start3A_55 = tpu.memref_slice %arg5[%add3A_19] : memref<160000xi32, #tpu.memory_space<hbm>> -> memref<200xi32, #tpu.memory_space<hbm>>
        %dma_start3A_56 = tpu.memref_slice %arg5[%add3A_19] : memref<160000xi32, #tpu.memory_space<hbm>> -> memref<200xi32, #tpu.memory_space<hbm>>
        tpu.enqueue_dma source(%dma_start3A_56 : memref<200xi32, #tpu.memory_space<hbm>>) target(%arg13 : memref<200xi32, #tpu.memory_space<vmem>>) target_semaphore(%run_scoped3A : memref<!tpu.dma_semaphore, #tpu.memory_space<semaphore_mem>>)
        %dma_wait3A_57 = tpu.memref_slice %arg5[%add3A_19] : memref<160000xi32, #tpu.memory_space<hbm>> -> memref<200xi32, #tpu.memory_space<hbm>>
        %dma_wait3A_58 = tpu.memref_slice %arg5[%add3A_19] : memref<160000xi32, #tpu.memory_space<hbm>> -> memref<200xi32, #tpu.memory_space<hbm>>
        tpu.wait_dma2 semaphore(%run_scoped3A : memref<!tpu.dma_semaphore, #tpu.memory_space<semaphore_mem>>) src(%dma_wait3A_58 : memref<200xi32, #tpu.memory_space<hbm>>) dst(%arg13 : memref<200xi32, #tpu.memory_space<vmem>>)
        tpu.yield
      }) : () -> ()
      %dma_start3A = arith.constant 0 : i32
      %dma_start3A_24 = arith.constant 0 : i32
      %dma_start3A_25 = tpu.memref_slice %arg2[%dma_start3A, %dma_start3A_24] : memref<10000x128xf32, #tpu.memory_space<hbm>> -> memref<10000x128xf32, #tpu.memory_space<hbm>>
      tpu.enqueue_indirect_dma source(%dma_start3A_25 : memref<10000x128xf32, #tpu.memory_space<hbm>>) target(%arg14 : memref<200x128xf32, #tpu.memory_space<vmem>>) offsets(%arg10 : memref<200xi32, #tpu.memory_space<vmem>>) semaphore(%arg20 : memref<!tpu.dma_semaphore, #tpu.memory_space<semaphore_mem>>)
      %dma_start3A_26 = arith.constant 0 : i32
      %dma_start3A_27 = arith.constant 0 : i32
      %dma_start3A_28 = tpu.memref_slice %arg2[%dma_start3A_26, %dma_start3A_27] : memref<10000x128xf32, #tpu.memory_space<hbm>> -> memref<10000x128xf32, #tpu.memory_space<hbm>>
      tpu.enqueue_indirect_dma source(%dma_start3A_28 : memref<10000x128xf32, #tpu.memory_space<hbm>>) target(%arg15 : memref<200x128xf32, #tpu.memory_space<vmem>>) offsets(%arg11 : memref<200xi32, #tpu.memory_space<vmem>>) semaphore(%arg20 : memref<!tpu.dma_semaphore, #tpu.memory_space<semaphore_mem>>)
      %dma_start3A_29 = arith.constant 0 : i32
      %dma_start3A_30 = arith.constant 0 : i32
      %dma_start3A_31 = tpu.memref_slice %arg2[%dma_start3A_29, %dma_start3A_30] : memref<10000x128xf32, #tpu.memory_space<hbm>> -> memref<10000x128xf32, #tpu.memory_space<hbm>>
      tpu.enqueue_indirect_dma source(%dma_start3A_31 : memref<10000x128xf32, #tpu.memory_space<hbm>>) target(%arg16 : memref<200x128xf32, #tpu.memory_space<vmem>>) offsets(%arg12 : memref<200xi32, #tpu.memory_space<vmem>>) semaphore(%arg20 : memref<!tpu.dma_semaphore, #tpu.memory_space<semaphore_mem>>)
      %dma_start3A_32 = arith.constant 0 : i32
      %dma_start3A_33 = arith.constant 0 : i32
      %dma_start3A_34 = tpu.memref_slice %arg3[%dma_start3A_32, %dma_start3A_33] : memref<10000x128xf32, #tpu.memory_space<hbm>> -> memref<10000x128xf32, #tpu.memory_space<hbm>>
      tpu.enqueue_indirect_dma source(%dma_start3A_34 : memref<10000x128xf32, #tpu.memory_space<hbm>>) target(%arg17 : memref<200x128xf32, #tpu.memory_space<vmem>>) offsets(%arg13 : memref<200xi32, #tpu.memory_space<vmem>>) semaphore(%arg20 : memref<!tpu.dma_semaphore, #tpu.memory_space<semaphore_mem>>)
      %dma_wait3A = arith.constant 0 : i32
      %dma_wait3A_35 = arith.constant 0 : i32
      %dma_wait3A_36 = tpu.memref_slice %arg2[%dma_wait3A, %dma_wait3A_35] : memref<10000x128xf32, #tpu.memory_space<hbm>> -> memref<10000x128xf32, #tpu.memory_space<hbm>>
      tpu.wait_indirect_dma semaphore(%arg20 : memref<!tpu.dma_semaphore, #tpu.memory_space<semaphore_mem>>) src(%dma_wait3A_36 : memref<10000x128xf32, #tpu.memory_space<hbm>>) dst(%arg14 : memref<200x128xf32, #tpu.memory_space<vmem>>)
      %dma_wait3A_37 = arith.constant 0 : i32
      %dma_wait3A_38 = arith.constant 0 : i32
      %dma_wait3A_39 = tpu.memref_slice %arg2[%dma_wait3A_37, %dma_wait3A_38] : memref<10000x128xf32, #tpu.memory_space<hbm>> -> memref<10000x128xf32, #tpu.memory_space<hbm>>
      tpu.wait_indirect_dma semaphore(%arg20 : memref<!tpu.dma_semaphore, #tpu.memory_space<semaphore_mem>>) src(%dma_wait3A_39 : memref<10000x128xf32, #tpu.memory_space<hbm>>) dst(%arg15 : memref<200x128xf32, #tpu.memory_space<vmem>>)
      %dma_wait3A_40 = arith.constant 0 : i32
      %dma_wait3A_41 = arith.constant 0 : i32
      %dma_wait3A_42 = tpu.memref_slice %arg2[%dma_wait3A_40, %dma_wait3A_41] : memref<10000x128xf32, #tpu.memory_space<hbm>> -> memref<10000x128xf32, #tpu.memory_space<hbm>>
      tpu.wait_indirect_dma semaphore(%arg20 : memref<!tpu.dma_semaphore, #tpu.memory_space<semaphore_mem>>) src(%dma_wait3A_42 : memref<10000x128xf32, #tpu.memory_space<hbm>>) dst(%arg16 : memref<200x128xf32, #tpu.memory_space<vmem>>)
      %dma_wait3A_43 = arith.constant 0 : i32
      %dma_wait3A_44 = arith.constant 0 : i32
      %dma_wait3A_45 = tpu.memref_slice %arg3[%dma_wait3A_43, %dma_wait3A_44] : memref<10000x128xf32, #tpu.memory_space<hbm>> -> memref<10000x128xf32, #tpu.memory_space<hbm>>
      tpu.wait_indirect_dma semaphore(%arg20 : memref<!tpu.dma_semaphore, #tpu.memory_space<semaphore_mem>>) src(%dma_wait3A_45 : memref<10000x128xf32, #tpu.memory_space<hbm>>) dst(%arg17 : memref<200x128xf32, #tpu.memory_space<vmem>>)
      %scan3A_46 = arith.constant 0 : i32
      %scan3A_47 = arith.constant 0 : i32
      %scan3A_48 = arith.constant 100 : i32
      %scan3A_49 = arith.addi %scan3A_47, %scan3A_48 : i32
      %scan3A_50 = arith.constant 1 : i32
      scf.for %scan3A_55 = %scan3A_47 to %scan3A_49 step %scan3A_50  : i32 {
        %mul3A_56 = arith.constant 2 : i32
        %mul3A_57 = arith.muli %scan3A_55, %mul3A_56 : i32
        %add3A_58 = arith.constant 0 : i32
        %add3A_59 = arith.addi %mul3A_57, %add3A_58 : i32
        %get3A = arith.index_cast %add3A_59 : i32 to index
        %get3A_60 = arith.constant 0 : index
        %get3A_61 = tpu.vector_load %arg14[%get3A, %get3A_60] {strides = array<i32>} : memref<200x128xf32, #tpu.memory_space<vmem>>, vector<1x16xf32>,
        %get3A_62 = vector.shape_cast %get3A_61 : vector<1x16xf32> to vector<16xf32>
        %get3A_63 = arith.index_cast %add3A_59 : i32 to index
        %get3A_64 = arith.constant 0 : index
        %get3A_65 = tpu.vector_load %arg15[%get3A_63, %get3A_64] {strides = array<i32>} : memref<200x128xf32, #tpu.memory_space<vmem>>, vector<1x16xf32>,
        %get3A_66 = vector.shape_cast %get3A_65 : vector<1x16xf32> to vector<16xf32>
        %add3A_67 = arith.addf %get3A_62, %get3A_66 : vector<16xf32>
        %get3A_68 = arith.index_cast %add3A_59 : i32 to index
        %get3A_69 = arith.constant 0 : index
        %get3A_70 = tpu.vector_load %arg16[%get3A_68, %get3A_69] {strides = array<i32>} : memref<200x128xf32, #tpu.memory_space<vmem>>, vector<1x16xf32>,
        %get3A_71 = vector.shape_cast %get3A_70 : vector<1x16xf32> to vector<16xf32>
        %add3A_72 = arith.addf %add3A_67, %get3A_71 : vector<16xf32>
        %mul3A_73 = arith.constant 0.333333343 : f32
        %mul3A_74 = vector.broadcast %mul3A_73 : f32 to vector<16xf32>
        %mul3A_75 = arith.mulf %add3A_72, %mul3A_74 : vector<16xf32>
        %get3A_76 = arith.index_cast %add3A_59 : i32 to index
        %get3A_77 = arith.constant 0 : index
        %get3A_78 = tpu.vector_load %arg17[%get3A_76, %get3A_77] {strides = array<i32>} : memref<200x128xf32, #tpu.memory_space<vmem>>, vector<1x16xf32>,
        %get3A_79 = vector.shape_cast %get3A_78 : vector<1x16xf32> to vector<16xf32>
        %add3A_80 = arith.addf %mul3A_75, %get3A_79 : vector<16xf32>
        %swap3A = arith.index_cast %add3A_59 : i32 to index
        %swap3A_81 = arith.constant 0 : index
        %swap3A_82 = tpu.vector_load %arg14[%swap3A, %swap3A_81] {strides = array<i32>} : memref<200x128xf32, #tpu.memory_space<vmem>>, vector<1x16xf32>,
        %swap3A_83 = vector.shape_cast %swap3A_82 : vector<1x16xf32> to vector<16xf32>
        %swap3A_84 = vector.shape_cast %add3A_80 : vector<16xf32> to vector<1x16xf32>
        tpu.vector_store %arg14[%swap3A, %swap3A_81], %swap3A_84 {strides = array<i32>} : memref<200x128xf32, #tpu.memory_space<vmem>>, vector<1x16xf32>,
        %get3A_85 = arith.index_cast %add3A_59 : i32 to index
        %get3A_86 = arith.constant 16 : index
        %get3A_87 = tpu.vector_load %arg14[%get3A_85, %get3A_86] {strides = array<i32>} : memref<200x128xf32, #tpu.memory_space<vmem>>, vector<1x16xf32>,
        %get3A_88 = vector.shape_cast %get3A_87 : vector<1x16xf32> to vector<16xf32>
        %get3A_89 = arith.index_cast %add3A_59 : i32 to index
        %get3A_90 = arith.constant 16 : index
        %get3A_91 = tpu.vector_load %arg15[%get3A_89, %get3A_90] {strides = array<i32>} : memref<200x128xf32, #tpu.memory_space<vmem>>, vector<1x16xf32>,
        %get3A_92 = vector.shape_cast %get3A_91 : vector<1x16xf32> to vector<16xf32>
        %add3A_93 = arith.addf %get3A_88, %get3A_92 : vector<16xf32>
        %get3A_94 = arith.index_cast %add3A_59 : i32 to index
        %get3A_95 = arith.constant 16 : index
        %get3A_96 = tpu.vector_load %arg16[%get3A_94, %get3A_95] {strides = array<i32>} : memref<200x128xf32, #tpu.memory_space<vmem>>, vector<1x16xf32>,
        %get3A_97 = vector.shape_cast %get3A_96 : vector<1x16xf32> to vector<16xf32>
        %add3A_98 = arith.addf %add3A_93, %get3A_97 : vector<16xf32>
        %mul3A_99 = arith.constant 0.333333343 : f32
        %mul3A_100 = vector.broadcast %mul3A_99 : f32 to vector<16xf32>
        %mul3A_101 = arith.mulf %add3A_98, %mul3A_100 : vector<16xf32>
        %get3A_102 = arith.index_cast %add3A_59 : i32 to index
        %get3A_103 = arith.constant 16 : index
        %get3A_104 = tpu.vector_load %arg17[%get3A_102, %get3A_103] {strides = array<i32>} : memref<200x128xf32, #tpu.memory_space<vmem>>, vector<1x16xf32>,
        %get3A_105 = vector.shape_cast %get3A_104 : vector<1x16xf32> to vector<16xf32>
        %add3A_106 = arith.addf %mul3A_101, %get3A_105 : vector<16xf32>
        %swap3A_107 = arith.index_cast %add3A_59 : i32 to index
        %swap3A_108 = arith.constant 16 : index
        %swap3A_109 = tpu.vector_load %arg14[%swap3A_107, %swap3A_108] {strides = array<i32>} : memref<200x128xf32, #tpu.memory_space<vmem>>, vector<1x16xf32>,
        %swap3A_110 = vector.shape_cast %swap3A_109 : vector<1x16xf32> to vector<16xf32>
        %swap3A_111 = vector.shape_cast %add3A_106 : vector<16xf32> to vector<1x16xf32>
        tpu.vector_store %arg14[%swap3A_107, %swap3A_108], %swap3A_111 {strides = array<i32>} : memref<200x128xf32, #tpu.memory_space<vmem>>, vector<1x16xf32>,
        %get3A_112 = arith.index_cast %add3A_59 : i32 to index
        %get3A_113 = arith.constant 32 : index
        %get3A_114 = tpu.vector_load %arg14[%get3A_112, %get3A_113] {strides = array<i32>} : memref<200x128xf32, #tpu.memory_space<vmem>>, vector<1x16xf32>,
        %get3A_115 = vector.shape_cast %get3A_114 : vector<1x16xf32> to vector<16xf32>
        %get3A_116 = arith.index_cast %add3A_59 : i32 to index
        %get3A_117 = arith.constant 32 : index
        %get3A_118 = tpu.vector_load %arg15[%get3A_116, %get3A_117] {strides = array<i32>} : memref<200x128xf32, #tpu.memory_space<vmem>>, vector<1x16xf32>,
        %get3A_119 = vector.shape_cast %get3A_118 : vector<1x16xf32> to vector<16xf32>
        %add3A_120 = arith.addf %get3A_115, %get3A_119 : vector<16xf32>
        %get3A_121 = arith.index_cast %add3A_59 : i32 to index
        %get3A_122 = arith.constant 32 : index
        %get3A_123 = tpu.vector_load %arg16[%get3A_121, %get3A_122] {strides = array<i32>} : memref<200x128xf32, #tpu.memory_space<vmem>>, vector<1x16xf32>,
        %get3A_124 = vector.shape_cast %get3A_123 : vector<1x16xf32> to vector<16xf32>
        %add3A_125 = arith.addf %add3A_120, %get3A_124 : vector<16xf32>
        %mul3A_126 = arith.constant 0.333333343 : f32
        %mul3A_127 = vector.broadcast %mul3A_126 : f32 to vector<16xf32>
        %mul3A_128 = arith.mulf %add3A_125, %mul3A_127 : vector<16xf32>
        %get3A_129 = arith.index_cast %add3A_59 : i32 to index
        %get3A_130 = arith.constant 32 : index
        %get3A_131 = tpu.vector_load %arg17[%get3A_129, %get3A_130] {strides = array<i32>} : memref<200x128xf32, #tpu.memory_space<vmem>>, vector<1x16xf32>,
        %get3A_132 = vector.shape_cast %get3A_131 : vector<1x16xf32> to vector<16xf32>
        %add3A_133 = arith.addf %mul3A_128, %get3A_132 : vector<16xf32>
        %swap3A_134 = arith.index_cast %add3A_59 : i32 to index
        %swap3A_135 = arith.constant 32 : index
        %swap3A_136 = tpu.vector_load %arg14[%swap3A_134, %swap3A_135] {strides = array<i32>} : memref<200x128xf32, #tpu.memory_space<vmem>>, vector<1x16xf32>,
        %swap3A_137 = vector.shape_cast %swap3A_136 : vector<1x16xf32> to vector<16xf32>
        %swap3A_138 = vector.shape_cast %add3A_133 : vector<16xf32> to vector<1x16xf32>
        tpu.vector_store %arg14[%swap3A_134, %swap3A_135], %swap3A_138 {strides = array<i32>} : memref<200x128xf32, #tpu.memory_space<vmem>>, vector<1x16xf32>,
        %get3A_139 = arith.index_cast %add3A_59 : i32 to index
        %get3A_140 = arith.constant 48 : index
        %get3A_141 = tpu.vector_load %arg14[%get3A_139, %get3A_140] {strides = array<i32>} : memref<200x128xf32, #tpu.memory_space<vmem>>, vector<1x16xf32>,
        %get3A_142 = vector.shape_cast %get3A_141 : vector<1x16xf32> to vector<16xf32>
        %get3A_143 = arith.index_cast %add3A_59 : i32 to index
        %get3A_144 = arith.constant 48 : index
        %get3A_145 = tpu.vector_load %arg15[%get3A_143, %get3A_144] {strides = array<i32>} : memref<200x128xf32, #tpu.memory_space<vmem>>, vector<1x16xf32>,
        %get3A_146 = vector.shape_cast %get3A_145 : vector<1x16xf32> to vector<16xf32>
        %add3A_147 = arith.addf %get3A_142, %get3A_146 : vector<16xf32>
        %get3A_148 = arith.index_cast %add3A_59 : i32 to index
        %get3A_149 = arith.constant 48 : index
        %get3A_150 = tpu.vector_load %arg16[%get3A_148, %get3A_149] {strides = array<i32>} : memref<200x128xf32, #tpu.memory_space<vmem>>, vector<1x16xf32>,
        %get3A_151 = vector.shape_cast %get3A_150 : vector<1x16xf32> to vector<16xf32>
        %add3A_152 = arith.addf %add3A_147, %get3A_151 : vector<16xf32>
        %mul3A_153 = arith.constant 0.333333343 : f32
        %mul3A_154 = vector.broadcast %mul3A_153 : f32 to vector<16xf32>
        %mul3A_155 = arith.mulf %add3A_152, %mul3A_154 : vector<16xf32>
        %get3A_156 = arith.index_cast %add3A_59 : i32 to index
        %get3A_157 = arith.constant 48 : index
        %get3A_158 = tpu.vector_load %arg17[%get3A_156, %get3A_157] {strides = array<i32>} : memref<200x128xf32, #tpu.memory_space<vmem>>, vector<1x16xf32>,
        %get3A_159 = vector.shape_cast %get3A_158 : vector<1x16xf32> to vector<16xf32>
        %add3A_160 = arith.addf %mul3A_155, %get3A_159 : vector<16xf32>
        %swap3A_161 = arith.index_cast %add3A_59 : i32 to index
        %swap3A_162 = arith.constant 48 : index
        %swap3A_163 = tpu.vector_load %arg14[%swap3A_161, %swap3A_162] {strides = array<i32>} : memref<200x128xf32, #tpu.memory_space<vmem>>, vector<1x16xf32>,
        %swap3A_164 = vector.shape_cast %swap3A_163 : vector<1x16xf32> to vector<16xf32>
        %swap3A_165 = vector.shape_cast %add3A_160 : vector<16xf32> to vector<1x16xf32>
        tpu.vector_store %arg14[%swap3A_161, %swap3A_162], %swap3A_165 {strides = array<i32>} : memref<200x128xf32, #tpu.memory_space<vmem>>, vector<1x16xf32>,
        %get3A_166 = arith.index_cast %add3A_59 : i32 to index
        %get3A_167 = arith.constant 64 : index
        %get3A_168 = tpu.vector_load %arg14[%get3A_166, %get3A_167] {strides = array<i32>} : memref<200x128xf32, #tpu.memory_space<vmem>>, vector<1x16xf32>,
        %get3A_169 = vector.shape_cast %get3A_168 : vector<1x16xf32> to vector<16xf32>
        %get3A_170 = arith.index_cast %add3A_59 : i32 to index
        %get3A_171 = arith.constant 64 : index
        %get3A_172 = tpu.vector_load %arg15[%get3A_170, %get3A_171] {strides = array<i32>} : memref<200x128xf32, #tpu.memory_space<vmem>>, vector<1x16xf32>,
        %get3A_173 = vector.shape_cast %get3A_172 : vector<1x16xf32> to vector<16xf32>
        %add3A_174 = arith.addf %get3A_169, %get3A_173 : vector<16xf32>
        %get3A_175 = arith.index_cast %add3A_59 : i32 to index
        %get3A_176 = arith.constant 64 : index
        %get3A_177 = tpu.vector_load %arg16[%get3A_175, %get3A_176] {strides = array<i32>} : memref<200x128xf32, #tpu.memory_space<vmem>>, vector<1x16xf32>,
        %get3A_178 = vector.shape_cast %get3A_177 : vector<1x16xf32> to vector<16xf32>
        %add3A_179 = arith.addf %add3A_174, %get3A_178 : vector<16xf32>
        %mul3A_180 = arith.constant 0.333333343 : f32
        %mul3A_181 = vector.broadcast %mul3A_180 : f32 to vector<16xf32>
        %mul3A_182 = arith.mulf %add3A_179, %mul3A_181 : vector<16xf32>
        %get3A_183 = arith.index_cast %add3A_59 : i32 to index
        %get3A_184 = arith.constant 64 : index
        %get3A_185 = tpu.vector_load %arg17[%get3A_183, %get3A_184] {strides = array<i32>} : memref<200x128xf32, #tpu.memory_space<vmem>>, vector<1x16xf32>,
        %get3A_186 = vector.shape_cast %get3A_185 : vector<1x16xf32> to vector<16xf32>
        %add3A_187 = arith.addf %mul3A_182, %get3A_186 : vector<16xf32>
        %swap3A_188 = arith.index_cast %add3A_59 : i32 to index
        %swap3A_189 = arith.constant 64 : index
        %swap3A_190 = tpu.vector_load %arg14[%swap3A_188, %swap3A_189] {strides = array<i32>} : memref<200x128xf32, #tpu.memory_space<vmem>>, vector<1x16xf32>,
        %swap3A_191 = vector.shape_cast %swap3A_190 : vector<1x16xf32> to vector<16xf32>
        %swap3A_192 = vector.shape_cast %add3A_187 : vector<16xf32> to vector<1x16xf32>
        tpu.vector_store %arg14[%swap3A_188, %swap3A_189], %swap3A_192 {strides = array<i32>} : memref<200x128xf32, #tpu.memory_space<vmem>>, vector<1x16xf32>,
        %get3A_193 = arith.index_cast %add3A_59 : i32 to index
        %get3A_194 = arith.constant 80 : index
        %get3A_195 = tpu.vector_load %arg14[%get3A_193, %get3A_194] {strides = array<i32>} : memref<200x128xf32, #tpu.memory_space<vmem>>, vector<1x16xf32>,
        %get3A_196 = vector.shape_cast %get3A_195 : vector<1x16xf32> to vector<16xf32>
        %get3A_197 = arith.index_cast %add3A_59 : i32 to index
        %get3A_198 = arith.constant 80 : index
        %get3A_199 = tpu.vector_load %arg15[%get3A_197, %get3A_198] {strides = array<i32>} : memref<200x128xf32, #tpu.memory_space<vmem>>, vector<1x16xf32>,
        %get3A_200 = vector.shape_cast %get3A_199 : vector<1x16xf32> to vector<16xf32>
        %add3A_201 = arith.addf %get3A_196, %get3A_200 : vector<16xf32>
        %get3A_202 = arith.index_cast %add3A_59 : i32 to index
        %get3A_203 = arith.constant 80 : index
        %get3A_204 = tpu.vector_load %arg16[%get3A_202, %get3A_203] {strides = array<i32>} : memref<200x128xf32, #tpu.memory_space<vmem>>, vector<1x16xf32>,
        %get3A_205 = vector.shape_cast %get3A_204 : vector<1x16xf32> to vector<16xf32>
        %add3A_206 = arith.addf %add3A_201, %get3A_205 : vector<16xf32>
        %mul3A_207 = arith.constant 0.333333343 : f32
        %mul3A_208 = vector.broadcast %mul3A_207 : f32 to vector<16xf32>
        %mul3A_209 = arith.mulf %add3A_206, %mul3A_208 : vector<16xf32>
        %get3A_210 = arith.index_cast %add3A_59 : i32 to index
        %get3A_211 = arith.constant 80 : index
        %get3A_212 = tpu.vector_load %arg17[%get3A_210, %get3A_211] {strides = array<i32>} : memref<200x128xf32, #tpu.memory_space<vmem>>, vector<1x16xf32>,
        %get3A_213 = vector.shape_cast %get3A_212 : vector<1x16xf32> to vector<16xf32>
        %add3A_214 = arith.addf %mul3A_209, %get3A_213 : vector<16xf32>
        %swap3A_215 = arith.index_cast %add3A_59 : i32 to index
        %swap3A_216 = arith.constant 80 : index
        %swap3A_217 = tpu.vector_load %arg14[%swap3A_215, %swap3A_216] {strides = array<i32>} : memref<200x128xf32, #tpu.memory_space<vmem>>, vector<1x16xf32>,
        %swap3A_218 = vector.shape_cast %swap3A_217 : vector<1x16xf32> to vector<16xf32>
        %swap3A_219 = vector.shape_cast %add3A_214 : vector<16xf32> to vector<1x16xf32>
        tpu.vector_store %arg14[%swap3A_215, %swap3A_216], %swap3A_219 {strides = array<i32>} : memref<200x128xf32, #tpu.memory_space<vmem>>, vector<1x16xf32>,
        %get3A_220 = arith.index_cast %add3A_59 : i32 to index
        %get3A_221 = arith.constant 96 : index
        %get3A_222 = tpu.vector_load %arg14[%get3A_220, %get3A_221] {strides = array<i32>} : memref<200x128xf32, #tpu.memory_space<vmem>>, vector<1x16xf32>,
        %get3A_223 = vector.shape_cast %get3A_222 : vector<1x16xf32> to vector<16xf32>
        %get3A_224 = arith.index_cast %add3A_59 : i32 to index
        %get3A_225 = arith.constant 96 : index
        %get3A_226 = tpu.vector_load %arg15[%get3A_224, %get3A_225] {strides = array<i32>} : memref<200x128xf32, #tpu.memory_space<vmem>>, vector<1x16xf32>,
        %get3A_227 = vector.shape_cast %get3A_226 : vector<1x16xf32> to vector<16xf32>
        %add3A_228 = arith.addf %get3A_223, %get3A_227 : vector<16xf32>
        %get3A_229 = arith.index_cast %add3A_59 : i32 to index
        %get3A_230 = arith.constant 96 : index
        %get3A_231 = tpu.vector_load %arg16[%get3A_229, %get3A_230] {strides = array<i32>} : memref<200x128xf32, #tpu.memory_space<vmem>>, vector<1x16xf32>,
        %get3A_232 = vector.shape_cast %get3A_231 : vector<1x16xf32> to vector<16xf32>
        %add3A_233 = arith.addf %add3A_228, %get3A_232 : vector<16xf32>
        %mul3A_234 = arith.constant 0.333333343 : f32
        %mul3A_235 = vector.broadcast %mul3A_234 : f32 to vector<16xf32>
        %mul3A_236 = arith.mulf %add3A_233, %mul3A_235 : vector<16xf32>
        %get3A_237 = arith.index_cast %add3A_59 : i32 to index
        %get3A_238 = arith.constant 96 : index
        %get3A_239 = tpu.vector_load %arg17[%get3A_237, %get3A_238] {strides = array<i32>} : memref<200x128xf32, #tpu.memory_space<vmem>>, vector<1x16xf32>,
        %get3A_240 = vector.shape_cast %get3A_239 : vector<1x16xf32> to vector<16xf32>
        %add3A_241 = arith.addf %mul3A_236, %get3A_240 : vector<16xf32>
        %swap3A_242 = arith.index_cast %add3A_59 : i32 to index
        %swap3A_243 = arith.constant 96 : index
        %swap3A_244 = tpu.vector_load %arg14[%swap3A_242, %swap3A_243] {strides = array<i32>} : memref<200x128xf32, #tpu.memory_space<vmem>>, vector<1x16xf32>,
        %swap3A_245 = vector.shape_cast %swap3A_244 : vector<1x16xf32> to vector<16xf32>
        %swap3A_246 = vector.shape_cast %add3A_241 : vector<16xf32> to vector<1x16xf32>
        tpu.vector_store %arg14[%swap3A_242, %swap3A_243], %swap3A_246 {strides = array<i32>} : memref<200x128xf32, #tpu.memory_space<vmem>>, vector<1x16xf32>,
        %get3A_247 = arith.index_cast %add3A_59 : i32 to index
        %get3A_248 = arith.constant 112 : index
        %get3A_249 = tpu.vector_load %arg14[%get3A_247, %get3A_248] {strides = array<i32>} : memref<200x128xf32, #tpu.memory_space<vmem>>, vector<1x16xf32>,
        %get3A_250 = vector.shape_cast %get3A_249 : vector<1x16xf32> to vector<16xf32>
        %get3A_251 = arith.index_cast %add3A_59 : i32 to index
        %get3A_252 = arith.constant 112 : index
        %get3A_253 = tpu.vector_load %arg15[%get3A_251, %get3A_252] {strides = array<i32>} : memref<200x128xf32, #tpu.memory_space<vmem>>, vector<1x16xf32>,
        %get3A_254 = vector.shape_cast %get3A_253 : vector<1x16xf32> to vector<16xf32>
        %add3A_255 = arith.addf %get3A_250, %get3A_254 : vector<16xf32>
        %get3A_256 = arith.index_cast %add3A_59 : i32 to index
        %get3A_257 = arith.constant 112 : index
        %get3A_258 = tpu.vector_load %arg16[%get3A_256, %get3A_257] {strides = array<i32>} : memref<200x128xf32, #tpu.memory_space<vmem>>, vector<1x16xf32>,
        %get3A_259 = vector.shape_cast %get3A_258 : vector<1x16xf32> to vector<16xf32>
        %add3A_260 = arith.addf %add3A_255, %get3A_259 : vector<16xf32>
        %mul3A_261 = arith.constant 0.333333343 : f32
        %mul3A_262 = vector.broadcast %mul3A_261 : f32 to vector<16xf32>
        %mul3A_263 = arith.mulf %add3A_260, %mul3A_262 : vector<16xf32>
        %get3A_264 = arith.index_cast %add3A_59 : i32 to index
        %get3A_265 = arith.constant 112 : index
        %get3A_266 = tpu.vector_load %arg17[%get3A_264, %get3A_265] {strides = array<i32>} : memref<200x128xf32, #tpu.memory_space<vmem>>, vector<1x16xf32>,
        %get3A_267 = vector.shape_cast %get3A_266 : vector<1x16xf32> to vector<16xf32>
        %add3A_268 = arith.addf %mul3A_263, %get3A_267 : vector<16xf32>
        %swap3A_269 = arith.index_cast %add3A_59 : i32 to index
        %swap3A_270 = arith.constant 112 : index
        %swap3A_271 = tpu.vector_load %arg14[%swap3A_269, %swap3A_270] {strides = array<i32>} : memref<200x128xf32, #tpu.memory_space<vmem>>, vector<1x16xf32>,
        %swap3A_272 = vector.shape_cast %swap3A_271 : vector<1x16xf32> to vector<16xf32>
        %swap3A_273 = vector.shape_cast %add3A_268 : vector<16xf32> to vector<1x16xf32>
        tpu.vector_store %arg14[%swap3A_269, %swap3A_270], %swap3A_273 {strides = array<i32>} : memref<200x128xf32, #tpu.memory_space<vmem>>, vector<1x16xf32>,
        %mul3A_274 = arith.constant 2 : i32
        %mul3A_275 = arith.muli %scan3A_55, %mul3A_274 : i32
        %add3A_276 = arith.constant 1 : i32
        %add3A_277 = arith.addi %mul3A_275, %add3A_276 : i32
        %get3A_278 = arith.index_cast %add3A_277 : i32 to index
        %get3A_279 = arith.constant 0 : index
        %get3A_280 = tpu.vector_load %arg14[%get3A_278, %get3A_279] {strides = array<i32>} : memref<200x128xf32, #tpu.memory_space<vmem>>, vector<1x16xf32>,
        %get3A_281 = vector.shape_cast %get3A_280 : vector<1x16xf32> to vector<16xf32>
        %get3A_282 = arith.index_cast %add3A_277 : i32 to index
        %get3A_283 = arith.constant 0 : index
        %get3A_284 = tpu.vector_load %arg15[%get3A_282, %get3A_283] {strides = array<i32>} : memref<200x128xf32, #tpu.memory_space<vmem>>, vector<1x16xf32>,
        %get3A_285 = vector.shape_cast %get3A_284 : vector<1x16xf32> to vector<16xf32>
        %add3A_286 = arith.addf %get3A_281, %get3A_285 : vector<16xf32>
        %get3A_287 = arith.index_cast %add3A_277 : i32 to index
        %get3A_288 = arith.constant 0 : index
        %get3A_289 = tpu.vector_load %arg16[%get3A_287, %get3A_288] {strides = array<i32>} : memref<200x128xf32, #tpu.memory_space<vmem>>, vector<1x16xf32>,
        %get3A_290 = vector.shape_cast %get3A_289 : vector<1x16xf32> to vector<16xf32>
        %add3A_291 = arith.addf %add3A_286, %get3A_290 : vector<16xf32>
        %mul3A_292 = arith.constant 0.333333343 : f32
        %mul3A_293 = vector.broadcast %mul3A_292 : f32 to vector<16xf32>
        %mul3A_294 = arith.mulf %add3A_291, %mul3A_293 : vector<16xf32>
        %get3A_295 = arith.index_cast %add3A_277 : i32 to index
        %get3A_296 = arith.constant 0 : index
        %get3A_297 = tpu.vector_load %arg17[%get3A_295, %get3A_296] {strides = array<i32>} : memref<200x128xf32, #tpu.memory_space<vmem>>, vector<1x16xf32>,
        %get3A_298 = vector.shape_cast %get3A_297 : vector<1x16xf32> to vector<16xf32>
        %add3A_299 = arith.addf %mul3A_294, %get3A_298 : vector<16xf32>
        %swap3A_300 = arith.index_cast %add3A_277 : i32 to index
        %swap3A_301 = arith.constant 0 : index
        %swap3A_302 = tpu.vector_load %arg14[%swap3A_300, %swap3A_301] {strides = array<i32>} : memref<200x128xf32, #tpu.memory_space<vmem>>, vector<1x16xf32>,
        %swap3A_303 = vector.shape_cast %swap3A_302 : vector<1x16xf32> to vector<16xf32>
        %swap3A_304 = vector.shape_cast %add3A_299 : vector<16xf32> to vector<1x16xf32>
        tpu.vector_store %arg14[%swap3A_300, %swap3A_301], %swap3A_304 {strides = array<i32>} : memref<200x128xf32, #tpu.memory_space<vmem>>, vector<1x16xf32>,
        %get3A_305 = arith.index_cast %add3A_277 : i32 to index
        %get3A_306 = arith.constant 16 : index
        %get3A_307 = tpu.vector_load %arg14[%get3A_305, %get3A_306] {strides = array<i32>} : memref<200x128xf32, #tpu.memory_space<vmem>>, vector<1x16xf32>,
        %get3A_308 = vector.shape_cast %get3A_307 : vector<1x16xf32> to vector<16xf32>
        %get3A_309 = arith.index_cast %add3A_277 : i32 to index
        %get3A_310 = arith.constant 16 : index
        %get3A_311 = tpu.vector_load %arg15[%get3A_309, %get3A_310] {strides = array<i32>} : memref<200x128xf32, #tpu.memory_space<vmem>>, vector<1x16xf32>,
        %get3A_312 = vector.shape_cast %get3A_311 : vector<1x16xf32> to vector<16xf32>
        %add3A_313 = arith.addf %get3A_308, %get3A_312 : vector<16xf32>
        %get3A_314 = arith.index_cast %add3A_277 : i32 to index
        %get3A_315 = arith.constant 16 : index
        %get3A_316 = tpu.vector_load %arg16[%get3A_314, %get3A_315] {strides = array<i32>} : memref<200x128xf32, #tpu.memory_space<vmem>>, vector<1x16xf32>,
        %get3A_317 = vector.shape_cast %get3A_316 : vector<1x16xf32> to vector<16xf32>
        %add3A_318 = arith.addf %add3A_313, %get3A_317 : vector<16xf32>
        %mul3A_319 = arith.constant 0.333333343 : f32
        %mul3A_320 = vector.broadcast %mul3A_319 : f32 to vector<16xf32>
        %mul3A_321 = arith.mulf %add3A_318, %mul3A_320 : vector<16xf32>
        %get3A_322 = arith.index_cast %add3A_277 : i32 to index
        %get3A_323 = arith.constant 16 : index
        %get3A_324 = tpu.vector_load %arg17[%get3A_322, %get3A_323] {strides = array<i32>} : memref<200x128xf32, #tpu.memory_space<vmem>>, vector<1x16xf32>,
        %get3A_325 = vector.shape_cast %get3A_324 : vector<1x16xf32> to vector<16xf32>
        %add3A_326 = arith.addf %mul3A_321, %get3A_325 : vector<16xf32>
        %swap3A_327 = arith.index_cast %add3A_277 : i32 to index
        %swap3A_328 = arith.constant 16 : index
        %swap3A_329 = tpu.vector_load %arg14[%swap3A_327, %swap3A_328] {strides = array<i32>} : memref<200x128xf32, #tpu.memory_space<vmem>>, vector<1x16xf32>,
        %swap3A_330 = vector.shape_cast %swap3A_329 : vector<1x16xf32> to vector<16xf32>
        %swap3A_331 = vector.shape_cast %add3A_326 : vector<16xf32> to vector<1x16xf32>
        tpu.vector_store %arg14[%swap3A_327, %swap3A_328], %swap3A_331 {strides = array<i32>} : memref<200x128xf32, #tpu.memory_space<vmem>>, vector<1x16xf32>,
        %get3A_332 = arith.index_cast %add3A_277 : i32 to index
        %get3A_333 = arith.constant 32 : index
        %get3A_334 = tpu.vector_load %arg14[%get3A_332, %get3A_333] {strides = array<i32>} : memref<200x128xf32, #tpu.memory_space<vmem>>, vector<1x16xf32>,
        %get3A_335 = vector.shape_cast %get3A_334 : vector<1x16xf32> to vector<16xf32>
        %get3A_336 = arith.index_cast %add3A_277 : i32 to index
        %get3A_337 = arith.constant 32 : index
        %get3A_338 = tpu.vector_load %arg15[%get3A_336, %get3A_337] {strides = array<i32>} : memref<200x128xf32, #tpu.memory_space<vmem>>, vector<1x16xf32>,
        %get3A_339 = vector.shape_cast %get3A_338 : vector<1x16xf32> to vector<16xf32>
        %add3A_340 = arith.addf %get3A_335, %get3A_339 : vector<16xf32>
        %get3A_341 = arith.index_cast %add3A_277 : i32 to index
        %get3A_342 = arith.constant 32 : index
        %get3A_343 = tpu.vector_load %arg16[%get3A_341, %get3A_342] {strides = array<i32>} : memref<200x128xf32, #tpu.memory_space<vmem>>, vector<1x16xf32>,
        %get3A_344 = vector.shape_cast %get3A_343 : vector<1x16xf32> to vector<16xf32>
        %add3A_345 = arith.addf %add3A_340, %get3A_344 : vector<16xf32>
        %mul3A_346 = arith.constant 0.333333343 : f32
        %mul3A_347 = vector.broadcast %mul3A_346 : f32 to vector<16xf32>
        %mul3A_348 = arith.mulf %add3A_345, %mul3A_347 : vector<16xf32>
        %get3A_349 = arith.index_cast %add3A_277 : i32 to index
        %get3A_350 = arith.constant 32 : index
        %get3A_351 = tpu.vector_load %arg17[%get3A_349, %get3A_350] {strides = array<i32>} : memref<200x128xf32, #tpu.memory_space<vmem>>, vector<1x16xf32>,
        %get3A_352 = vector.shape_cast %get3A_351 : vector<1x16xf32> to vector<16xf32>
        %add3A_353 = arith.addf %mul3A_348, %get3A_352 : vector<16xf32>
        %swap3A_354 = arith.index_cast %add3A_277 : i32 to index
        %swap3A_355 = arith.constant 32 : index
        %swap3A_356 = tpu.vector_load %arg14[%swap3A_354, %swap3A_355] {strides = array<i32>} : memref<200x128xf32, #tpu.memory_space<vmem>>, vector<1x16xf32>,
        %swap3A_357 = vector.shape_cast %swap3A_356 : vector<1x16xf32> to vector<16xf32>
        %swap3A_358 = vector.shape_cast %add3A_353 : vector<16xf32> to vector<1x16xf32>
        tpu.vector_store %arg14[%swap3A_354, %swap3A_355], %swap3A_358 {strides = array<i32>} : memref<200x128xf32, #tpu.memory_space<vmem>>, vector<1x16xf32>,
        %get3A_359 = arith.index_cast %add3A_277 : i32 to index
        %get3A_360 = arith.constant 48 : index
        %get3A_361 = tpu.vector_load %arg14[%get3A_359, %get3A_360] {strides = array<i32>} : memref<200x128xf32, #tpu.memory_space<vmem>>, vector<1x16xf32>,
        %get3A_362 = vector.shape_cast %get3A_361 : vector<1x16xf32> to vector<16xf32>
        %get3A_363 = arith.index_cast %add3A_277 : i32 to index
        %get3A_364 = arith.constant 48 : index
        %get3A_365 = tpu.vector_load %arg15[%get3A_363, %get3A_364] {strides = array<i32>} : memref<200x128xf32, #tpu.memory_space<vmem>>, vector<1x16xf32>,
        %get3A_366 = vector.shape_cast %get3A_365 : vector<1x16xf32> to vector<16xf32>
        %add3A_367 = arith.addf %get3A_362, %get3A_366 : vector<16xf32>
        %get3A_368 = arith.index_cast %add3A_277 : i32 to index
        %get3A_369 = arith.constant 48 : index
        %get3A_370 = tpu.vector_load %arg16[%get3A_368, %get3A_369] {strides = array<i32>} : memref<200x128xf32, #tpu.memory_space<vmem>>, vector<1x16xf32>,
        %get3A_371 = vector.shape_cast %get3A_370 : vector<1x16xf32> to vector<16xf32>
        %add3A_372 = arith.addf %add3A_367, %get3A_371 : vector<16xf32>
        %mul3A_373 = arith.constant 0.333333343 : f32
        %mul3A_374 = vector.broadcast %mul3A_373 : f32 to vector<16xf32>
        %mul3A_375 = arith.mulf %add3A_372, %mul3A_374 : vector<16xf32>
        %get3A_376 = arith.index_cast %add3A_277 : i32 to index
        %get3A_377 = arith.constant 48 : index
        %get3A_378 = tpu.vector_load %arg17[%get3A_376, %get3A_377] {strides = array<i32>} : memref<200x128xf32, #tpu.memory_space<vmem>>, vector<1x16xf32>,
        %get3A_379 = vector.shape_cast %get3A_378 : vector<1x16xf32> to vector<16xf32>
        %add3A_380 = arith.addf %mul3A_375, %get3A_379 : vector<16xf32>
        %swap3A_381 = arith.index_cast %add3A_277 : i32 to index
        %swap3A_382 = arith.constant 48 : index
        %swap3A_383 = tpu.vector_load %arg14[%swap3A_381, %swap3A_382] {strides = array<i32>} : memref<200x128xf32, #tpu.memory_space<vmem>>, vector<1x16xf32>,
        %swap3A_384 = vector.shape_cast %swap3A_383 : vector<1x16xf32> to vector<16xf32>
        %swap3A_385 = vector.shape_cast %add3A_380 : vector<16xf32> to vector<1x16xf32>
        tpu.vector_store %arg14[%swap3A_381, %swap3A_382], %swap3A_385 {strides = array<i32>} : memref<200x128xf32, #tpu.memory_space<vmem>>, vector<1x16xf32>,
        %get3A_386 = arith.index_cast %add3A_277 : i32 to index
        %get3A_387 = arith.constant 64 : index
        %get3A_388 = tpu.vector_load %arg14[%get3A_386, %get3A_387] {strides = array<i32>} : memref<200x128xf32, #tpu.memory_space<vmem>>, vector<1x16xf32>,
        %get3A_389 = vector.shape_cast %get3A_388 : vector<1x16xf32> to vector<16xf32>
        %get3A_390 = arith.index_cast %add3A_277 : i32 to index
        %get3A_391 = arith.constant 64 : index
        %get3A_392 = tpu.vector_load %arg15[%get3A_390, %get3A_391] {strides = array<i32>} : memref<200x128xf32, #tpu.memory_space<vmem>>, vector<1x16xf32>,
        %get3A_393 = vector.shape_cast %get3A_392 : vector<1x16xf32> to vector<16xf32>
        %add3A_394 = arith.addf %get3A_389, %get3A_393 : vector<16xf32>
        %get3A_395 = arith.index_cast %add3A_277 : i32 to index
        %get3A_396 = arith.constant 64 : index
        %get3A_397 = tpu.vector_load %arg16[%get3A_395, %get3A_396] {strides = array<i32>} : memref<200x128xf32, #tpu.memory_space<vmem>>, vector<1x16xf32>,
        %get3A_398 = vector.shape_cast %get3A_397 : vector<1x16xf32> to vector<16xf32>
        %add3A_399 = arith.addf %add3A_394, %get3A_398 : vector<16xf32>
        %mul3A_400 = arith.constant 0.333333343 : f32
        %mul3A_401 = vector.broadcast %mul3A_400 : f32 to vector<16xf32>
        %mul3A_402 = arith.mulf %add3A_399, %mul3A_401 : vector<16xf32>
        %get3A_403 = arith.index_cast %add3A_277 : i32 to index
        %get3A_404 = arith.constant 64 : index
        %get3A_405 = tpu.vector_load %arg17[%get3A_403, %get3A_404] {strides = array<i32>} : memref<200x128xf32, #tpu.memory_space<vmem>>, vector<1x16xf32>,
        %get3A_406 = vector.shape_cast %get3A_405 : vector<1x16xf32> to vector<16xf32>
        %add3A_407 = arith.addf %mul3A_402, %get3A_406 : vector<16xf32>
        %swap3A_408 = arith.index_cast %add3A_277 : i32 to index
        %swap3A_409 = arith.constant 64 : index
        %swap3A_410 = tpu.vector_load %arg14[%swap3A_408, %swap3A_409] {strides = array<i32>} : memref<200x128xf32, #tpu.memory_space<vmem>>, vector<1x16xf32>,
        %swap3A_411 = vector.shape_cast %swap3A_410 : vector<1x16xf32> to vector<16xf32>
        %swap3A_412 = vector.shape_cast %add3A_407 : vector<16xf32> to vector<1x16xf32>
        tpu.vector_store %arg14[%swap3A_408, %swap3A_409], %swap3A_412 {strides = array<i32>} : memref<200x128xf32, #tpu.memory_space<vmem>>, vector<1x16xf32>,
        %get3A_413 = arith.index_cast %add3A_277 : i32 to index
        %get3A_414 = arith.constant 80 : index
        %get3A_415 = tpu.vector_load %arg14[%get3A_413, %get3A_414] {strides = array<i32>} : memref<200x128xf32, #tpu.memory_space<vmem>>, vector<1x16xf32>,
        %get3A_416 = vector.shape_cast %get3A_415 : vector<1x16xf32> to vector<16xf32>
        %get3A_417 = arith.index_cast %add3A_277 : i32 to index
        %get3A_418 = arith.constant 80 : index
        %get3A_419 = tpu.vector_load %arg15[%get3A_417, %get3A_418] {strides = array<i32>} : memref<200x128xf32, #tpu.memory_space<vmem>>, vector<1x16xf32>,
        %get3A_420 = vector.shape_cast %get3A_419 : vector<1x16xf32> to vector<16xf32>
        %add3A_421 = arith.addf %get3A_416, %get3A_420 : vector<16xf32>
        %get3A_422 = arith.index_cast %add3A_277 : i32 to index
        %get3A_423 = arith.constant 80 : index
        %get3A_424 = tpu.vector_load %arg16[%get3A_422, %get3A_423] {strides = array<i32>} : memref<200x128xf32, #tpu.memory_space<vmem>>, vector<1x16xf32>,
        %get3A_425 = vector.shape_cast %get3A_424 : vector<1x16xf32> to vector<16xf32>
        %add3A_426 = arith.addf %add3A_421, %get3A_425 : vector<16xf32>
        %mul3A_427 = arith.constant 0.333333343 : f32
        %mul3A_428 = vector.broadcast %mul3A_427 : f32 to vector<16xf32>
        %mul3A_429 = arith.mulf %add3A_426, %mul3A_428 : vector<16xf32>
        %get3A_430 = arith.index_cast %add3A_277 : i32 to index
        %get3A_431 = arith.constant 80 : index
        %get3A_432 = tpu.vector_load %arg17[%get3A_430, %get3A_431] {strides = array<i32>} : memref<200x128xf32, #tpu.memory_space<vmem>>, vector<1x16xf32>,
        %get3A_433 = vector.shape_cast %get3A_432 : vector<1x16xf32> to vector<16xf32>
        %add3A_434 = arith.addf %mul3A_429, %get3A_433 : vector<16xf32>
        %swap3A_435 = arith.index_cast %add3A_277 : i32 to index
        %swap3A_436 = arith.constant 80 : index
        %swap3A_437 = tpu.vector_load %arg14[%swap3A_435, %swap3A_436] {strides = array<i32>} : memref<200x128xf32, #tpu.memory_space<vmem>>, vector<1x16xf32>,
        %swap3A_438 = vector.shape_cast %swap3A_437 : vector<1x16xf32> to vector<16xf32>
        %swap3A_439 = vector.shape_cast %add3A_434 : vector<16xf32> to vector<1x16xf32>
        tpu.vector_store %arg14[%swap3A_435, %swap3A_436], %swap3A_439 {strides = array<i32>} : memref<200x128xf32, #tpu.memory_space<vmem>>, vector<1x16xf32>,
        %get3A_440 = arith.index_cast %add3A_277 : i32 to index
        %get3A_441 = arith.constant 96 : index
        %get3A_442 = tpu.vector_load %arg14[%get3A_440, %get3A_441] {strides = array<i32>} : memref<200x128xf32, #tpu.memory_space<vmem>>, vector<1x16xf32>,
        %get3A_443 = vector.shape_cast %get3A_442 : vector<1x16xf32> to vector<16xf32>
        %get3A_444 = arith.index_cast %add3A_277 : i32 to index
        %get3A_445 = arith.constant 96 : index
        %get3A_446 = tpu.vector_load %arg15[%get3A_444, %get3A_445] {strides = array<i32>} : memref<200x128xf32, #tpu.memory_space<vmem>>, vector<1x16xf32>,
        %get3A_447 = vector.shape_cast %get3A_446 : vector<1x16xf32> to vector<16xf32>
        %add3A_448 = arith.addf %get3A_443, %get3A_447 : vector<16xf32>
        %get3A_449 = arith.index_cast %add3A_277 : i32 to index
        %get3A_450 = arith.constant 96 : index
        %get3A_451 = tpu.vector_load %arg16[%get3A_449, %get3A_450] {strides = array<i32>} : memref<200x128xf32, #tpu.memory_space<vmem>>, vector<1x16xf32>,
        %get3A_452 = vector.shape_cast %get3A_451 : vector<1x16xf32> to vector<16xf32>
        %add3A_453 = arith.addf %add3A_448, %get3A_452 : vector<16xf32>
        %mul3A_454 = arith.constant 0.333333343 : f32
        %mul3A_455 = vector.broadcast %mul3A_454 : f32 to vector<16xf32>
        %mul3A_456 = arith.mulf %add3A_453, %mul3A_455 : vector<16xf32>
        %get3A_457 = arith.index_cast %add3A_277 : i32 to index
        %get3A_458 = arith.constant 96 : index
        %get3A_459 = tpu.vector_load %arg17[%get3A_457, %get3A_458] {strides = array<i32>} : memref<200x128xf32, #tpu.memory_space<vmem>>, vector<1x16xf32>,
        %get3A_460 = vector.shape_cast %get3A_459 : vector<1x16xf32> to vector<16xf32>
        %add3A_461 = arith.addf %mul3A_456, %get3A_460 : vector<16xf32>
        %swap3A_462 = arith.index_cast %add3A_277 : i32 to index
        %swap3A_463 = arith.constant 96 : index
        %swap3A_464 = tpu.vector_load %arg14[%swap3A_462, %swap3A_463] {strides = array<i32>} : memref<200x128xf32, #tpu.memory_space<vmem>>, vector<1x16xf32>,
        %swap3A_465 = vector.shape_cast %swap3A_464 : vector<1x16xf32> to vector<16xf32>
        %swap3A_466 = vector.shape_cast %add3A_461 : vector<16xf32> to vector<1x16xf32>
        tpu.vector_store %arg14[%swap3A_462, %swap3A_463], %swap3A_466 {strides = array<i32>} : memref<200x128xf32, #tpu.memory_space<vmem>>, vector<1x16xf32>,
        %get3A_467 = arith.index_cast %add3A_277 : i32 to index
        %get3A_468 = arith.constant 112 : index
        %get3A_469 = tpu.vector_load %arg14[%get3A_467, %get3A_468] {strides = array<i32>} : memref<200x128xf32, #tpu.memory_space<vmem>>, vector<1x16xf32>,
        %get3A_470 = vector.shape_cast %get3A_469 : vector<1x16xf32> to vector<16xf32>
        %get3A_471 = arith.index_cast %add3A_277 : i32 to index
        %get3A_472 = arith.constant 112 : index
        %get3A_473 = tpu.vector_load %arg15[%get3A_471, %get3A_472] {strides = array<i32>} : memref<200x128xf32, #tpu.memory_space<vmem>>, vector<1x16xf32>,
        %get3A_474 = vector.shape_cast %get3A_473 : vector<1x16xf32> to vector<16xf32>
        %add3A_475 = arith.addf %get3A_470, %get3A_474 : vector<16xf32>
        %get3A_476 = arith.index_cast %add3A_277 : i32 to index
        %get3A_477 = arith.constant 112 : index
        %get3A_478 = tpu.vector_load %arg16[%get3A_476, %get3A_477] {strides = array<i32>} : memref<200x128xf32, #tpu.memory_space<vmem>>, vector<1x16xf32>,
        %get3A_479 = vector.shape_cast %get3A_478 : vector<1x16xf32> to vector<16xf32>
        %add3A_480 = arith.addf %add3A_475, %get3A_479 : vector<16xf32>
        %mul3A_481 = arith.constant 0.333333343 : f32
        %mul3A_482 = vector.broadcast %mul3A_481 : f32 to vector<16xf32>
        %mul3A_483 = arith.mulf %add3A_480, %mul3A_482 : vector<16xf32>
        %get3A_484 = arith.index_cast %add3A_277 : i32 to index
        %get3A_485 = arith.constant 112 : index
        %get3A_486 = tpu.vector_load %arg17[%get3A_484, %get3A_485] {strides = array<i32>} : memref<200x128xf32, #tpu.memory_space<vmem>>, vector<1x16xf32>,
        %get3A_487 = vector.shape_cast %get3A_486 : vector<1x16xf32> to vector<16xf32>
        %add3A_488 = arith.addf %mul3A_483, %get3A_487 : vector<16xf32>
        %swap3A_489 = arith.index_cast %add3A_277 : i32 to index
        %swap3A_490 = arith.constant 112 : index
        %swap3A_491 = tpu.vector_load %arg14[%swap3A_489, %swap3A_490] {strides = array<i32>} : memref<200x128xf32, #tpu.memory_space<vmem>>, vector<1x16xf32>,
        %swap3A_492 = vector.shape_cast %swap3A_491 : vector<1x16xf32> to vector<16xf32>
        %swap3A_493 = vector.shape_cast %add3A_488 : vector<16xf32> to vector<1x16xf32>
        tpu.vector_store %arg14[%swap3A_489, %swap3A_490], %swap3A_493 {strides = array<i32>} : memref<200x128xf32, #tpu.memory_space<vmem>>, vector<1x16xf32>,
      }
      %scan3A_51 = arith.constant 100 : i32
      %mul3A_52 = arith.constant 200 : i32
      %mul3A_53 = arith.muli %scan3A_16, %mul3A_52 : i32
      %add3A_54 = arith.addi %mul3A_2, %mul3A_53 : i32
      "tpu.region"() ({
        %run_scoped3A = tpu.sem_alloc : memref<!tpu.dma_semaphore, #tpu.memory_space<semaphore_mem>>
        %dma_start3A_55 = arith.constant 0 : i32
        %dma_start3A_56 = tpu.memref_slice %arg8[%add3A_54, %dma_start3A_55] : memref<161024x128xf32, #tpu.memory_space<hbm>> -> memref<200x128xf32, #tpu.memory_space<hbm>>
        %dma_start3A_57 = arith.constant 0 : i32
        %dma_start3A_58 = tpu.memref_slice %arg8[%add3A_54, %dma_start3A_57] : memref<161024x128xf32, #tpu.memory_space<hbm>> -> memref<200x128xf32, #tpu.memory_space<hbm>>
        tpu.enqueue_dma source(%arg14 : memref<200x128xf32, #tpu.memory_space<vmem>>) target(%dma_start3A_58 : memref<200x128xf32, #tpu.memory_space<hbm>>) target_semaphore(%run_scoped3A : memref<!tpu.dma_semaphore, #tpu.memory_space<semaphore_mem>>)
        %dma_wait3A_59 = arith.constant 0 : i32
        %dma_wait3A_60 = tpu.memref_slice %arg8[%add3A_54, %dma_wait3A_59] : memref<161024x128xf32, #tpu.memory_space<hbm>> -> memref<200x128xf32, #tpu.memory_space<hbm>>
        %dma_wait3A_61 = arith.constant 0 : i32
        %dma_wait3A_62 = tpu.memref_slice %arg8[%add3A_54, %dma_wait3A_61] : memref<161024x128xf32, #tpu.memory_space<hbm>> -> memref<200x128xf32, #tpu.memory_space<hbm>>
        tpu.wait_dma2 semaphore(%run_scoped3A : memref<!tpu.dma_semaphore, #tpu.memory_space<semaphore_mem>>) src(%arg14 : memref<200x128xf32, #tpu.memory_space<vmem>>) dst(%dma_wait3A_62 : memref<200x128xf32, #tpu.memory_space<hbm>>)
        tpu.yield
      }) : () -> ()
    }
    %scan3A_7 = arith.constant 25 : i32
    %mul3A_8 = arith.constant 256 : i32
    %mul3A_9 = arith.muli %add3A, %mul3A_8 : i32
    %scan3A_10 = arith.constant 0 : i32
    %scan3A_11 = arith.constant 0 : i32
    %scan3A_12 = arith.constant 2 : i32
    %scan3A_13 = arith.addi %scan3A_11, %scan3A_12 : i32
    %scan3A_14 = arith.constant 1 : i32
    scf.for %scan3A_16 = %scan3A_11 to %scan3A_13 step %scan3A_14  : i32 {
      %mul3A_17 = arith.constant 128 : i32
      %mul3A_18 = arith.muli %scan3A_16, %mul3A_17 : i32
      %add3A_19 = arith.addi %mul3A_9, %mul3A_18 : i32
      "tpu.region"() ({
        %run_scoped3A = tpu.sem_alloc : memref<!tpu.dma_semaphore, #tpu.memory_space<semaphore_mem>>
        %dma_start3A_24 = tpu.memref_slice %arg6[%add3A_19] : memref<8192xi32, #tpu.memory_space<hbm>> -> memref<128xi32, #tpu.memory_space<hbm>>
        %dma_start3A_25 = tpu.memref_slice %arg6[%add3A_19] : memref<8192xi32, #tpu.memory_space<hbm>> -> memref<128xi32, #tpu.memory_space<hbm>>
        tpu.enqueue_dma source(%dma_start3A_25 : memref<128xi32, #tpu.memory_space<hbm>>) target(%arg18 : memref<128xi32, #tpu.memory_space<vmem>>) target_semaphore(%run_scoped3A : memref<!tpu.dma_semaphore, #tpu.memory_space<semaphore_mem>>)
        %dma_wait3A_26 = tpu.memref_slice %arg6[%add3A_19] : memref<8192xi32, #tpu.memory_space<hbm>> -> memref<128xi32, #tpu.memory_space<hbm>>
        %dma_wait3A_27 = tpu.memref_slice %arg6[%add3A_19] : memref<8192xi32, #tpu.memory_space<hbm>> -> memref<128xi32, #tpu.memory_space<hbm>>
        tpu.wait_dma2 semaphore(%run_scoped3A : memref<!tpu.dma_semaphore, #tpu.memory_space<semaphore_mem>>) src(%dma_wait3A_27 : memref<128xi32, #tpu.memory_space<hbm>>) dst(%arg18 : memref<128xi32, #tpu.memory_space<vmem>>)
        tpu.yield
      }) : () -> ()
      %dma_start3A = arith.constant 0 : i32
      %dma_start3A_20 = arith.constant 0 : i32
      %dma_start3A_21 = tpu.memref_slice %arg7[%dma_start3A, %dma_start3A_20] : memref<10000x128xf32, #tpu.memory_space<hbm>> -> memref<10000x128xf32, #tpu.memory_space<hbm>>
      tpu.enqueue_indirect_dma source(%dma_start3A_21 : memref<10000x128xf32, #tpu.memory_space<hbm>>) target(%arg19 : memref<128x128xf32, #tpu.memory_space<vmem>>) offsets(%arg18 : memref<128xi32, #tpu.memory_space<vmem>>) semaphore(%arg21 : memref<!tpu.dma_semaphore, #tpu.memory_space<semaphore_mem>>)
      %dma_wait3A = arith.constant 0 : i32
      %dma_wait3A_22 = arith.constant 0 : i32
      %dma_wait3A_23 = tpu.memref_slice %arg7[%dma_wait3A, %dma_wait3A_22] : memref<10000x128xf32, #tpu.memory_space<hbm>> -> memref<10000x128xf32, #tpu.memory_space<hbm>>
      tpu.wait_indirect_dma semaphore(%arg21 : memref<!tpu.dma_semaphore, #tpu.memory_space<semaphore_mem>>) src(%dma_wait3A_23 : memref<10000x128xf32, #tpu.memory_space<hbm>>) dst(%arg19 : memref<128x128xf32, #tpu.memory_space<vmem>>)
      "tpu.region"() ({
        %run_scoped3A = tpu.sem_alloc : memref<!tpu.dma_semaphore, #tpu.memory_space<semaphore_mem>>
        %dma_start3A_24 = arith.constant 0 : i32
        %dma_start3A_25 = tpu.memref_slice %arg9[%add3A_19, %dma_start3A_24] : memref<8192x128xf32, #tpu.memory_space<hbm>> -> memref<128x128xf32, #tpu.memory_space<hbm>>
        %dma_start3A_26 = arith.constant 0 : i32
        %dma_start3A_27 = tpu.memref_slice %arg9[%add3A_19, %dma_start3A_26] : memref<8192x128xf32, #tpu.memory_space<hbm>> -> memref<128x128xf32, #tpu.memory_space<hbm>>
        tpu.enqueue_dma source(%arg19 : memref<128x128xf32, #tpu.memory_space<vmem>>) target(%dma_start3A_27 : memref<128x128xf32, #tpu.memory_space<hbm>>) target_semaphore(%run_scoped3A : memref<!tpu.dma_semaphore, #tpu.memory_space<semaphore_mem>>)
        %dma_wait3A_28 = arith.constant 0 : i32
        %dma_wait3A_29 = tpu.memref_slice %arg9[%add3A_19, %dma_wait3A_28] : memref<8192x128xf32, #tpu.memory_space<hbm>> -> memref<128x128xf32, #tpu.memory_space<hbm>>
        %dma_wait3A_30 = arith.constant 0 : i32
        %dma_wait3A_31 = tpu.memref_slice %arg9[%add3A_19, %dma_wait3A_30] : memref<8192x128xf32, #tpu.memory_space<hbm>> -> memref<128x128xf32, #tpu.memory_space<hbm>>
        tpu.wait_dma2 semaphore(%run_scoped3A : memref<!tpu.dma_semaphore, #tpu.memory_space<semaphore_mem>>) src(%arg19 : memref<128x128xf32, #tpu.memory_space<vmem>>) dst(%dma_wait3A_31 : memref<128x128xf32, #tpu.memory_space<hbm>>)
        tpu.yield
      }) : () -> ()
    }
    %scan3A_15 = arith.constant 2 : i32
    return
  }
}

module attributes {stable_mosaic.version = 14 : i64} {
  func.func @_fa1_body(%arg0: memref<10000x128xf32, #tpu.memory_space<vmem>>, %arg1: memref<128x128xf32, #tpu.memory_space<vmem>>, %arg2: memref<10000x128xf32, #tpu.memory_space<vmem>>) attributes {dimension_semantics = [], scalar_prefetch = 0 : i64, scratch_operands = 0 : i64, tpu.core_type = #tpu.core_type<tc>} {
    %get3A = arith.constant 0 : index
    %get3A_0 = arith.constant 0 : index
    %get3A_1 = vector.load %arg0[%get3A, %get3A_0] : memref<10000x128xf32, #tpu.memory_space<vmem>>, vector<10000x128xf32>
    %get3A_2 = arith.constant 0 : index
    %get3A_3 = arith.constant 0 : index
    %get3A_4 = vector.load %arg1[%get3A_2, %get3A_3] : memref<128x128xf32, #tpu.memory_space<vmem>>, vector<128x128xf32>
    %dot_general3A = arith.constant dense<0.000000e+00> : vector<10000x128xf32>
    %dot_general3A_5 = tpu.matmul %get3A_1, %get3A_4, %dot_general3A {dimension_numbers = #tpu.dot_dimension_numbers<[1], [0], [0], [1], [0, 0, 1, 1], [], []>, transpose_lhs_hint = false} : vector<10000x128xf32>, vector<128x128xf32>, vector<10000x128xf32> -> vector<10000x128xf32>
    %swap3A = arith.constant 0 : index
    %swap3A_6 = arith.constant 0 : index
    %swap3A_7 = vector.load %arg2[%swap3A, %swap3A_6] : memref<10000x128xf32, #tpu.memory_space<vmem>>, vector<10000x128xf32>
    tpu.vector_store %arg2[%swap3A, %swap3A_6], %dot_general3A_5 {strides = array<i32>} : memref<10000x128xf32, #tpu.memory_space<vmem>>, vector<10000x128xf32>,
    return
  }
}

module attributes {stable_mosaic.version = 14 : i64} {
  func.func @_tcb_body(%arg0: i32, %arg1: memref<33xi32, #tpu.memory_space<smem>>, %arg2: memref<161024x128xf32, #tpu.memory_space<any>>, %arg3: memref<161024x1xi32, #tpu.memory_space<any>>, %arg4: memref<256x128xf32, #tpu.memory_space<vmem>>, %arg5: memref<4x128xf32, #tpu.memory_space<vmem>>, %arg6: memref<512x128xf32, #tpu.memory_space<vmem>>, %arg7: memref<128xf32, #tpu.memory_space<vmem>>, %arg8: memref<128x1xf32, #tpu.memory_space<vmem>>, %arg9: memref<256x512xf32, #tpu.memory_space<vmem>>, %arg10: memref<1x1xf32, #tpu.memory_space<vmem>>, %arg11: memref<2x1024x128xf32, #tpu.memory_space<vmem>>, %arg12: memref<2x1024x1xi32, #tpu.memory_space<vmem>>, %arg13: memref<256x512xf32, #tpu.memory_space<vmem>>, %arg14: memref<256x4xf32, #tpu.memory_space<vmem>>, %arg15: memref<2x!tpu.dma_semaphore, #tpu.memory_space<semaphore_mem>>, %arg16: memref<2x!tpu.dma_semaphore, #tpu.memory_space<semaphore_mem>>) attributes {dimension_semantics = [#tpu.dimension_semantics<arbitrary>], iteration_bounds = array<i64: 32>, scalar_prefetch = 0 : i64, scratch_operands = 6 : i64, tpu.core_type = #tpu.core_type<tc>, window_params = [{transform_indices = @transform_0, window_bounds = array<i64: 33>}, {}, {}, {transform_indices = @transform_3, window_bounds = array<i64: 256, 128>}, {pipeline_mode = #tpu.pipeline_mode<synchronous>, transform_indices = @transform_4, window_bounds = array<i64: 4, 128>}, {pipeline_mode = #tpu.pipeline_mode<synchronous>, transform_indices = @transform_5, window_bounds = array<i64: 512, 128>}, {pipeline_mode = #tpu.pipeline_mode<synchronous>, transform_indices = @transform_6, window_bounds = array<i64: 128>}, {pipeline_mode = #tpu.pipeline_mode<synchronous>, transform_indices = @transform_7, window_bounds = array<i64: 128, 1>}, {transform_indices = @transform_8, window_bounds = array<i64: 256, 512>}, {pipeline_mode = #tpu.pipeline_mode<synchronous>, transform_indices = @transform_9, window_bounds = array<i64: 1, 1>}]} {
    %get3A = arith.index_cast %arg0 : i32 to index
    %get3A_0 = memref.load %arg1[%get3A] : memref<33xi32, #tpu.memory_space<smem>>
    %add3A = arith.constant 1 : i32
    %add3A_1 = arith.addi %arg0, %add3A : i32
    %get3A_2 = arith.index_cast %add3A_1 : i32 to index
    %get3A_3 = memref.load %arg1[%get3A_2] : memref<33xi32, #tpu.memory_space<smem>>
    %jit3A = arith.constant 1024 : i32
    %div3A = arith.divsi %get3A_0, %jit3A : i32
    %sign3A = arith.constant 0 : i32
    %sign3A_4 = arith.cmpi sgt, %get3A_0, %sign3A : i32
    %sign3A_5 = arith.extui %sign3A_4 : i1 to i32
    %sign3A_6 = arith.constant 0 : i32
    %sign3A_7 = arith.cmpi slt, %get3A_0, %sign3A_6 : i32
    %sign3A_8 = arith.extui %sign3A_7 : i1 to i32
    %sign3A_9 = arith.subi %sign3A_5, %sign3A_8 : i32
    %sign3A_10 = arith.constant 0 : i32
    %sign3A_11 = arith.cmpi sgt, %jit3A, %sign3A_10 : i32
    %sign3A_12 = arith.extui %sign3A_11 : i1 to i32
    %sign3A_13 = arith.constant 0 : i32
    %sign3A_14 = arith.cmpi slt, %jit3A, %sign3A_13 : i32
    %sign3A_15 = arith.extui %sign3A_14 : i1 to i32
    %sign3A_16 = arith.subi %sign3A_12, %sign3A_15 : i32
    %ne3A = arith.cmpi ne, %sign3A_9, %sign3A_16 : i32
    %rem3A = arith.remsi %get3A_0, %jit3A : i32
    %ne3A_17 = arith.constant 0 : i32
    %ne3A_18 = arith.cmpi ne, %rem3A, %ne3A_17 : i32
    %and3A = arith.andi %ne3A, %ne3A_18 : i1
    %sub3A = arith.constant 1 : i32
    %sub3A_19 = arith.subi %div3A, %sub3A : i32
    %select_n3A = arith.select %and3A, %sub3A_19, %div3A : i32
    %mul3A = arith.constant 1024 : i32
    %mul3A_20 = arith.muli %select_n3A, %mul3A : i32
    %sub3A_21 = arith.subi %get3A_3, %mul3A_20 : i32
    %add3A_22 = arith.constant 1024 : i32
    %add3A_23 = arith.addi %sub3A_21, %add3A_22 : i32
    %sub3A_24 = arith.constant 1 : i32
    %sub3A_25 = arith.subi %add3A_23, %sub3A_24 : i32
    %jit3A_26 = arith.constant 1024 : i32
    %div3A_27 = arith.divsi %sub3A_25, %jit3A_26 : i32
    %sign3A_28 = arith.constant 0 : i32
    %sign3A_29 = arith.cmpi sgt, %sub3A_25, %sign3A_28 : i32
    %sign3A_30 = arith.extui %sign3A_29 : i1 to i32
    %sign3A_31 = arith.constant 0 : i32
    %sign3A_32 = arith.cmpi slt, %sub3A_25, %sign3A_31 : i32
    %sign3A_33 = arith.extui %sign3A_32 : i1 to i32
    %sign3A_34 = arith.subi %sign3A_30, %sign3A_33 : i32
    %sign3A_35 = arith.constant 0 : i32
    %sign3A_36 = arith.cmpi sgt, %jit3A_26, %sign3A_35 : i32
    %sign3A_37 = arith.extui %sign3A_36 : i1 to i32
    %sign3A_38 = arith.constant 0 : i32
    %sign3A_39 = arith.cmpi slt, %jit3A_26, %sign3A_38 : i32
    %sign3A_40 = arith.extui %sign3A_39 : i1 to i32
    %sign3A_41 = arith.subi %sign3A_37, %sign3A_40 : i32
    %ne3A_42 = arith.cmpi ne, %sign3A_34, %sign3A_41 : i32
    %rem3A_43 = arith.remsi %sub3A_25, %jit3A_26 : i32
    %ne3A_44 = arith.constant 0 : i32
    %ne3A_45 = arith.cmpi ne, %rem3A_43, %ne3A_44 : i32
    %and3A_46 = arith.andi %ne3A_42, %ne3A_45 : i1
    %sub3A_47 = arith.constant 1 : i32
    %sub3A_48 = arith.subi %div3A_27, %sub3A_47 : i32
    %select_n3A_49 = arith.select %and3A_46, %sub3A_48, %div3A_27 : i32
    %broadcast_in_dim3A = arith.constant 0.000000e+00 : f32
    %broadcast_in_dim3A_50 = vector.broadcast %broadcast_in_dim3A : f32 to vector<256x512xf32>
    %swap3A = arith.constant 0 : index
    %swap3A_51 = arith.constant 0 : index
    %swap3A_52 = vector.load %arg13[%swap3A, %swap3A_51] : memref<256x512xf32, #tpu.memory_space<vmem>>, vector<256x512xf32>
    tpu.vector_store %arg13[%swap3A, %swap3A_51], %broadcast_in_dim3A_50 {strides = array<i32>} : memref<256x512xf32, #tpu.memory_space<vmem>>, vector<256x512xf32>,
    %broadcast_in_dim3A_53 = arith.constant 0.000000e+00 : f32
    %broadcast_in_dim3A_54 = vector.broadcast %broadcast_in_dim3A_53 : f32 to vector<256x4xf32>
    %swap3A_55 = arith.constant 0 : index
    %swap3A_56 = arith.constant 0 : index
    %swap3A_57 = vector.load %arg14[%swap3A_55, %swap3A_56] : memref<256x4xf32, #tpu.memory_space<vmem>>, vector<256x4xf32>
    tpu.vector_store %arg14[%swap3A_55, %swap3A_56], %broadcast_in_dim3A_54 {strides = array<i32>} : memref<256x4xf32, #tpu.memory_space<vmem>>, vector<256x4xf32>,
    %gt3A = arith.constant 0 : i32
    %gt3A_58 = arith.cmpi sgt, %select_n3A_49, %gt3A : i32
    %convert_element_type3A = arith.extui %gt3A_58 : i1 to i32
    %cond3A = arith.constant 0 : i32
    %cond3A_59 = arith.cmpi ne, %convert_element_type3A, %cond3A : i32
    scf.if %cond3A_59 {
      %add3A_144 = arith.constant 0 : i32
      %add3A_145 = arith.addi %mul3A_20, %add3A_144 : i32
      %dma_start3A = arith.constant 0 : i32
      %dma_start3A_146 = arith.constant 0 : i32
      %dma_start3A_147 = tpu.memref_slice %arg15[%dma_start3A_146] : memref<2x!tpu.dma_semaphore, #tpu.memory_space<semaphore_mem>> -> memref<1x!tpu.dma_semaphore, #tpu.memory_space<semaphore_mem>>
      %dma_start3A_148 = tpu.memref_squeeze %dma_start3A_147 : memref<1x!tpu.dma_semaphore, #tpu.memory_space<semaphore_mem>> -> memref<!tpu.dma_semaphore, #tpu.memory_space<semaphore_mem>>
      %dma_start3A_149 = arith.constant 0 : i32
      %dma_start3A_150 = arith.constant 0 : i32
      %dma_start3A_151 = tpu.memref_slice %arg11[%dma_start3A, %dma_start3A_149, %dma_start3A_150] : memref<2x1024x128xf32, #tpu.memory_space<vmem>> -> memref<1x1024x128xf32, #tpu.memory_space<vmem>>
      %dma_start3A_152 = tpu.memref_squeeze %dma_start3A_151 : memref<1x1024x128xf32, #tpu.memory_space<vmem>> -> memref<1024x128xf32, #tpu.memory_space<vmem>>
      %dma_start3A_153 = arith.constant 0 : i32
      %dma_start3A_154 = tpu.memref_slice %arg2[%add3A_145, %dma_start3A_153] : memref<161024x128xf32, #tpu.memory_space<any>> -> memref<1024x128xf32, #tpu.memory_space<any>>
      tpu.enqueue_dma source(%dma_start3A_154 : memref<1024x128xf32, #tpu.memory_space<any>>) target(%dma_start3A_152 : memref<1024x128xf32, #tpu.memory_space<vmem>>) target_semaphore(%dma_start3A_148 : memref<!tpu.dma_semaphore, #tpu.memory_space<semaphore_mem>>)
      %dma_start3A_155 = arith.constant 0 : i32
      %dma_start3A_156 = arith.constant 0 : i32
      %dma_start3A_157 = tpu.memref_slice %arg16[%dma_start3A_156] : memref<2x!tpu.dma_semaphore, #tpu.memory_space<semaphore_mem>> -> memref<1x!tpu.dma_semaphore, #tpu.memory_space<semaphore_mem>>
      %dma_start3A_158 = tpu.memref_squeeze %dma_start3A_157 : memref<1x!tpu.dma_semaphore, #tpu.memory_space<semaphore_mem>> -> memref<!tpu.dma_semaphore, #tpu.memory_space<semaphore_mem>>
      %dma_start3A_159 = arith.constant 0 : i32
      %dma_start3A_160 = arith.constant 0 : i32
      %dma_start3A_161 = tpu.memref_slice %arg12[%dma_start3A_155, %dma_start3A_159, %dma_start3A_160] : memref<2x1024x1xi32, #tpu.memory_space<vmem>> -> memref<1x1024x1xi32, #tpu.memory_space<vmem>>
      %dma_start3A_162 = tpu.memref_squeeze %dma_start3A_161 : memref<1x1024x1xi32, #tpu.memory_space<vmem>> -> memref<1024x1xi32, #tpu.memory_space<vmem>>
      %dma_start3A_163 = arith.constant 0 : i32
      %dma_start3A_164 = tpu.memref_slice %arg3[%add3A_145, %dma_start3A_163] : memref<161024x1xi32, #tpu.memory_space<any>> -> memref<1024x1xi32, #tpu.memory_space<any>>
      tpu.enqueue_dma source(%dma_start3A_164 : memref<1024x1xi32, #tpu.memory_space<any>>) target(%dma_start3A_162 : memref<1024x1xi32, #tpu.memory_space<vmem>>) target_semaphore(%dma_start3A_158 : memref<!tpu.dma_semaphore, #tpu.memory_space<semaphore_mem>>)
    } else {
    }
    %while3A = arith.constant 0 : i32
    %while3A_60 = arith.constant 0 : i32
    %while3A_61 = arith.subi %select_n3A_49, %while3A_60 : i32
    %while3A_62 = arith.addi %while3A_60, %while3A_61 : i32
    %while3A_63 = arith.constant 1 : i32
    %while3A_64 = arith.divsi %while3A_61, %while3A_63 : i32
    %while3A_65 = arith.muli %while3A_64, %while3A_63 : i32
    %while3A_66 = arith.addi %while3A_60, %while3A_65 : i32
    %while3A_67 = arith.constant 1 : i32
    scf.for %while3A_144 = %while3A_60 to %while3A_66 step %while3A_67  : i32 {
      %add3A_145 = arith.constant 1 : i32
      %add3A_146 = arith.addi %while3A_144, %add3A_145 : i32
      %lt3A = arith.cmpi slt, %add3A_146, %select_n3A_49 : i32
      %convert_element_type3A_147 = arith.extui %lt3A : i1 to i32
      %cond3A_148 = arith.constant 0 : i32
      %cond3A_149 = arith.cmpi ne, %convert_element_type3A_147, %cond3A_148 : i32
      scf.if %cond3A_149 {
        %add3A_270 = arith.constant 1 : i32
        %add3A_271 = arith.addi %while3A_144, %add3A_270 : i32
        %and3A_272 = arith.constant 1 : i32
        %and3A_273 = arith.andi %add3A_271, %and3A_272 : i32
        %mul3A_274 = arith.constant 1024 : i32
        %mul3A_275 = arith.muli %add3A_271, %mul3A_274 : i32
        %add3A_276 = arith.addi %mul3A_20, %mul3A_275 : i32
        %dma_start3A = tpu.memref_slice %arg15[%and3A_273] : memref<2x!tpu.dma_semaphore, #tpu.memory_space<semaphore_mem>> -> memref<1x!tpu.dma_semaphore, #tpu.memory_space<semaphore_mem>>
        %dma_start3A_277 = tpu.memref_squeeze %dma_start3A : memref<1x!tpu.dma_semaphore, #tpu.memory_space<semaphore_mem>> -> memref<!tpu.dma_semaphore, #tpu.memory_space<semaphore_mem>>
        %dma_start3A_278 = arith.constant 0 : i32
        %dma_start3A_279 = arith.constant 0 : i32
        %dma_start3A_280 = tpu.memref_slice %arg11[%and3A_273, %dma_start3A_278, %dma_start3A_279] : memref<2x1024x128xf32, #tpu.memory_space<vmem>> -> memref<1x1024x128xf32, #tpu.memory_space<vmem>>
        %dma_start3A_281 = tpu.memref_squeeze %dma_start3A_280 : memref<1x1024x128xf32, #tpu.memory_space<vmem>> -> memref<1024x128xf32, #tpu.memory_space<vmem>>
        %dma_start3A_282 = arith.constant 0 : i32
        %dma_start3A_283 = tpu.memref_slice %arg2[%add3A_276, %dma_start3A_282] : memref<161024x128xf32, #tpu.memory_space<any>> -> memref<1024x128xf32, #tpu.memory_space<any>>
        tpu.enqueue_dma source(%dma_start3A_283 : memref<1024x128xf32, #tpu.memory_space<any>>) target(%dma_start3A_281 : memref<1024x128xf32, #tpu.memory_space<vmem>>) target_semaphore(%dma_start3A_277 : memref<!tpu.dma_semaphore, #tpu.memory_space<semaphore_mem>>)
        %dma_start3A_284 = tpu.memref_slice %arg16[%and3A_273] : memref<2x!tpu.dma_semaphore, #tpu.memory_space<semaphore_mem>> -> memref<1x!tpu.dma_semaphore, #tpu.memory_space<semaphore_mem>>
        %dma_start3A_285 = tpu.memref_squeeze %dma_start3A_284 : memref<1x!tpu.dma_semaphore, #tpu.memory_space<semaphore_mem>> -> memref<!tpu.dma_semaphore, #tpu.memory_space<semaphore_mem>>
        %dma_start3A_286 = arith.constant 0 : i32
        %dma_start3A_287 = arith.constant 0 : i32
        %dma_start3A_288 = tpu.memref_slice %arg12[%and3A_273, %dma_start3A_286, %dma_start3A_287] : memref<2x1024x1xi32, #tpu.memory_space<vmem>> -> memref<1x1024x1xi32, #tpu.memory_space<vmem>>
        %dma_start3A_289 = tpu.memref_squeeze %dma_start3A_288 : memref<1x1024x1xi32, #tpu.memory_space<vmem>> -> memref<1024x1xi32, #tpu.memory_space<vmem>>
        %dma_start3A_290 = arith.constant 0 : i32
        %dma_start3A_291 = tpu.memref_slice %arg3[%add3A_276, %dma_start3A_290] : memref<161024x1xi32, #tpu.memory_space<any>> -> memref<1024x1xi32, #tpu.memory_space<any>>
        tpu.enqueue_dma source(%dma_start3A_291 : memref<1024x1xi32, #tpu.memory_space<any>>) target(%dma_start3A_289 : memref<1024x1xi32, #tpu.memory_space<vmem>>) target_semaphore(%dma_start3A_285 : memref<!tpu.dma_semaphore, #tpu.memory_space<semaphore_mem>>)
      } else {
      }
      %and3A_150 = arith.constant 1 : i32
      %and3A_151 = arith.andi %while3A_144, %and3A_150 : i32
      %mul3A_152 = arith.constant 1024 : i32
      %mul3A_153 = arith.muli %while3A_144, %mul3A_152 : i32
      %add3A_154 = arith.addi %mul3A_20, %mul3A_153 : i32
      %and3A_155 = arith.constant 1 : i32
      %and3A_156 = arith.andi %while3A_144, %and3A_155 : i32
      %mul3A_157 = arith.constant 1024 : i32
      %mul3A_158 = arith.muli %while3A_144, %mul3A_157 : i32
      %add3A_159 = arith.addi %mul3A_20, %mul3A_158 : i32
      %dma_wait3A = tpu.memref_slice %arg15[%and3A_156] : memref<2x!tpu.dma_semaphore, #tpu.memory_space<semaphore_mem>> -> memref<1x!tpu.dma_semaphore, #tpu.memory_space<semaphore_mem>>
      %dma_wait3A_160 = tpu.memref_squeeze %dma_wait3A : memref<1x!tpu.dma_semaphore, #tpu.memory_space<semaphore_mem>> -> memref<!tpu.dma_semaphore, #tpu.memory_space<semaphore_mem>>
      %dma_wait3A_161 = arith.constant 0 : i32
      %dma_wait3A_162 = arith.constant 0 : i32
      %dma_wait3A_163 = tpu.memref_slice %arg11[%and3A_156, %dma_wait3A_161, %dma_wait3A_162] : memref<2x1024x128xf32, #tpu.memory_space<vmem>> -> memref<1x1024x128xf32, #tpu.memory_space<vmem>>
      %dma_wait3A_164 = tpu.memref_squeeze %dma_wait3A_163 : memref<1x1024x128xf32, #tpu.memory_space<vmem>> -> memref<1024x128xf32, #tpu.memory_space<vmem>>
      %dma_wait3A_165 = arith.constant 0 : i32
      %dma_wait3A_166 = tpu.memref_slice %arg2[%add3A_159, %dma_wait3A_165] : memref<161024x128xf32, #tpu.memory_space<any>> -> memref<1024x128xf32, #tpu.memory_space<any>>
      tpu.wait_dma2 semaphore(%dma_wait3A_160 : memref<!tpu.dma_semaphore, #tpu.memory_space<semaphore_mem>>) src(%dma_wait3A_166 : memref<1024x128xf32, #tpu.memory_space<any>>) dst(%dma_wait3A_164 : memref<1024x128xf32, #tpu.memory_space<vmem>>)
      %dma_wait3A_167 = tpu.memref_slice %arg16[%and3A_156] : memref<2x!tpu.dma_semaphore, #tpu.memory_space<semaphore_mem>> -> memref<1x!tpu.dma_semaphore, #tpu.memory_space<semaphore_mem>>
      %dma_wait3A_168 = tpu.memref_squeeze %dma_wait3A_167 : memref<1x!tpu.dma_semaphore, #tpu.memory_space<semaphore_mem>> -> memref<!tpu.dma_semaphore, #tpu.memory_space<semaphore_mem>>
      %dma_wait3A_169 = arith.constant 0 : i32
      %dma_wait3A_170 = arith.constant 0 : i32
      %dma_wait3A_171 = tpu.memref_slice %arg12[%and3A_156, %dma_wait3A_169, %dma_wait3A_170] : memref<2x1024x1xi32, #tpu.memory_space<vmem>> -> memref<1x1024x1xi32, #tpu.memory_space<vmem>>
      %dma_wait3A_172 = tpu.memref_squeeze %dma_wait3A_171 : memref<1x1024x1xi32, #tpu.memory_space<vmem>> -> memref<1024x1xi32, #tpu.memory_space<vmem>>
      %dma_wait3A_173 = arith.constant 0 : i32
      %dma_wait3A_174 = tpu.memref_slice %arg3[%add3A_159, %dma_wait3A_173] : memref<161024x1xi32, #tpu.memory_space<any>> -> memref<1024x1xi32, #tpu.memory_space<any>>
      tpu.wait_dma2 semaphore(%dma_wait3A_168 : memref<!tpu.dma_semaphore, #tpu.memory_space<semaphore_mem>>) src(%dma_wait3A_174 : memref<1024x1xi32, #tpu.memory_space<any>>) dst(%dma_wait3A_172 : memref<1024x1xi32, #tpu.memory_space<vmem>>)
      %get3A_175 = arith.index_cast %and3A_151 : i32 to index
      %get3A_176 = arith.constant 0 : index
      %get3A_177 = arith.constant 0 : index
      %get3A_178 = vector.load %arg12[%get3A_175, %get3A_176, %get3A_177] : memref<2x1024x1xi32, #tpu.memory_space<vmem>>, vector<1x1024x1xi32>
      %get3A_179 = vector.shape_cast %get3A_178 : vector<1x1024x1xi32> to vector<1024x1xi32>
      %iota3A = tpu.iota {dimensions = array<i32: 0>} : vector<1024x1xi32>
      %add3A_180 = vector.broadcast %add3A_154 : i32 to vector<1024x1xi32>
      %add3A_181 = arith.addi %iota3A, %add3A_180 : vector<1024x1xi32>
      %ge3A = vector.broadcast %get3A_0 : i32 to vector<1024x1xi32>
      %ge3A_182 = arith.cmpi sge, %add3A_181, %ge3A : vector<1024x1xi32>
      %lt3A_183 = vector.broadcast %get3A_3 : i32 to vector<1024x1xi32>
      %lt3A_184 = arith.cmpi slt, %add3A_181, %lt3A_183 : vector<1024x1xi32>
      %and3A_185 = arith.andi %ge3A_182, %lt3A_184 : vector<1024x1xi1>
      %mul3A_186 = arith.constant 256 : i32
      %mul3A_187 = arith.muli %arg0, %mul3A_186 : i32
      %sub3A_188 = vector.broadcast %mul3A_187 : i32 to vector<1024x1xi32>
      %sub3A_189 = arith.subi %get3A_179, %sub3A_188 : vector<1024x1xi32>
      %jit3A_190 = arith.constant 0 : i32
      %jit3A_191 = arith.constant 255 : i32
      %max3A = vector.broadcast %jit3A_190 : i32 to vector<1024x1xi32>
      %max3A_192 = arith.maxsi %max3A, %sub3A_189 : vector<1024x1xi32>
      %min3A_193 = vector.broadcast %jit3A_191 : i32 to vector<1024x1xi32>
      %min3A_194 = arith.minsi %min3A_193, %max3A_192 : vector<1024x1xi32>
      %iota3A_195 = tpu.iota {dimensions = array<i32: 1>} : vector<1024x256xi32>
      %eq3A_196 = vector.broadcast %min3A_194 : vector<1024x1xi32> to vector<1024x256xi32>
      %eq3A_197 = arith.cmpi eq, %eq3A_196, %iota3A_195 : vector<1024x256xi32>
      %and3A_198 = vector.broadcast %and3A_185 : vector<1024x1xi1> to vector<1024x256xi1>
      %and3A_199 = arith.andi %eq3A_197, %and3A_198 : vector<1024x256xi1>
      %jit3A_200 = arith.constant 1.000000e+00 : f32
      %jit3A_201 = arith.constant 0.000000e+00 : f32
      %broadcast_in_dim3A_202 = vector.broadcast %jit3A_200 : f32 to vector<1024x256xf32>
      %broadcast_in_dim3A_203 = vector.broadcast %jit3A_201 : f32 to vector<1024x256xf32>
      %select_n3A_204 = arith.select %and3A_199, %broadcast_in_dim3A_202, %broadcast_in_dim3A_203 : vector<1024x256xi1>, vector<1024x256xf32>
      %get3A_205 = arith.index_cast %and3A_151 : i32 to index
      %get3A_206 = arith.constant 0 : index
      %get3A_207 = arith.constant 0 : index
      %get3A_208 = vector.load %arg11[%get3A_205, %get3A_206, %get3A_207] : memref<2x1024x128xf32, #tpu.memory_space<vmem>>, vector<1x1024x128xf32>
      %get3A_209 = vector.shape_cast %get3A_208 : vector<1x1024x128xf32> to vector<1024x128xf32>
      %jit3A_210 = arith.constant 0.000000e+00 : f32
      %broadcast_in_dim3A_211 = vector.shape_cast %and3A_185 : vector<1024x1xi1> to vector<1024x1xi1>
      %broadcast_in_dim3A_212 = vector.broadcast %broadcast_in_dim3A_211 : vector<1024x1xi1> to vector<1024x128xi1>
      %broadcast_in_dim3A_213 = vector.broadcast %jit3A_210 : f32 to vector<1024x128xf32>
      %select_n3A_214 = arith.select %broadcast_in_dim3A_212, %get3A_209, %broadcast_in_dim3A_213 : vector<1024x128xi1>, vector<1024x128xf32>
      %get3A_215 = arith.constant 0 : index
      %get3A_216 = arith.constant 0 : index
      %get3A_217 = vector.load %arg5[%get3A_215, %get3A_216] : memref<4x128xf32, #tpu.memory_space<vmem>>, vector<4x128xf32>
      %dot_general3A_218 = arith.constant dense<0.000000e+00> : vector<1024x4xf32>
      %dot_general3A_219 = tpu.matmul %select_n3A_214, %get3A_217, %dot_general3A_218 {dimension_numbers = #tpu.dot_dimension_numbers<[1], [1], [0], [0], [0, 0, 1, 0], [], []>, transpose_lhs_hint = false} : vector<1024x128xf32>, vector<4x128xf32>, vector<1024x4xf32> -> vector<1024x4xf32>
      %get3A_220 = arith.constant 0 : index
      %get3A_221 = arith.constant 0 : index
      %get3A_222 = vector.load %arg4[%get3A_220, %get3A_221] : memref<256x128xf32, #tpu.memory_space<vmem>>, vector<256x4xf32>
      %dot_general3A_223 = arith.constant dense<0.000000e+00> : vector<1024x4xf32>
      %dot_general3A_224 = tpu.matmul %select_n3A_204, %get3A_222, %dot_general3A_223 {dimension_numbers = #tpu.dot_dimension_numbers<[1], [0], [0], [1], [0, 0, 1, 1], [], []>, transpose_lhs_hint = false} : vector<1024x256xf32>, vector<256x4xf32>, vector<1024x4xf32> -> vector<1024x4xf32>
      %add3A_225 = arith.addf %dot_general3A_224, %dot_general3A_219 : vector<1024x4xf32>
      %gt3A_226 = arith.constant 0.000000e+00 : f32
      %gt3A_227 = vector.broadcast %gt3A_226 : f32 to vector<1024x4xf32>
      %gt3A_228 = arith.cmpf ogt, %add3A_225, %gt3A_227 : vector<1024x4xf32>
      %mul3A_229 = arith.constant 0.00999999977 : f32
      %mul3A_230 = vector.broadcast %mul3A_229 : f32 to vector<1024x4xf32>
      %mul3A_231 = arith.mulf %mul3A_230, %add3A_225 : vector<1024x4xf32>
      %select_n3A_232 = arith.select %gt3A_228, %add3A_225, %mul3A_231 : vector<1024x4xi1>, vector<1024x4xf32>
      %exp3A_233 = math.exp %select_n3A_232 : vector<1024x4xf32>
      %jit3A_234 = arith.constant 0.000000e+00 : f32
      %broadcast_in_dim3A_235 = vector.shape_cast %and3A_185 : vector<1024x1xi1> to vector<1024x1xi1>
      %broadcast_in_dim3A_236 = vector.broadcast %broadcast_in_dim3A_235 : vector<1024x1xi1> to vector<1024x4xi1>
      %broadcast_in_dim3A_237 = vector.broadcast %jit3A_234 : f32 to vector<1024x4xf32>
      %select_n3A_238 = arith.select %broadcast_in_dim3A_236, %exp3A_233, %broadcast_in_dim3A_237 : vector<1024x4xi1>, vector<1024x4xf32>
      %slice3A_239 = vector.extract_strided_slice %select_n3A_238 {offsets = [0, 0], sizes = [1024, 1], strides = [1, 1]} : vector<1024x4xf32> to vector<1024x1xf32>
      %mul3A_240 = vector.broadcast %slice3A_239 : vector<1024x1xf32> to vector<1024x128xf32>
      %mul3A_241 = arith.mulf %mul3A_240, %select_n3A_214 : vector<1024x128xf32>
      %slice3A_242 = vector.extract_strided_slice %select_n3A_238 {offsets = [0, 1], sizes = [1024, 1], strides = [1, 1]} : vector<1024x4xf32> to vector<1024x1xf32>
      %mul3A_243 = vector.broadcast %slice3A_242 : vector<1024x1xf32> to vector<1024x128xf32>
      %mul3A_244 = arith.mulf %mul3A_243, %select_n3A_214 : vector<1024x128xf32>
      %slice3A_245 = vector.extract_strided_slice %select_n3A_238 {offsets = [0, 2], sizes = [1024, 1], strides = [1, 1]} : vector<1024x4xf32> to vector<1024x1xf32>
      %mul3A_246 = vector.broadcast %slice3A_245 : vector<1024x1xf32> to vector<1024x128xf32>
      %mul3A_247 = arith.mulf %mul3A_246, %select_n3A_214 : vector<1024x128xf32>
      %slice3A_248 = vector.extract_strided_slice %select_n3A_238 {offsets = [0, 3], sizes = [1024, 1], strides = [1, 1]} : vector<1024x4xf32> to vector<1024x1xf32>
      %mul3A_249 = vector.broadcast %slice3A_248 : vector<1024x1xf32> to vector<1024x128xf32>
      %mul3A_250 = arith.mulf %mul3A_249, %select_n3A_214 : vector<1024x128xf32>
      %concatenate3A_251 = tpu.concatenate %mul3A_241, %mul3A_244, %mul3A_247, %mul3A_250 in 1 : vector<1024x128xf32>, vector<1024x128xf32>, vector<1024x128xf32>, vector<1024x128xf32> -> vector<1024x512xf32>
      %get3A_252 = arith.constant 0 : index
      %get3A_253 = arith.constant 0 : index
      %get3A_254 = vector.load %arg13[%get3A_252, %get3A_253] : memref<256x512xf32, #tpu.memory_space<vmem>>, vector<256x512xf32>
      %dot_general3A_255 = arith.constant dense<0.000000e+00> : vector<256x512xf32>
      %dot_general3A_256 = tpu.matmul %select_n3A_204, %concatenate3A_251, %dot_general3A_255 {dimension_numbers = #tpu.dot_dimension_numbers<[0], [0], [1], [1], [0, 1, 1, 1], [], []>, transpose_lhs_hint = false} : vector<1024x256xf32>, vector<1024x512xf32>, vector<256x512xf32> -> vector<256x512xf32>
      %add3A_257 = arith.addf %get3A_254, %dot_general3A_256 : vector<256x512xf32>
      %swap3A_258 = arith.constant 0 : index
      %swap3A_259 = arith.constant 0 : index
      %swap3A_260 = vector.load %arg13[%swap3A_258, %swap3A_259] : memref<256x512xf32, #tpu.memory_space<vmem>>, vector<256x512xf32>
      tpu.vector_store %arg13[%swap3A_258, %swap3A_259], %add3A_257 {strides = array<i32>} : memref<256x512xf32, #tpu.memory_space<vmem>>, vector<256x512xf32>,
      %get3A_261 = arith.constant 0 : index
      %get3A_262 = arith.constant 0 : index
      %get3A_263 = vector.load %arg14[%get3A_261, %get3A_262] : memref<256x4xf32, #tpu.memory_space<vmem>>, vector<256x4xf32>
      %dot_general3A_264 = arith.constant dense<0.000000e+00> : vector<256x4xf32>
      %dot_general3A_265 = tpu.matmul %select_n3A_204, %select_n3A_238, %dot_general3A_264 {dimension_numbers = #tpu.dot_dimension_numbers<[0], [0], [1], [1], [0, 1, 1, 1], [], []>, transpose_lhs_hint = false} : vector<1024x256xf32>, vector<1024x4xf32>, vector<256x4xf32> -> vector<256x4xf32>
      %add3A_266 = arith.addf %get3A_263, %dot_general3A_265 : vector<256x4xf32>
      %swap3A_267 = arith.constant 0 : index
      %swap3A_268 = arith.constant 0 : index
      %swap3A_269 = vector.load %arg14[%swap3A_267, %swap3A_268] : memref<256x4xf32, #tpu.memory_space<vmem>>, vector<256x4xf32>
      tpu.vector_store %arg14[%swap3A_267, %swap3A_268], %add3A_266 {strides = array<i32>} : memref<256x4xf32, #tpu.memory_space<vmem>>, vector<256x4xf32>,
    }
    %while3A_68 = arith.constant 1 : i32
    scf.for %while3A_144 = %while3A_66 to %while3A_62 step %while3A_68  : i32 {
      %add3A_145 = arith.constant 1 : i32
      %add3A_146 = arith.addi %while3A_144, %add3A_145 : i32
      %lt3A = arith.cmpi slt, %add3A_146, %select_n3A_49 : i32
      %convert_element_type3A_147 = arith.extui %lt3A : i1 to i32
      %cond3A_148 = arith.constant 0 : i32
      %cond3A_149 = arith.cmpi ne, %convert_element_type3A_147, %cond3A_148 : i32
      scf.if %cond3A_149 {
        %add3A_270 = arith.constant 1 : i32
        %add3A_271 = arith.addi %while3A_144, %add3A_270 : i32
        %and3A_272 = arith.constant 1 : i32
        %and3A_273 = arith.andi %add3A_271, %and3A_272 : i32
        %mul3A_274 = arith.constant 1024 : i32
        %mul3A_275 = arith.muli %add3A_271, %mul3A_274 : i32
        %add3A_276 = arith.addi %mul3A_20, %mul3A_275 : i32
        %dma_start3A = tpu.memref_slice %arg15[%and3A_273] : memref<2x!tpu.dma_semaphore, #tpu.memory_space<semaphore_mem>> -> memref<1x!tpu.dma_semaphore, #tpu.memory_space<semaphore_mem>>
        %dma_start3A_277 = tpu.memref_squeeze %dma_start3A : memref<1x!tpu.dma_semaphore, #tpu.memory_space<semaphore_mem>> -> memref<!tpu.dma_semaphore, #tpu.memory_space<semaphore_mem>>
        %dma_start3A_278 = arith.constant 0 : i32
        %dma_start3A_279 = arith.constant 0 : i32
        %dma_start3A_280 = tpu.memref_slice %arg11[%and3A_273, %dma_start3A_278, %dma_start3A_279] : memref<2x1024x128xf32, #tpu.memory_space<vmem>> -> memref<1x1024x128xf32, #tpu.memory_space<vmem>>
        %dma_start3A_281 = tpu.memref_squeeze %dma_start3A_280 : memref<1x1024x128xf32, #tpu.memory_space<vmem>> -> memref<1024x128xf32, #tpu.memory_space<vmem>>
        %dma_start3A_282 = arith.constant 0 : i32
        %dma_start3A_283 = tpu.memref_slice %arg2[%add3A_276, %dma_start3A_282] : memref<161024x128xf32, #tpu.memory_space<any>> -> memref<1024x128xf32, #tpu.memory_space<any>>
        tpu.enqueue_dma source(%dma_start3A_283 : memref<1024x128xf32, #tpu.memory_space<any>>) target(%dma_start3A_281 : memref<1024x128xf32, #tpu.memory_space<vmem>>) target_semaphore(%dma_start3A_277 : memref<!tpu.dma_semaphore, #tpu.memory_space<semaphore_mem>>)
        %dma_start3A_284 = tpu.memref_slice %arg16[%and3A_273] : memref<2x!tpu.dma_semaphore, #tpu.memory_space<semaphore_mem>> -> memref<1x!tpu.dma_semaphore, #tpu.memory_space<semaphore_mem>>
        %dma_start3A_285 = tpu.memref_squeeze %dma_start3A_284 : memref<1x!tpu.dma_semaphore, #tpu.memory_space<semaphore_mem>> -> memref<!tpu.dma_semaphore, #tpu.memory_space<semaphore_mem>>
        %dma_start3A_286 = arith.constant 0 : i32
        %dma_start3A_287 = arith.constant 0 : i32
        %dma_start3A_288 = tpu.memref_slice %arg12[%and3A_273, %dma_start3A_286, %dma_start3A_287] : memref<2x1024x1xi32, #tpu.memory_space<vmem>> -> memref<1x1024x1xi32, #tpu.memory_space<vmem>>
        %dma_start3A_289 = tpu.memref_squeeze %dma_start3A_288 : memref<1x1024x1xi32, #tpu.memory_space<vmem>> -> memref<1024x1xi32, #tpu.memory_space<vmem>>
        %dma_start3A_290 = arith.constant 0 : i32
        %dma_start3A_291 = tpu.memref_slice %arg3[%add3A_276, %dma_start3A_290] : memref<161024x1xi32, #tpu.memory_space<any>> -> memref<1024x1xi32, #tpu.memory_space<any>>
        tpu.enqueue_dma source(%dma_start3A_291 : memref<1024x1xi32, #tpu.memory_space<any>>) target(%dma_start3A_289 : memref<1024x1xi32, #tpu.memory_space<vmem>>) target_semaphore(%dma_start3A_285 : memref<!tpu.dma_semaphore, #tpu.memory_space<semaphore_mem>>)
      } else {
      }
      %and3A_150 = arith.constant 1 : i32
      %and3A_151 = arith.andi %while3A_144, %and3A_150 : i32
      %mul3A_152 = arith.constant 1024 : i32
      %mul3A_153 = arith.muli %while3A_144, %mul3A_152 : i32
      %add3A_154 = arith.addi %mul3A_20, %mul3A_153 : i32
      %and3A_155 = arith.constant 1 : i32
      %and3A_156 = arith.andi %while3A_144, %and3A_155 : i32
      %mul3A_157 = arith.constant 1024 : i32
      %mul3A_158 = arith.muli %while3A_144, %mul3A_157 : i32
      %add3A_159 = arith.addi %mul3A_20, %mul3A_158 : i32
      %dma_wait3A = tpu.memref_slice %arg15[%and3A_156] : memref<2x!tpu.dma_semaphore, #tpu.memory_space<semaphore_mem>> -> memref<1x!tpu.dma_semaphore, #tpu.memory_space<semaphore_mem>>
      %dma_wait3A_160 = tpu.memref_squeeze %dma_wait3A : memref<1x!tpu.dma_semaphore, #tpu.memory_space<semaphore_mem>> -> memref<!tpu.dma_semaphore, #tpu.memory_space<semaphore_mem>>
      %dma_wait3A_161 = arith.constant 0 : i32
      %dma_wait3A_162 = arith.constant 0 : i32
      %dma_wait3A_163 = tpu.memref_slice %arg11[%and3A_156, %dma_wait3A_161, %dma_wait3A_162] : memref<2x1024x128xf32, #tpu.memory_space<vmem>> -> memref<1x1024x128xf32, #tpu.memory_space<vmem>>
      %dma_wait3A_164 = tpu.memref_squeeze %dma_wait3A_163 : memref<1x1024x128xf32, #tpu.memory_space<vmem>> -> memref<1024x128xf32, #tpu.memory_space<vmem>>
      %dma_wait3A_165 = arith.constant 0 : i32
      %dma_wait3A_166 = tpu.memref_slice %arg2[%add3A_159, %dma_wait3A_165] : memref<161024x128xf32, #tpu.memory_space<any>> -> memref<1024x128xf32, #tpu.memory_space<any>>
      tpu.wait_dma2 semaphore(%dma_wait3A_160 : memref<!tpu.dma_semaphore, #tpu.memory_space<semaphore_mem>>) src(%dma_wait3A_166 : memref<1024x128xf32, #tpu.memory_space<any>>) dst(%dma_wait3A_164 : memref<1024x128xf32, #tpu.memory_space<vmem>>)
      %dma_wait3A_167 = tpu.memref_slice %arg16[%and3A_156] : memref<2x!tpu.dma_semaphore, #tpu.memory_space<semaphore_mem>> -> memref<1x!tpu.dma_semaphore, #tpu.memory_space<semaphore_mem>>
      %dma_wait3A_168 = tpu.memref_squeeze %dma_wait3A_167 : memref<1x!tpu.dma_semaphore, #tpu.memory_space<semaphore_mem>> -> memref<!tpu.dma_semaphore, #tpu.memory_space<semaphore_mem>>
      %dma_wait3A_169 = arith.constant 0 : i32
      %dma_wait3A_170 = arith.constant 0 : i32
      %dma_wait3A_171 = tpu.memref_slice %arg12[%and3A_156, %dma_wait3A_169, %dma_wait3A_170] : memref<2x1024x1xi32, #tpu.memory_space<vmem>> -> memref<1x1024x1xi32, #tpu.memory_space<vmem>>
      %dma_wait3A_172 = tpu.memref_squeeze %dma_wait3A_171 : memref<1x1024x1xi32, #tpu.memory_space<vmem>> -> memref<1024x1xi32, #tpu.memory_space<vmem>>
      %dma_wait3A_173 = arith.constant 0 : i32
      %dma_wait3A_174 = tpu.memref_slice %arg3[%add3A_159, %dma_wait3A_173] : memref<161024x1xi32, #tpu.memory_space<any>> -> memref<1024x1xi32, #tpu.memory_space<any>>
      tpu.wait_dma2 semaphore(%dma_wait3A_168 : memref<!tpu.dma_semaphore, #tpu.memory_space<semaphore_mem>>) src(%dma_wait3A_174 : memref<1024x1xi32, #tpu.memory_space<any>>) dst(%dma_wait3A_172 : memref<1024x1xi32, #tpu.memory_space<vmem>>)
      %get3A_175 = arith.index_cast %and3A_151 : i32 to index
      %get3A_176 = arith.constant 0 : index
      %get3A_177 = arith.constant 0 : index
      %get3A_178 = vector.load %arg12[%get3A_175, %get3A_176, %get3A_177] : memref<2x1024x1xi32, #tpu.memory_space<vmem>>, vector<1x1024x1xi32>
      %get3A_179 = vector.shape_cast %get3A_178 : vector<1x1024x1xi32> to vector<1024x1xi32>
      %iota3A = tpu.iota {dimensions = array<i32: 0>} : vector<1024x1xi32>
      %add3A_180 = vector.broadcast %add3A_154 : i32 to vector<1024x1xi32>
      %add3A_181 = arith.addi %iota3A, %add3A_180 : vector<1024x1xi32>
      %ge3A = vector.broadcast %get3A_0 : i32 to vector<1024x1xi32>
      %ge3A_182 = arith.cmpi sge, %add3A_181, %ge3A : vector<1024x1xi32>
      %lt3A_183 = vector.broadcast %get3A_3 : i32 to vector<1024x1xi32>
      %lt3A_184 = arith.cmpi slt, %add3A_181, %lt3A_183 : vector<1024x1xi32>
      %and3A_185 = arith.andi %ge3A_182, %lt3A_184 : vector<1024x1xi1>
      %mul3A_186 = arith.constant 256 : i32
      %mul3A_187 = arith.muli %arg0, %mul3A_186 : i32
      %sub3A_188 = vector.broadcast %mul3A_187 : i32 to vector<1024x1xi32>
      %sub3A_189 = arith.subi %get3A_179, %sub3A_188 : vector<1024x1xi32>
      %jit3A_190 = arith.constant 0 : i32
      %jit3A_191 = arith.constant 255 : i32
      %max3A = vector.broadcast %jit3A_190 : i32 to vector<1024x1xi32>
      %max3A_192 = arith.maxsi %max3A, %sub3A_189 : vector<1024x1xi32>
      %min3A_193 = vector.broadcast %jit3A_191 : i32 to vector<1024x1xi32>
      %min3A_194 = arith.minsi %min3A_193, %max3A_192 : vector<1024x1xi32>
      %iota3A_195 = tpu.iota {dimensions = array<i32: 1>} : vector<1024x256xi32>
      %eq3A_196 = vector.broadcast %min3A_194 : vector<1024x1xi32> to vector<1024x256xi32>
      %eq3A_197 = arith.cmpi eq, %eq3A_196, %iota3A_195 : vector<1024x256xi32>
      %and3A_198 = vector.broadcast %and3A_185 : vector<1024x1xi1> to vector<1024x256xi1>
      %and3A_199 = arith.andi %eq3A_197, %and3A_198 : vector<1024x256xi1>
      %jit3A_200 = arith.constant 1.000000e+00 : f32
      %jit3A_201 = arith.constant 0.000000e+00 : f32
      %broadcast_in_dim3A_202 = vector.broadcast %jit3A_200 : f32 to vector<1024x256xf32>
      %broadcast_in_dim3A_203 = vector.broadcast %jit3A_201 : f32 to vector<1024x256xf32>
      %select_n3A_204 = arith.select %and3A_199, %broadcast_in_dim3A_202, %broadcast_in_dim3A_203 : vector<1024x256xi1>, vector<1024x256xf32>
      %get3A_205 = arith.index_cast %and3A_151 : i32 to index
      %get3A_206 = arith.constant 0 : index
      %get3A_207 = arith.constant 0 : index
      %get3A_208 = vector.load %arg11[%get3A_205, %get3A_206, %get3A_207] : memref<2x1024x128xf32, #tpu.memory_space<vmem>>, vector<1x1024x128xf32>
      %get3A_209 = vector.shape_cast %get3A_208 : vector<1x1024x128xf32> to vector<1024x128xf32>
      %jit3A_210 = arith.constant 0.000000e+00 : f32
      %broadcast_in_dim3A_211 = vector.shape_cast %and3A_185 : vector<1024x1xi1> to vector<1024x1xi1>
      %broadcast_in_dim3A_212 = vector.broadcast %broadcast_in_dim3A_211 : vector<1024x1xi1> to vector<1024x128xi1>
      %broadcast_in_dim3A_213 = vector.broadcast %jit3A_210 : f32 to vector<1024x128xf32>
      %select_n3A_214 = arith.select %broadcast_in_dim3A_212, %get3A_209, %broadcast_in_dim3A_213 : vector<1024x128xi1>, vector<1024x128xf32>
      %get3A_215 = arith.constant 0 : index
      %get3A_216 = arith.constant 0 : index
      %get3A_217 = vector.load %arg5[%get3A_215, %get3A_216] : memref<4x128xf32, #tpu.memory_space<vmem>>, vector<4x128xf32>
      %dot_general3A_218 = arith.constant dense<0.000000e+00> : vector<1024x4xf32>
      %dot_general3A_219 = tpu.matmul %select_n3A_214, %get3A_217, %dot_general3A_218 {dimension_numbers = #tpu.dot_dimension_numbers<[1], [1], [0], [0], [0, 0, 1, 0], [], []>, transpose_lhs_hint = false} : vector<1024x128xf32>, vector<4x128xf32>, vector<1024x4xf32> -> vector<1024x4xf32>
      %get3A_220 = arith.constant 0 : index
      %get3A_221 = arith.constant 0 : index
      %get3A_222 = vector.load %arg4[%get3A_220, %get3A_221] : memref<256x128xf32, #tpu.memory_space<vmem>>, vector<256x4xf32>
      %dot_general3A_223 = arith.constant dense<0.000000e+00> : vector<1024x4xf32>
      %dot_general3A_224 = tpu.matmul %select_n3A_204, %get3A_222, %dot_general3A_223 {dimension_numbers = #tpu.dot_dimension_numbers<[1], [0], [0], [1], [0, 0, 1, 1], [], []>, transpose_lhs_hint = false} : vector<1024x256xf32>, vector<256x4xf32>, vector<1024x4xf32> -> vector<1024x4xf32>
      %add3A_225 = arith.addf %dot_general3A_224, %dot_general3A_219 : vector<1024x4xf32>
      %gt3A_226 = arith.constant 0.000000e+00 : f32
      %gt3A_227 = vector.broadcast %gt3A_226 : f32 to vector<1024x4xf32>
      %gt3A_228 = arith.cmpf ogt, %add3A_225, %gt3A_227 : vector<1024x4xf32>
      %mul3A_229 = arith.constant 0.00999999977 : f32
      %mul3A_230 = vector.broadcast %mul3A_229 : f32 to vector<1024x4xf32>
      %mul3A_231 = arith.mulf %mul3A_230, %add3A_225 : vector<1024x4xf32>
      %select_n3A_232 = arith.select %gt3A_228, %add3A_225, %mul3A_231 : vector<1024x4xi1>, vector<1024x4xf32>
      %exp3A_233 = math.exp %select_n3A_232 : vector<1024x4xf32>
      %jit3A_234 = arith.constant 0.000000e+00 : f32
      %broadcast_in_dim3A_235 = vector.shape_cast %and3A_185 : vector<1024x1xi1> to vector<1024x1xi1>
      %broadcast_in_dim3A_236 = vector.broadcast %broadcast_in_dim3A_235 : vector<1024x1xi1> to vector<1024x4xi1>
      %broadcast_in_dim3A_237 = vector.broadcast %jit3A_234 : f32 to vector<1024x4xf32>
      %select_n3A_238 = arith.select %broadcast_in_dim3A_236, %exp3A_233, %broadcast_in_dim3A_237 : vector<1024x4xi1>, vector<1024x4xf32>
      %slice3A_239 = vector.extract_strided_slice %select_n3A_238 {offsets = [0, 0], sizes = [1024, 1], strides = [1, 1]} : vector<1024x4xf32> to vector<1024x1xf32>
      %mul3A_240 = vector.broadcast %slice3A_239 : vector<1024x1xf32> to vector<1024x128xf32>
      %mul3A_241 = arith.mulf %mul3A_240, %select_n3A_214 : vector<1024x128xf32>
      %slice3A_242 = vector.extract_strided_slice %select_n3A_238 {offsets = [0, 1], sizes = [1024, 1], strides = [1, 1]} : vector<1024x4xf32> to vector<1024x1xf32>
      %mul3A_243 = vector.broadcast %slice3A_242 : vector<1024x1xf32> to vector<1024x128xf32>
      %mul3A_244 = arith.mulf %mul3A_243, %select_n3A_214 : vector<1024x128xf32>
      %slice3A_245 = vector.extract_strided_slice %select_n3A_238 {offsets = [0, 2], sizes = [1024, 1], strides = [1, 1]} : vector<1024x4xf32> to vector<1024x1xf32>
      %mul3A_246 = vector.broadcast %slice3A_245 : vector<1024x1xf32> to vector<1024x128xf32>
      %mul3A_247 = arith.mulf %mul3A_246, %select_n3A_214 : vector<1024x128xf32>
      %slice3A_248 = vector.extract_strided_slice %select_n3A_238 {offsets = [0, 3], sizes = [1024, 1], strides = [1, 1]} : vector<1024x4xf32> to vector<1024x1xf32>
      %mul3A_249 = vector.broadcast %slice3A_248 : vector<1024x1xf32> to vector<1024x128xf32>
      %mul3A_250 = arith.mulf %mul3A_249, %select_n3A_214 : vector<1024x128xf32>
      %concatenate3A_251 = tpu.concatenate %mul3A_241, %mul3A_244, %mul3A_247, %mul3A_250 in 1 : vector<1024x128xf32>, vector<1024x128xf32>, vector<1024x128xf32>, vector<1024x128xf32> -> vector<1024x512xf32>
      %get3A_252 = arith.constant 0 : index
      %get3A_253 = arith.constant 0 : index
      %get3A_254 = vector.load %arg13[%get3A_252, %get3A_253] : memref<256x512xf32, #tpu.memory_space<vmem>>, vector<256x512xf32>
      %dot_general3A_255 = arith.constant dense<0.000000e+00> : vector<256x512xf32>
      %dot_general3A_256 = tpu.matmul %select_n3A_204, %concatenate3A_251, %dot_general3A_255 {dimension_numbers = #tpu.dot_dimension_numbers<[0], [0], [1], [1], [0, 1, 1, 1], [], []>, transpose_lhs_hint = false} : vector<1024x256xf32>, vector<1024x512xf32>, vector<256x512xf32> -> vector<256x512xf32>
      %add3A_257 = arith.addf %get3A_254, %dot_general3A_256 : vector<256x512xf32>
      %swap3A_258 = arith.constant 0 : index
      %swap3A_259 = arith.constant 0 : index
      %swap3A_260 = vector.load %arg13[%swap3A_258, %swap3A_259] : memref<256x512xf32, #tpu.memory_space<vmem>>, vector<256x512xf32>
      tpu.vector_store %arg13[%swap3A_258, %swap3A_259], %add3A_257 {strides = array<i32>} : memref<256x512xf32, #tpu.memory_space<vmem>>, vector<256x512xf32>,
      %get3A_261 = arith.constant 0 : index
      %get3A_262 = arith.constant 0 : index
      %get3A_263 = vector.load %arg14[%get3A_261, %get3A_262] : memref<256x4xf32, #tpu.memory_space<vmem>>, vector<256x4xf32>
      %dot_general3A_264 = arith.constant dense<0.000000e+00> : vector<256x4xf32>
      %dot_general3A_265 = tpu.matmul %select_n3A_204, %select_n3A_238, %dot_general3A_264 {dimension_numbers = #tpu.dot_dimension_numbers<[0], [0], [1], [1], [0, 1, 1, 1], [], []>, transpose_lhs_hint = false} : vector<1024x256xf32>, vector<1024x4xf32>, vector<256x4xf32> -> vector<256x4xf32>
      %add3A_266 = arith.addf %get3A_263, %dot_general3A_265 : vector<256x4xf32>
      %swap3A_267 = arith.constant 0 : index
      %swap3A_268 = arith.constant 0 : index
      %swap3A_269 = vector.load %arg14[%swap3A_267, %swap3A_268] : memref<256x4xf32, #tpu.memory_space<vmem>>, vector<256x4xf32>
      tpu.vector_store %arg14[%swap3A_267, %swap3A_268], %add3A_266 {strides = array<i32>} : memref<256x4xf32, #tpu.memory_space<vmem>>, vector<256x4xf32>,
    }
    %get3A_69 = arith.constant 0 : index
    %get3A_70 = arith.constant 0 : index
    %get3A_71 = vector.load %arg13[%get3A_69, %get3A_70] : memref<256x512xf32, #tpu.memory_space<vmem>>, vector<256x512xf32>
    %get3A_72 = arith.constant 0 : index
    %get3A_73 = arith.constant 0 : index
    %get3A_74 = vector.load %arg14[%get3A_72, %get3A_73] : memref<256x4xf32, #tpu.memory_space<vmem>>, vector<256x4xf32>
    %slice3A = vector.extract_strided_slice %get3A_71 {offsets = [0, 0], sizes = [256, 128], strides = [1, 1]} : vector<256x512xf32> to vector<256x128xf32>
    %slice3A_75 = vector.extract_strided_slice %get3A_74 {offsets = [0, 0], sizes = [256, 1], strides = [1, 1]} : vector<256x4xf32> to vector<256x1xf32>
    %add3A_76 = arith.constant 9.99999971E-10 : f32
    %add3A_77 = vector.broadcast %add3A_76 : f32 to vector<256x1xf32>
    %add3A_78 = arith.addf %slice3A_75, %add3A_77 : vector<256x1xf32>
    %div3A_79 = vector.broadcast %add3A_78 : vector<256x1xf32> to vector<256x128xf32>
    %div3A_80 = arith.divf %slice3A, %div3A_79 : vector<256x128xf32>
    %slice3A_81 = vector.extract_strided_slice %get3A_71 {offsets = [0, 128], sizes = [256, 128], strides = [1, 1]} : vector<256x512xf32> to vector<256x128xf32>
    %slice3A_82 = vector.extract_strided_slice %get3A_74 {offsets = [0, 1], sizes = [256, 1], strides = [1, 1]} : vector<256x4xf32> to vector<256x1xf32>
    %add3A_83 = arith.constant 9.99999971E-10 : f32
    %add3A_84 = vector.broadcast %add3A_83 : f32 to vector<256x1xf32>
    %add3A_85 = arith.addf %slice3A_82, %add3A_84 : vector<256x1xf32>
    %div3A_86 = vector.broadcast %add3A_85 : vector<256x1xf32> to vector<256x128xf32>
    %div3A_87 = arith.divf %slice3A_81, %div3A_86 : vector<256x128xf32>
    %slice3A_88 = vector.extract_strided_slice %get3A_71 {offsets = [0, 256], sizes = [256, 128], strides = [1, 1]} : vector<256x512xf32> to vector<256x128xf32>
    %slice3A_89 = vector.extract_strided_slice %get3A_74 {offsets = [0, 2], sizes = [256, 1], strides = [1, 1]} : vector<256x4xf32> to vector<256x1xf32>
    %add3A_90 = arith.constant 9.99999971E-10 : f32
    %add3A_91 = vector.broadcast %add3A_90 : f32 to vector<256x1xf32>
    %add3A_92 = arith.addf %slice3A_89, %add3A_91 : vector<256x1xf32>
    %div3A_93 = vector.broadcast %add3A_92 : vector<256x1xf32> to vector<256x128xf32>
    %div3A_94 = arith.divf %slice3A_88, %div3A_93 : vector<256x128xf32>
    %slice3A_95 = vector.extract_strided_slice %get3A_71 {offsets = [0, 384], sizes = [256, 128], strides = [1, 1]} : vector<256x512xf32> to vector<256x128xf32>
    %slice3A_96 = vector.extract_strided_slice %get3A_74 {offsets = [0, 3], sizes = [256, 1], strides = [1, 1]} : vector<256x4xf32> to vector<256x1xf32>
    %add3A_97 = arith.constant 9.99999971E-10 : f32
    %add3A_98 = vector.broadcast %add3A_97 : f32 to vector<256x1xf32>
    %add3A_99 = arith.addf %slice3A_96, %add3A_98 : vector<256x1xf32>
    %div3A_100 = vector.broadcast %add3A_99 : vector<256x1xf32> to vector<256x128xf32>
    %div3A_101 = arith.divf %slice3A_95, %div3A_100 : vector<256x128xf32>
    %concatenate3A = tpu.concatenate %div3A_80, %div3A_87, %div3A_94, %div3A_101 in 1 : vector<256x128xf32>, vector<256x128xf32>, vector<256x128xf32>, vector<256x128xf32> -> vector<256x512xf32>
    %gt3A_102 = arith.constant 0.000000e+00 : f32
    %gt3A_103 = vector.broadcast %gt3A_102 : f32 to vector<256x512xf32>
    %gt3A_104 = arith.cmpf ogt, %concatenate3A, %gt3A_103 : vector<256x512xf32>
    %min3A = arith.constant 0.000000e+00 : f32
    %min3A_105 = vector.broadcast %min3A : f32 to vector<256x512xf32>
    %min3A_106 = arith.minimumf %concatenate3A, %min3A_105 : vector<256x512xf32>
    %exp3A = math.exp %min3A_106 : vector<256x512xf32>
    %sub3A_107 = arith.constant 1.000000e+00 : f32
    %sub3A_108 = vector.broadcast %sub3A_107 : f32 to vector<256x512xf32>
    %sub3A_109 = arith.subf %exp3A, %sub3A_108 : vector<256x512xf32>
    %select_n3A_110 = arith.select %gt3A_104, %concatenate3A, %sub3A_109 : vector<256x512xi1>, vector<256x512xf32>
    %swap3A_111 = arith.constant 0 : index
    %swap3A_112 = arith.constant 0 : index
    %swap3A_113 = vector.load %arg9[%swap3A_111, %swap3A_112] : memref<256x512xf32, #tpu.memory_space<vmem>>, vector<256x512xf32>
    tpu.vector_store %arg9[%swap3A_111, %swap3A_112], %select_n3A_110 {strides = array<i32>} : memref<256x512xf32, #tpu.memory_space<vmem>>, vector<256x512xf32>,
    %get3A_114 = arith.constant 0 : index
    %get3A_115 = arith.constant 0 : index
    %get3A_116 = vector.load %arg6[%get3A_114, %get3A_115] : memref<512x128xf32, #tpu.memory_space<vmem>>, vector<512x128xf32>
    %dot_general3A = arith.constant dense<0.000000e+00> : vector<256x128xf32>
    %dot_general3A_117 = tpu.matmul %select_n3A_110, %get3A_116, %dot_general3A {dimension_numbers = #tpu.dot_dimension_numbers<[1], [0], [0], [1], [0, 0, 1, 1], [], []>, transpose_lhs_hint = false} : vector<256x512xf32>, vector<512x128xf32>, vector<256x128xf32> -> vector<256x128xf32>
    %get3A_118 = arith.constant 0 : index
    %get3A_119 = vector.load %arg7[%get3A_118] : memref<128xf32, #tpu.memory_space<vmem>>, vector<128xf32>
    %broadcast_in_dim3A_120 = vector.shape_cast %get3A_119 : vector<128xf32> to vector<1x128xf32>
    %add3A_121 = vector.broadcast %broadcast_in_dim3A_120 : vector<1x128xf32> to vector<256x128xf32>
    %add3A_122 = arith.addf %dot_general3A_117, %add3A_121 : vector<256x128xf32>
    %tanh3A = math.tanh %add3A_122 : vector<256x128xf32>
    %get3A_123 = arith.constant 0 : index
    %get3A_124 = arith.constant 0 : index
    %get3A_125 = vector.load %arg8[%get3A_123, %get3A_124] : memref<128x1xf32, #tpu.memory_space<vmem>>, vector<128x1xf32>
    %dot_general3A_126 = arith.constant dense<0.000000e+00> : vector<256x1xf32>
    %dot_general3A_127 = tpu.matmul %tanh3A, %get3A_125, %dot_general3A_126 {dimension_numbers = #tpu.dot_dimension_numbers<[1], [0], [0], [1], [0, 0, 1, 1], [], []>, transpose_lhs_hint = false} : vector<256x128xf32>, vector<128x1xf32>, vector<256x1xf32> -> vector<256x1xf32>
    %reduce_sum3A = vector.shape_cast %dot_general3A_127 : vector<256x1xf32> to vector<1x256x1xf32>
    %reduce_sum3A_128 = arith.constant dense<0.000000e+00> : vector<1xf32>
    %reduce_sum3A_129 = vector.multi_reduction <add>, %reduce_sum3A, %reduce_sum3A_128 [1, 2] : vector<1x256x1xf32> to vector<1xf32>
    %reduce_sum3A_130 = vector.shape_cast %reduce_sum3A_129 : vector<1xf32> to vector<1x1x1xf32>
    %reduce_sum3A_131 = vector.extract %reduce_sum3A_130[0, 0, 0] : f32 from vector<1x1x1xf32>
    %eq3A = arith.constant 0 : i32
    %eq3A_132 = arith.cmpi eq, %arg0, %eq3A : i32
    %convert_element_type3A_133 = arith.extui %eq3A_132 : i1 to i32
    %cond3A_134 = arith.constant 0 : i32
    %cond3A_135 = arith.cmpi ne, %convert_element_type3A_133, %cond3A_134 : i32
    scf.if %cond3A_135 {
      %broadcast_in_dim3A_144 = arith.constant 0.000000e+00 : f32
      %broadcast_in_dim3A_145 = vector.broadcast %broadcast_in_dim3A_144 : f32 to vector<1x1xf32>
      %swap3A_146 = arith.constant 0 : index
      %swap3A_147 = arith.constant 0 : index
      %swap3A_148 = vector.load %arg10[%swap3A_146, %swap3A_147] : memref<1x1xf32, #tpu.memory_space<vmem>>, vector<1x1xf32>
      tpu.vector_store %arg10[%swap3A_146, %swap3A_147], %broadcast_in_dim3A_145 {strides = array<i32>} : memref<1x1xf32, #tpu.memory_space<vmem>>, vector<1x1xf32>,
    } else {
    }
    %get3A_136 = arith.constant 0 : index
    %get3A_137 = arith.constant 0 : index
    %get3A_138 = vector.load %arg10[%get3A_136, %get3A_137] : memref<1x1xf32, #tpu.memory_space<vmem>>, vector<1x1xf32>
    %add3A_139 = vector.broadcast %reduce_sum3A_131 : f32 to vector<1x1xf32>
    %add3A_140 = arith.addf %get3A_138, %add3A_139 : vector<1x1xf32>
    %swap3A_141 = arith.constant 0 : index
    %swap3A_142 = arith.constant 0 : index
    %swap3A_143 = vector.load %arg10[%swap3A_141, %swap3A_142] : memref<1x1xf32, #tpu.memory_space<vmem>>, vector<1x1xf32>
    tpu.vector_store %arg10[%swap3A_141, %swap3A_142], %add3A_140 {strides = array<i32>} : memref<1x1xf32, #tpu.memory_space<vmem>>, vector<1x1xf32>,
    return
  }
  func.func @transform_0(%arg0: i32) -> i32 {
    %c0_i32 = arith.constant 0 : i32
    %c0_i32_0 = arith.constant 0 : i32
    return %c0_i32 : i32
  }
  func.func @transform_3(%arg0: i32) -> (i32, i32) {
    %c0_i32 = arith.constant 0 : i32
    %c0_i32_0 = arith.constant 0 : i32
    return %arg0, %c0_i32 : i32, i32
  }
  func.func @transform_4(%arg0: i32) -> (i32, i32) {
    %c0_i32 = arith.constant 0 : i32
    %c0_i32_0 = arith.constant 0 : i32
    %c0_i32_1 = arith.constant 0 : i32
    return %c0_i32, %c0_i32_0 : i32, i32
  }
  func.func @transform_5(%arg0: i32) -> (i32, i32) {
    %c0_i32 = arith.constant 0 : i32
    %c0_i32_0 = arith.constant 0 : i32
    %c0_i32_1 = arith.constant 0 : i32
    return %c0_i32, %c0_i32_0 : i32, i32
  }
  func.func @transform_6(%arg0: i32) -> i32 {
    %c0_i32 = arith.constant 0 : i32
    %c0_i32_0 = arith.constant 0 : i32
    return %c0_i32 : i32
  }
  func.func @transform_7(%arg0: i32) -> (i32, i32) {
    %c0_i32 = arith.constant 0 : i32
    %c0_i32_0 = arith.constant 0 : i32
    %c0_i32_1 = arith.constant 0 : i32
    return %c0_i32, %c0_i32_0 : i32, i32
  }
  func.func @transform_8(%arg0: i32) -> (i32, i32) {
    %c0_i32 = arith.constant 0 : i32
    %c0_i32_0 = arith.constant 0 : i32
    return %arg0, %c0_i32 : i32, i32
  }
  func.func @transform_9(%arg0: i32) -> (i32, i32) {
    %c0_i32 = arith.constant 0 : i32
    %c0_i32_0 = arith.constant 0 : i32
    %c0_i32_1 = arith.constant 0 : i32
    return %c0_i32, %c0_i32_0 : i32, i32
  }
}

module attributes {stable_mosaic.version = 14 : i64} {
  func.func @_tcc_body(%arg0: i32, %arg1: memref<256x512xf32, #tpu.memory_space<vmem>>, %arg2: memref<256x512xf32, #tpu.memory_space<vmem>>, %arg3: memref<1x1xf32, #tpu.memory_space<vmem>>, %arg4: memref<1x1xf32, #tpu.memory_space<vmem>>, %arg5: memref<512x128xf32, #tpu.memory_space<vmem>>, %arg6: memref<128xf32, #tpu.memory_space<vmem>>, %arg7: memref<256x512xf32, #tpu.memory_space<vmem>>, %arg8: memref<256x128xf32, #tpu.memory_space<vmem>>, %arg9: memref<2x1xf32, #tpu.memory_space<vmem>>) attributes {dimension_semantics = [#tpu.dimension_semantics<arbitrary>], iteration_bounds = array<i64: 32>, scalar_prefetch = 0 : i64, scratch_operands = 0 : i64, tpu.core_type = #tpu.core_type<tc>, window_params = [{transform_indices = @transform_0, window_bounds = array<i64: 256, 512>}, {transform_indices = @transform_1, window_bounds = array<i64: 256, 512>}, {pipeline_mode = #tpu.pipeline_mode<synchronous>, transform_indices = @transform_2, window_bounds = array<i64: 1, 1>}, {pipeline_mode = #tpu.pipeline_mode<synchronous>, transform_indices = @transform_3, window_bounds = array<i64: 1, 1>}, {pipeline_mode = #tpu.pipeline_mode<synchronous>, transform_indices = @transform_4, window_bounds = array<i64: 512, 128>}, {pipeline_mode = #tpu.pipeline_mode<synchronous>, transform_indices = @transform_5, window_bounds = array<i64: 128>}, {transform_indices = @transform_6, window_bounds = array<i64: 256, 512>}, {transform_indices = @transform_7, window_bounds = array<i64: 256, 128>}, {pipeline_mode = #tpu.pipeline_mode<synchronous>, transform_indices = @transform_8, window_bounds = array<i64: 2, 1>}]} {
    %get3A = arith.constant 0 : index
    %get3A_0 = arith.constant 0 : index
    %get3A_1 = vector.load %arg3[%get3A, %get3A_0] : memref<1x1xf32, #tpu.memory_space<vmem>>, vector<1x1xf32>
    %get3A_2 = arith.constant 0 : index
    %get3A_3 = arith.constant 0 : index
    %get3A_4 = vector.load %arg4[%get3A_2, %get3A_3] : memref<1x1xf32, #tpu.memory_space<vmem>>, vector<1x1xf32>
    %concatenate3A = tpu.concatenate %get3A_1, %get3A_4 in 0 : vector<1x1xf32>, vector<1x1xf32> -> vector<2x1xf32>
    %mul3A = arith.constant 1.22070313E-4 : f32
    %mul3A_5 = vector.broadcast %mul3A : f32 to vector<2x1xf32>
    %mul3A_6 = arith.mulf %concatenate3A, %mul3A_5 : vector<2x1xf32>
    %reduce_max3A = vector.shape_cast %mul3A_6 : vector<2x1xf32> to vector<1x2x1xf32>
    %reduce_max3A_7 = arith.constant dense<0xFF800000> : vector<1xf32>
    %reduce_max3A_8 = vector.multi_reduction <maximumf>, %reduce_max3A, %reduce_max3A_7 [1, 2] : vector<1x2x1xf32> to vector<1xf32>
    %reduce_max3A_9 = vector.shape_cast %reduce_max3A_8 : vector<1xf32> to vector<1x1x1xf32>
    %reduce_max3A_10 = vector.extract %reduce_max3A_9[0, 0, 0] : f32 from vector<1x1x1xf32>
    %sub3A = vector.broadcast %reduce_max3A_10 : f32 to vector<2x1xf32>
    %sub3A_11 = arith.subf %mul3A_6, %sub3A : vector<2x1xf32>
    %exp3A = math.exp %sub3A_11 : vector<2x1xf32>
    %reduce_sum3A = vector.shape_cast %exp3A : vector<2x1xf32> to vector<1x2x1xf32>
    %reduce_sum3A_12 = arith.constant dense<0.000000e+00> : vector<1xf32>
    %reduce_sum3A_13 = vector.multi_reduction <add>, %reduce_sum3A, %reduce_sum3A_12 [1, 2] : vector<1x2x1xf32> to vector<1xf32>
    %reduce_sum3A_14 = vector.shape_cast %reduce_sum3A_13 : vector<1xf32> to vector<1x1x1xf32>
    %reduce_sum3A_15 = vector.extract %reduce_sum3A_14[0, 0, 0] : f32 from vector<1x1x1xf32>
    %div3A = vector.broadcast %reduce_sum3A_15 : f32 to vector<2x1xf32>
    %div3A_16 = arith.divf %exp3A, %div3A : vector<2x1xf32>
    %eq3A = arith.constant 0 : i32
    %eq3A_17 = arith.cmpi eq, %arg0, %eq3A : i32
    %convert_element_type3A = arith.extui %eq3A_17 : i1 to i32
    %cond3A = arith.constant 0 : i32
    %cond3A_18 = arith.cmpi ne, %convert_element_type3A, %cond3A : i32
    scf.if %cond3A_18 {
      %swap3A_43 = arith.constant 0 : index
      %swap3A_44 = arith.constant 0 : index
      %swap3A_45 = vector.load %arg9[%swap3A_43, %swap3A_44] : memref<2x1xf32, #tpu.memory_space<vmem>>, vector<2x1xf32>
      tpu.vector_store %arg9[%swap3A_43, %swap3A_44], %div3A_16 {strides = array<i32>} : memref<2x1xf32, #tpu.memory_space<vmem>>, vector<2x1xf32>,
    } else {
    }
    %slice3A = vector.extract_strided_slice %div3A_16 {offsets = [0, 0], sizes = [1, 1], strides = [1, 1]} : vector<2x1xf32> to vector<1x1xf32>
    %get3A_19 = arith.constant 0 : index
    %get3A_20 = arith.constant 0 : index
    %get3A_21 = vector.load %arg1[%get3A_19, %get3A_20] : memref<256x512xf32, #tpu.memory_space<vmem>>, vector<256x512xf32>
    %mul3A_22 = vector.broadcast %slice3A : vector<1x1xf32> to vector<256x512xf32>
    %mul3A_23 = arith.mulf %mul3A_22, %get3A_21 : vector<256x512xf32>
    %slice3A_24 = vector.extract_strided_slice %div3A_16 {offsets = [1, 0], sizes = [1, 1], strides = [1, 1]} : vector<2x1xf32> to vector<1x1xf32>
    %get3A_25 = arith.constant 0 : index
    %get3A_26 = arith.constant 0 : index
    %get3A_27 = vector.load %arg2[%get3A_25, %get3A_26] : memref<256x512xf32, #tpu.memory_space<vmem>>, vector<256x512xf32>
    %mul3A_28 = vector.broadcast %slice3A_24 : vector<1x1xf32> to vector<256x512xf32>
    %mul3A_29 = arith.mulf %mul3A_28, %get3A_27 : vector<256x512xf32>
    %add3A = arith.addf %mul3A_23, %mul3A_29 : vector<256x512xf32>
    %swap3A = arith.constant 0 : index
    %swap3A_30 = arith.constant 0 : index
    %swap3A_31 = vector.load %arg7[%swap3A, %swap3A_30] : memref<256x512xf32, #tpu.memory_space<vmem>>, vector<256x512xf32>
    tpu.vector_store %arg7[%swap3A, %swap3A_30], %add3A {strides = array<i32>} : memref<256x512xf32, #tpu.memory_space<vmem>>, vector<256x512xf32>,
    %get3A_32 = arith.constant 0 : index
    %get3A_33 = arith.constant 0 : index
    %get3A_34 = vector.load %arg5[%get3A_32, %get3A_33] : memref<512x128xf32, #tpu.memory_space<vmem>>, vector<512x128xf32>
    %dot_general3A = arith.constant dense<0.000000e+00> : vector<256x128xf32>
    %dot_general3A_35 = tpu.matmul %add3A, %get3A_34, %dot_general3A {dimension_numbers = #tpu.dot_dimension_numbers<[1], [0], [0], [1], [0, 0, 1, 1], [], []>, transpose_lhs_hint = false} : vector<256x512xf32>, vector<512x128xf32>, vector<256x128xf32> -> vector<256x128xf32>
    %get3A_36 = arith.constant 0 : index
    %get3A_37 = vector.load %arg6[%get3A_36] : memref<128xf32, #tpu.memory_space<vmem>>, vector<128xf32>
    %broadcast_in_dim3A = vector.shape_cast %get3A_37 : vector<128xf32> to vector<1x128xf32>
    %add3A_38 = vector.broadcast %broadcast_in_dim3A : vector<1x128xf32> to vector<256x128xf32>
    %add3A_39 = arith.addf %dot_general3A_35, %add3A_38 : vector<256x128xf32>
    %swap3A_40 = arith.constant 0 : index
    %swap3A_41 = arith.constant 0 : index
    %swap3A_42 = vector.load %arg8[%swap3A_40, %swap3A_41] : memref<256x128xf32, #tpu.memory_space<vmem>>, vector<256x128xf32>
    tpu.vector_store %arg8[%swap3A_40, %swap3A_41], %add3A_39 {strides = array<i32>} : memref<256x128xf32, #tpu.memory_space<vmem>>, vector<256x128xf32>,
    return
  }
  func.func @transform_0(%arg0: i32) -> (i32, i32) {
    %c0_i32 = arith.constant 0 : i32
    %c0_i32_0 = arith.constant 0 : i32
    return %arg0, %c0_i32 : i32, i32
  }
  func.func @transform_1(%arg0: i32) -> (i32, i32) {
    %c0_i32 = arith.constant 0 : i32
    %c0_i32_0 = arith.constant 0 : i32
    return %arg0, %c0_i32 : i32, i32
  }
  func.func @transform_2(%arg0: i32) -> (i32, i32) {
    %c0_i32 = arith.constant 0 : i32
    %c0_i32_0 = arith.constant 0 : i32
    %c0_i32_1 = arith.constant 0 : i32
    return %c0_i32, %c0_i32_0 : i32, i32
  }
  func.func @transform_3(%arg0: i32) -> (i32, i32) {
    %c0_i32 = arith.constant 0 : i32
    %c0_i32_0 = arith.constant 0 : i32
    %c0_i32_1 = arith.constant 0 : i32
    return %c0_i32, %c0_i32_0 : i32, i32
  }
  func.func @transform_4(%arg0: i32) -> (i32, i32) {
    %c0_i32 = arith.constant 0 : i32
    %c0_i32_0 = arith.constant 0 : i32
    %c0_i32_1 = arith.constant 0 : i32
    return %c0_i32, %c0_i32_0 : i32, i32
  }
  func.func @transform_5(%arg0: i32) -> i32 {
    %c0_i32 = arith.constant 0 : i32
    %c0_i32_0 = arith.constant 0 : i32
    return %c0_i32 : i32
  }
  func.func @transform_6(%arg0: i32) -> (i32, i32) {
    %c0_i32 = arith.constant 0 : i32
    %c0_i32_0 = arith.constant 0 : i32
    return %arg0, %c0_i32 : i32, i32
  }
  func.func @transform_7(%arg0: i32) -> (i32, i32) {
    %c0_i32 = arith.constant 0 : i32
    %c0_i32_0 = arith.constant 0 : i32
    return %arg0, %c0_i32 : i32, i32
  }
  func.func @transform_8(%arg0: i32) -> (i32, i32) {
    %c0_i32 = arith.constant 0 : i32
    %c0_i32_0 = arith.constant 0 : i32
    %c0_i32_1 = arith.constant 0 : i32
    return %c0_i32, %c0_i32_0 : i32, i32
  }
}

</mosaic_0001>

<sc_bundles>
// kernel: kernel.11.cloned.1.call-start
scs
__scs_entry_jumppad:
0x0: {  	(pc) =	sbr.rel $0x88, $3  }
0x1: {  	(tag) =	ssettag $0x0;
	lr =	simm.s32 $0x1  }
0x2: {  	[smem:$0x3F90] =	sst lr;
	_ =	strace $0xD0000000  }
0x3: {  	_ = 	snop  }
0x4: {  	_ = 	snop  }
0x5: {  	_ = 	snop  }
0x6: {  	_ = 	snop  }
0x7: {  	_ = 	snop  }
__scs_overlays_trampoline_lowered:
0x8: {  	[smem:$0x3F9F] =	sst s0  }
0x9: {  	[smem:$0x3FA0] =	sst s1  }
0xa: {  	[smem:$0x3FA1] =	sst s2  }
0xb: {  	[smem:$0x3FA2] =	sst s3  }
0xc: {  	[smem:$0x3FA3] =	sst s4  }
0xd: {  	[smem:$0x3FA4] =	sst s5  }
0xe: {  	[smem:$0x3FA5] =	sst s6  }
0xf: {  	[smem:$0x3FA6] =	sst s7  }
0x10: {  	[smem:$0x3FA7] =	sst s8  }
0x11: {  	[smem:$0x3FA8] =	sst s9;
	s0 =	simm.s32 @!p0 $0x0  }
0x12: {  	s1 =	sld [smem:$0x3F8E];
	s0 =	simm.s32 @p0 $0x1  }
0x13: {  	[smem:$0x3FA9] =	sst s0;
	s0 =	simm.s32 @!p1 $0x0  }
0x14: {  	s2 =	sld [smem:$0x3F8D];
	s0 =	simm.s32 @p1 $0x1  }
0x15: {  	[smem:$0x3FAA] =	sst s0;
	s0 =	simm.s32 @!p2 $0x0  }
0x16: {  	s3 =	sld [smem:$0x3FDB];
	s0 =	simm.s32 @p2 $0x1  }
0x17: {  	s4 =	simm.s32 $0x1BF5;
	[smem:$0x3FAC] =	sst s0  }
0x18: {  	s0 =	sld [smem:$0x3F8F];
	_ =	swait.ge [sflag:s4], $0x0  }
0x19: {  	s7 =	sld [smem:$0x3F90]  }
0x1a: {  	s8 =	sadd.s32 $0xFFFFE003, lr  }
0x1b: {  	s9 =	sadd.s32 $0xFFFFFEF7, lr;
	s5 =	simm.s32 $0xFFFFFFFF;
	p2 =	slt.u32 s8, $0xFFFFF086  }
0x1c: {  	p1 =	slt.u32 s9, $0xF7A;
	s5 =	simm.s32 @!p2 $0x0  }
0x1d: {  	s5 =	simm.s32 @p1 $0x1;
	p0 =	seq.s32 s7, s2  }
0x1e: {  	s7 =	smul.u32 @!p0 $0xF7A, s2;
	p2 =	seq.s32 @!p0 s5, $0x0  }
0x1f: {  	s9 =	smul.u32 $0xF7A, s1;
	s8 =	simm.s32 @!p0 $0x1BF5;
	p2 =	por !p2, p0  }
0x20: {  	[sflag:s8] =	ssyncset.s32 @!p0 $0xFFFFF086;
	s6 =	sadd.s32 @!p0 s3, s7;
	s7 =	simm.s32 @!p0 $0x108  }
0x21: {  	s3 =	sadd.s32 s3, s9;
	s6 =	sadd.s32 @!p0 $0x88, s6;
	s7 =	simm.s32 @p2 $0x1082  }
0x22: {  	[simem:s7], [sflag:s8] =	dma.local @!p0 [hbm:s6], $0xF7A  }
0x23: {  	s9 =	sor.u32 $0xD0000000, s2;
	s6 =	simm.s32 $0x108;
	_ =	swait.ge @!p0 [sflag:s8], $0x0  }
0x24: {  	s3 =	sadd.s32 $0x88, s3;
	s6 =	simm.s32 @!p1 $0x1082;
	[sflag:s4] =	ssyncset.s32 $0xFFFFF086  }
0x25: {  	[simem:s6], [sflag:s4] =	dma.local [hbm:s3], $0xF7A  }
0x26: {  	[smem:$0x3F90] =	sst s1;
	(tag) =	ssettag s2;
	_ =	strace s9  }
0x27: {  	s1 =	sld [smem:$0x3FA0]  }
0x28: {  	s2 =	sld [smem:$0x3FA1]  }
0x29: {  	s4 =	sld [smem:$0x3FA3]  }
0x2a: {  	p0 =	seq.s32 s5, $0x0;
	s5 =	sld [smem:$0x3FA4]  }
0x2b: {  	s6 =	sld [smem:$0x3FA5]  }
0x2c: {  	s7 =	sld [smem:$0x3FA6]  }
0x2d: {  	s3 =	simm.s32 $0x108;
	s8 =	sld [smem:$0x3FA7]  }
0x2e: {  	s3 =	simm.s32 @!p0 $0x1082;
	s9 =	sld [smem:$0x3FA8]  }
0x2f: {  	lr =	sadd.s32 s0, s3;
	s0 =	sld [smem:$0x3F9F]  }
0x30: {  	s3 =	sld [smem:$0x3FA2]  }
0x31: {  	[smem:$0x3FAB] =	sst s10  }
0x32: {  	s10 =	sld [smem:$0x3FA9];
	_ =	sdelay $0x3  }
0x33: {  	p0 =	seq.s32 s10, $0x1;
	s10 =	sld [smem:$0x3FAB];
	_ =	sdelay $0x3  }
0x34: {  	[smem:$0x3FAB] =	sst s10  }
0x35: {  	s10 =	sld [smem:$0x3FAA];
	_ =	sdelay $0x3  }
0x36: {  	p1 =	seq.s32 s10, $0x1;
	s10 =	sld [smem:$0x3FAB];
	_ =	sdelay $0x3  }
0x37: {  	[smem:$0x3FAB] =	sst s10  }
0x38: {  	s10 =	sld [smem:$0x3FAC]  }
0x39: {  	_ = 	snop;
	(pc) =	sbr.ind lr, $3  }
0x3a: {  	_ = 	snop  }
0x3b: {  	_ = 	snop  }
0x3c: {  	p2 =	seq.s32 s10, $0x1;
	s10 =	sld [smem:$0x3FAB]  }
0x3d: {  	_ =	shalt  }
0x3e: {  	_ =	shalt  }
0x3f: {  	_ =	shalt  }
0x40: {  	_ =	shalt  }
0x41: {  	_ =	shalt  }
0x42: {  	_ =	shalt  }
0x43: {  	_ =	shalt  }
0x44: {  	_ =	shalt  }
0x45: {  	_ =	shalt  }
0x46: {  	_ =	shalt  }
0x47: {  	_ =	shalt  }
0x48: {  	_ =	shalt  }
0x49: {  	_ =	shalt  }
0x4a: {  	_ =	shalt  }
0x4b: {  	_ =	shalt  }
0x4c: {  	_ =	shalt  }
0x4d: {  	_ =	shalt  }
0x4e: {  	_ =	shalt  }
0x4f: {  	_ =	shalt  }
0x50: {  	_ =	shalt  }
0x51: {  	_ =	shalt  }
0x52: {  	_ =	shalt  }
0x53: {  	_ =	shalt  }
0x54: {  	_ =	shalt  }
0x55: {  	_ =	shalt  }
0x56: {  	_ =	shalt  }
0x57: {  	_ =	shalt  }
0x58: {  	_ =	shalt  }
0x59: {  	_ =	shalt  }
0x5a: {  	_ =	shalt  }
0x5b: {  	_ =	shalt  }
0x5c: {  	_ =	shalt  }
0x5d: {  	_ =	shalt  }
0x5e: {  	_ =	shalt  }
0x5f: {  	_ =	shalt  }
0x60: {  	_ =	shalt  }
0x61: {  	_ =	shalt  }
0x62: {  	_ =	shalt  }
0x63: {  	_ =	shalt  }
0x64: {  	_ =	shalt  }
0x65: {  	_ =	shalt  }
0x66: {  	_ =	shalt  }
0x67: {  	_ =	shalt  }
0x68: {  	_ =	shalt  }
0x69: {  	_ =	shalt  }
0x6a: {  	_ =	shalt  }
0x6b: {  	_ =	shalt  }
0x6c: {  	_ =	shalt  }
0x6d: {  	_ =	shalt  }
0x6e: {  	_ =	shalt  }
0x6f: {  	_ =	shalt  }
0x70: {  	_ =	shalt  }
0x71: {  	_ =	shalt  }
0x72: {  	_ =	shalt  }
0x73: {  	_ =	shalt  }
0x74: {  	_ =	shalt  }
0x75: {  	_ =	shalt  }
0x76: {  	_ =	shalt  }
0x77: {  	_ =	shalt  }
0x78: {  	_ =	shalt  }
0x79: {  	_ =	shalt  }
0x7a: {  	_ =	shalt  }
0x7b: {  	_ =	shalt  }
0x7c: {  	_ =	shalt  }
0x7d: {  	_ =	shalt  }
0x7e: {  	_ =	shalt  }
0x7f: {  	_ =	shalt  }
0x80: {  	_ =	shalt  }
0x81: {  	_ =	shalt  }
0x82: {  	_ =	shalt  }
0x83: {  	_ =	shalt  }
0x84: {  	_ =	shalt  }
0x85: {  	_ =	shalt  }
0x86: {  	_ =	shalt  }
0x87: {  	_ =	shalt  }
.Lfunc_end0:
.L_simem_size_0:
called_computation.1_lowered:
.L_overlay_start_0:
0x88: {  	s2 =	sld [smem:$0x3FD9]  }
0x89: {  	s3 =	sld [smem:$0x3FFE];
	_ =	sdelay $0x1  }
0x8a: {  	s1 =	srdreg.scid  }
0x8b: {  	s0 =	sand.u32 $0x1, s1  }
0x8c: {  	s14 =	sshll.u32 s0, $0xA;
	s2 =	sadd.s32 s3, s2  }
0x8d: {  	s2 =	sadd.s32 s2, s14  }
0x8e: {  	[smem:$0x3FB7] =	sst s2  }
0x8f: {  	_ = 	snop  }
0x90: {  	s2 =	sld [smem:$0x3FC9]  }
0x91: {  	s15 =	sld [smem:$0x3FD0]  }
0x92: {  	s4 =	sld [smem:$0x3FC8]  }
0x93: {  	s5 =	sld [smem:$0x3FC4]  }
0x94: {  	s7 =	simm.s32 $0xB;
	s8 =	simm.s32 $0x10;
	s6 =	sld [smem:$0x3FC0]  }
0x95: {  	[smem:s8], [sflag:s7] =	dma.local [hbm:s15], $0x1  }
0x96: {  	_ =	swait.eq [sflag:s7], $0x1  }
0x97: {  	[sflag:s7] =	ssyncset.done $0x0  }
0x98: {  	[sflag:s7] =	ssyncadd.s32 $0xFFFFFFFF  }
0x99: {  	s16 =	sld [smem:$0x10];
	(tm) =	ssettm $0x1  }
0x9a: {  	s17 =	sld [smem:$0x3FFB];
	_ =	sdelay $0x3  }
0x9b: {  	_ =	strace s17  }
0x9c: {  	s7 =	sld [smem:$0x3FFC];
	_ =	sdelay $0x3  }
0x9d: {  	_ =	strace s7  }
0x9e: {  	s7 =	sld [smem:$0x3FFD];
	_ =	sdelay $0x3  }
0x9f: {  	_ =	strace s7  }
0xa0: {  	_ =	strace $0x8FFFFFFF  }
0xa1: {  	s18 =	sld [smem:$0x3FDB];
	_ =	sdelay $0x1  }
0xa2: {  	s19 =	simm.s32 $_scs_section_size  }
0xa3: {  	s9 =	simm.s32 $_size__tile_overlayer_lowered;
	s10 =	simm.s32 $_tile_overlayer_lowered  }
0xa4: {  	s22 =	simm.s32 $0x1BFF;
	s21 =	sshll.u32 s10, $0x1;
	s7 =	sadd.s32 s19, s18  }
0xa5: {  	s11 =	simm.s32 $0x0;
	s20 =	sshll.u32 s9, $0x1;
	s9 =	sadd.s32 s21, s7  }
0xa6: {  	[timem:s11], [sflag:s22] =	dma.local [hbm:s9], s20  }
0xa7: {  	_ =	swait.ge [sflag:s22], s20  }
0xa8: {  	s8 =	ssub.s32 $0x0, s20;
	[sflag:s22] =	ssyncset.done $0x0  }
0xa9: {  	[sflag:s22] =	ssyncadd.s32 s8;
	_ =	sdelay $0x1  }
0xaa: {  	s23 =	simm.s32 $0x1B8B  }
0xab: {  	_ =	swait.ge [sflag:s23], $0x1  }
0xac: {  	[sflag:s23] =	ssyncset.done $0x0  }
0xad: {  	s25 =	simm.s32 $0x1B8E;
	s24 =	sld [smem:$0x3FFE];
	[sflag:s23] =	ssyncadd.s32 $0xFFFFFFFF  }
0xae: {  	s26 =	simm.s32 $execute0_lowered;
	[smem:$0x3FD2] =	sst s25  }
0xaf: {  	s9 =	sshll.u32 s26, $0x1;
	_ =	strace $0x80000046;
	[dreg:$0x1] =	wrdreg $0xFFFFFFFF  }
0xb0: {  	s28 =	simm.s32 $_size_execute0_lowered;
	s7 =	sadd.s32 s7, s9;
	[dreg:$0x0] =	wrdreg $0x0  }
0xb1: {  	s9 =	sshll.u32 s28, $0x1;
	[dreg:$0x2] =	wrdreg s7  }
0xb2: {  	[dreg:$0x3] =	wrdreg s9  }
0xb3: {  	[dreg:$0x4] =	wrdreg $0xC0  }
0xb4: {  	_ =	task [dreg:s11], $0x5FFFF  }
0xb5: {  	[dreg:$0x1] =	wrdreg $0xFFFFFFFF  }
0xb6: {  	[dreg:$0x0] =	wrdreg $0x60  }
0xb7: {  	[dreg:$0x2] =	wrdreg s2  }
0xb8: {  	[dreg:$0x3] =	wrdreg s4  }
0xb9: {  	[dreg:$0x4] =	wrdreg s24  }
0xba: {  	[dreg:$0x5] =	wrdreg s5  }
0xbb: {  	[dreg:$0x6] =	wrdreg s6  }
0xbc: {  	[dreg:$0x7] =	wrdreg s16  }
0xbd: {  	[dreg:$0x8] =	wrdreg $0xA  }
0xbe: {  	_ =	task.clear_ibuf [dreg:s11], $0x9FFFF;
	_ =	strace $0x90000046  }
0xbf: {  	s29 =	simm.s32 $0xA;
	_ =	strace $0x80000048  }
0xc0: {  	_ =	swait.ge [sflag:s29], $0x1  }
0xc1: {  	[sflag:s29] =	ssyncadd.s32 $0xFFFFFFFF  }
0xc2: {  	_ =	strace $0x90000048  }
0xc3: {  	_ =	sfence  }
0xc4: {  	s30 =	sld [smem:$0x0];
	_ =	sdelay $0x2  }
0xc5: {  	s31 =	sshll.u32 s1, $0xD;
	s1 =	sshrl.u32 s1, $0x2  }
0xc6: {  	s3 =	sand.u32 $0x4000, s31;
	s1 =	sadd.s32 s1, s30  }
0xc7: {  	s0 =	sor.u32 s3, s0;
	s1 =	sshll.u32 s1, $0x11  }
0xc8: {  	s0 =	sor.u32 s1, s0  }
0xc9: {  	s0 =	sadd.s32 $0x8F2B, s0  }
0xca: {  	[sflag:s0] =	ssyncadd.remote.s32 $0x1  }
0xcb: {  	_ =	sfence.sel $0xFFFF  }
0xcc: {  	[dreg:$0x0] =	wrdreg $0xFFFFFFFF;
	(pc) =	sbr.abs _section_cstart, $3  }
0xcd: {  	[dreg:$0x1] =	wrdreg $0xFFFFFFFF  }
0xce: {  	_ =	task.clear_ibuf [dreg:s11], $0x2FFFF;
	_ =	strace $0x9FFFFFFF  }
0xcf: {  	(tm) =	ssettm $0x7FFFFFFF  }
tec
execute0_lowered:
.L_overlay_start_1:
0x0: {  	(tag) =	ssettag $0x1  }
0x1: {  	s1 =	rddreg [dreg:$0x0]  }
0x2: {  	s2 =	rddreg [dreg:$0x1]  }
0x3: {  	s0 =	rddreg [dreg:$0x2]  }
0x4: {  	s3 =	rddreg [dreg:$0x3]  }
0x5: {  	s4 =	rddreg [dreg:$0x4]  }
0x6: {  	s5 =	simm.s32 $0x0;
	s6 =	srdreg.scid;
	s11 =	stileid.u32  }
0x7: {  	s15 =	simm.s32 $0x3;
	s16 =	simm.s32 $0x100;
	s17 =	simm.s32 $0x200  }
0x8: {  	s18 =	simm.s32 $0x300;
	s19 =	simm.s32 $0xC8;
	s20 =	simm.s32 $0x400  }
0x9: {  	s21 =	simm.s32 $0x6800;
	s22 =	simm.s32 $0xCC00;
	s23 =	simm.s32 $0x13000  }
0xa: {  	s24 =	simm.s32 $0x1;
	s25 =	simm.s32 $0x19400;
	s28 =	simm.s32 $0x19480  }
0xb: {  	s29 =	simm.s32 $0x2;
	s30 =	simm.s32 $0x0;
	[smem:$0x7FF] =	sst s5  }
0xc: {  	s6 =	sand.u32 $0x1, s6;
	s7 =	sadd.s32 $0x3A00, s0;
	s8 =	sadd.s32 $0x32600, s0  }
0xd: {  	s11 =	sshll.u32 s11, $0x1;
	s0 =	sadd.s32 $0x12600, s0;
	s9 =	ssub.s32 $0x2, s6  }
0xe: {  	_ =	strace $0x80000047;
	s6 =	sor.u32 s6, s11;
	s10 =	sshrl.u32 s9, $0x1  }
0xf: {  	s13 =	sshll.u32 s6, $0x8;
	s26 =	sshll.u32 s6, $0x5;
	s12 =	ssub.s32 s9, s10  }
0x10: {  	s9 =	smul.u32 $0x1388, s6;
	s10 =	sadd.s32 s4, s26;
	s31 =	sor.u32 $0x80, s13  }
0x11: {  	s6 =	sshll.u32 s6, $0xC;
	s26 =	simm.s32 $0x80;
	[dreg:$0x7] =	wrdreg s10  }
0x12: {  	s11 =	smax.u32 s12, $0x1;
	s13 =	sshrl.u32 s31, $0x3;
	s14 =	sshll.u32 s31, $0x4  }
0x13: {  	s12 =	sadd.s32 s0, s6;
	s13 =	sadd.s32 s4, s13;
	s14 =	sadd.s32 s0, s14  }
.LBB2_1:
0x14: {  	s31 =	simm.s32 $0x0  }
.LBB2_2:
0x15: {  	s0 =	smul.u32 $0xC8, s31;
	_ =	sdelay $0x1  }
0x16: {  	s0 =	sadd.s32 s9, s0  }
0x17: {  	s4 =	sshrl.u32 s0, $0x3  }
0x18: {  	s6 =	sadd.s32 s7, s4  }
0x19: {  	[tilespmem:s5], [sflag:$0x3] =	stream.linear.gather [hbm4b:s6+s5], $0xC8, $0x38;
	[tilespmem:$0x1D480] =	vst v63  }
0x1a: {  	_ =	swait.ge [sflag:s15], $0xC8  }
0x1b: {  	[sflag:s15] =	ssyncset.done $0x0  }
0x1c: {  	s10 =	sadd.s32 $0x4E20, s6;
	[sflag:s15] =	ssyncadd.s32 $0xFFFFFF38  }
0x1d: {  	[tilespmem:s16], [sflag:$0x3] =	stream.linear.gather [hbm4b:s10+s5], $0xC8, $0x38;
	[tilespmem:$0x1D480] =	vst v63  }
0x1e: {  	_ =	swait.ge [sflag:s15], $0xC8  }
0x1f: {  	[sflag:s15] =	ssyncset.done $0x0  }
0x20: {  	s6 =	sadd.s32 $0x9C40, s6;
	[sflag:s15] =	ssyncadd.s32 $0xFFFFFF38  }
0x21: {  	[tilespmem:s17], [sflag:$0x3] =	stream.linear.gather [hbm4b:s6+s5], $0xC8, $0x38;
	[tilespmem:$0x1D480] =	vst v63  }
0x22: {  	_ =	swait.ge [sflag:s15], $0xC8  }
0x23: {  	[sflag:s15] =	ssyncset.done $0x0  }
0x24: {  	s4 =	sadd.s32 s3, s4;
	[sflag:s15] =	ssyncadd.s32 $0xFFFFFF38  }
0x25: {  	[tilespmem:s18], [sflag:$0x3] =	stream.linear.gather [hbm4b:s4+s5], $0xC8, $0x38;
	[tilespmem:$0x1D480] =	vst v63  }
0x26: {  	_ =	swait.ge [sflag:s15], $0xC8  }
0x27: {  	[sflag:s15] =	ssyncset.done $0x0  }
0x28: {  	[sflag:s15] =	ssyncadd.s32 $0xFFFFFF38  }
0x29: {  	[tilespmem:s20], [sflag:$0x1] =	stream.indirect.gather [hbm4b:s1+s19], $0x80, s5, s19, $0xb8;
	[tilespmem:$0x1D480] =	vst v63  }
0x2a: {  	_ = 	snop  }
0x2b: {  	[tilespmem:s21], [sflag:$0x1] =	stream.indirect.gather [hbm4b:s1+s19], $0x80, s16, s19, $0xb8;
	[tilespmem:$0x1D480] =	vst v63  }
0x2c: {  	_ = 	snop  }
0x2d: {  	[tilespmem:s22], [sflag:$0x1] =	stream.indirect.gather [hbm4b:s1+s19], $0x80, s17, s19, $0xb8;
	[tilespmem:$0x1D480] =	vst v63  }
0x2e: {  	_ = 	snop  }
0x2f: {  	[tilespmem:s23], [sflag:$0x1] =	stream.indirect.gather [hbm4b:s2+s19], $0x80, s18, s19, $0xb8;
	[tilespmem:$0x1D480] =	vst v63  }
0x30: {  	_ =	swait.ge [sflag:s24], $0x6400  }
0x31: {  	[sflag:s24] =	ssyncset.done $0x0  }
0x32: {  	[sflag:s24] =	ssyncadd.s32 $0xFFFF9C00  }
0x33: {  	_ =	swait.ge [sflag:s24], $0x6400  }
0x34: {  	[sflag:s24] =	ssyncset.done $0x0  }
0x35: {  	[sflag:s24] =	ssyncadd.s32 $0xFFFF9C00  }
0x36: {  	_ =	swait.ge [sflag:s24], $0x6400  }
0x37: {  	[sflag:s24] =	ssyncset.done $0x0  }
0x38: {  	[sflag:s24] =	ssyncadd.s32 $0xFFFF9C00  }
0x39: {  	_ =	swait.ge [sflag:s24], $0x6400  }
0x3a: {  	[sflag:s24] =	ssyncset.done $0x0  }
0x3b: {  	s6 =	simm.s32 $0xF0;
	[sflag:s24] =	ssyncadd.s32 $0xFFFF9C00  }
0x3c: {  	v10 =	vld [tilespmem:s6+$0x12F10]  }
0x3d: {  	v11 =	vld [tilespmem:s6+$0x12F20]  }
0x3e: {  	v12 =	vld [tilespmem:s6+$0x12F30]  }
0x3f: {  	v13 =	vld [tilespmem:s6+$0x12F40]  }
0x40: {  	v23 =	vld [tilespmem:s6+$0x12F50]  }
0x41: {  	v24 =	vld [tilespmem:s6+$0x12F60]  }
0x42: {  	v27 =	vld [tilespmem:s6+$0x12F70]  }
0x43: {  	v28 =	vld [tilespmem:s6+$0x12F80]  }
0x44: {  	v3 =	vld [tilespmem:s6+$0x12F90]  }
0x45: {  	v2 =	vld [tilespmem:s6+$0x12FA0]  }
0x46: {  	v1 =	vld [tilespmem:s6+$0x12FB0]  }
0x47: {  	v0 =	vld [tilespmem:s6+$0x12FC0]  }
0x48: {  	v14 =	vld [tilespmem:s6+$0xCB10]  }
0x49: {  	v15 =	vld [tilespmem:s6+$0xCB20]  }
0x4a: {  	v16 =	vld [tilespmem:s6+$0xCB30]  }
0x4b: {  	v17 =	vld [tilespmem:s6+$0xCB40]  }
0x4c: {  	v20 =	vld [tilespmem:s6+$0xCB50]  }
0x4d: {  	v21 =	vld [tilespmem:s6+$0xCB60]  }
0x4e: {  	v22 =	vld [tilespmem:s6+$0xCB70]  }
0x4f: {  	v25 =	vld [tilespmem:s6+$0xCB80]  }
0x50: {  	v26 =	vld [tilespmem:s6+$0xCB90]  }
0x51: {  	v29 =	vld [tilespmem:s6+$0xCBA0]  }
0x52: {  	v7 =	vld [tilespmem:s6+$0xCBB0]  }
0x53: {  	v6 =	vld [tilespmem:s6+$0xCBC0]  }
0x54: {  	v5 =	vld [tilespmem:s6+$0xCBD0]  }
0x55: {  	v4 =	vld [tilespmem:s6+$0xCBE0]  }
0x56: {  	v8 =	vld [tilespmem:s6+$0x6710]  }
0x57: {  	v18 =	vld [tilespmem:s6+$0x6720]  }
0x58: {  	v19 =	vld [tilespmem:s6+$0x6730]  }
0x59: {  	v30 =	vld [tilespmem:s6+$0x6740]  }
0x5a: {  	v31 =	vld [tilespmem:s6+$0x6750]  }
0x5b: {  	v32 =	vld [tilespmem:s6+$0x6760]  }
0x5c: {  	v33 =	vld [tilespmem:s6+$0x6770]  }
0x5d: {  	v34 =	vld [tilespmem:s6+$0x6780]  }
0x5e: {  	v35 =	vld [tilespmem:s6+$0x310]  }
0x5f: {  	v36 =	vld [tilespmem:s6+$0x320]  }
0x60: {  	v37 =	vld [tilespmem:s6+$0x330]  }
0x61: {  	v38 =	vld [tilespmem:s6+$0x340]  }
0x62: {  	v39 =	vld [tilespmem:s6+$0x6790]  }
0x63: {  	v40 =	vld [tilespmem:s6+$0x67A0]  }
0x64: {  	v58 =	vld [tilespmem:s6+$0x380]  }
0x65: {  	v57 =	vld [tilespmem:s6+$0x370];
	v35 =	vadd.f32 v8, v35  }
0x66: {  	v59 =	vld [tilespmem:s6+$0x390];
	v18 =	vadd.f32 v18, v36  }
0x67: {  	v9 =	vld [tilespmem:s6+$0x67B0];
	v19 =	vadd.f32 v19, v37;
	v14 =	vadd.f32 v14, v35  }
0x68: {  	v55 =	vld [tilespmem:s6+$0x350];
	v15 =	vadd.f32 v15, v18;
	v18 =	vadd.f32 v30, v38  }
0x69: {  	v56 =	vld [tilespmem:s6+$0x360];
	v60 =	vadd.f32 v34, v58;
	v16 =	vadd.f32 v16, v19  }
0x6a: {  	v41 =	vld [tilespmem:s6+$0x3A0];
	v30 =	vadd.f32 v33, v57;
	v14 =	vmul.f32 $3.333333430e-01, v14;
	v17 =	vadd.f32 v17, v18  }
0x6b: {  	v8 =	vld [tilespmem:s6+$0x67C0];
	v61 =	vadd.f32 v39, v59;
	v25 =	vadd.f32 v25, v60;
	v16 =	vmul.f32 $3.333333430e-01, v16  }
0x6c: {  	v30 =	vadd.f32 v22, v30;
	v22 =	vld [tilespmem:s6+$0x3D0];
	v10 =	vadd.f32 v14, v10;
	v14 =	vmul.f32 $3.333333430e-01, v17  }
0x6d: {  	v15 =	vmul.f32 $3.333333430e-01, v15;
	v17 =	vld [tilespmem:s6+$0x67D0];
	v18 =	vadd.f32 v16, v12;
	v12 =	vadd.f32 v31, v55  }
0x6e: {  	v16 =	vld [tilespmem:s6+$0x67E0];
	v19 =	vadd.f32 v14, v13;
	v13 =	vadd.f32 v32, v56  }
0x6f: {  	v11 =	vadd.f32 v15, v11;
	v15 =	vld [tilespmem:s6+$0x67F0];
	v12 =	vadd.f32 v20, v12  }
0x70: {  	v62 =	vadd.f32 v40, v41;
	v20 =	vld [tilespmem:s6+$0x3B0];
	v13 =	vadd.f32 v21, v13  }
0x71: {  	v26 =	vadd.f32 v26, v61;
	v63 =	vmul.f32 $3.333333430e-01, v25;
	v21 =	vld [tilespmem:s6+$0x3C0];
	v12 =	vmul.f32 $3.333333430e-01, v12  }
0x72: {  	v29 =	vadd.f32 v29, v62;
	v30 =	vmul.f32 $3.333333430e-01, v30;
	v14 =	vld [tilespmem:s6+$0x6800];
	[tilespmem:s6+$0x310] =	vst v10;
	v13 =	vmul.f32 $3.333333430e-01, v13  }
0x73: {  	v26 =	vmul.f32 $3.333333430e-01, v26;
	v10 =	vld [tilespmem:s6+$0x3E0];
	[tilespmem:s6+$0x320] =	vst v11;
	v11 =	vadd.f32 v63, v28;
	v25 =	vadd.f32 v12, v23  }
0x74: {  	s4 =	simm.s32 $0x7C0;
	v23 =	vadd.f32 v30, v27;
	v12 =	vld [tilespmem:s6+$0x3F0];
	v24 =	vadd.f32 v13, v24;
	v13 =	vmul.f32 $3.333333430e-01, v29  }
.LBB2_3:
0x75: {  	p0 =	sne.s32 s4, $0x18FC0;
	[tilespmem:s6+$0x330] =	vst v18;
	v3 =	vadd.f32 v26, v3;
	v9 =	vadd.f32 v9, v20;
	v18 =	vld [tilespmem:s6+$0x400]  }
0x76: {  	[tilespmem:s6+$0x340] =	vst v19;
	v2 =	vadd.f32 v13, v2;
	v8 =	vadd.f32 v8, v21;
	v13 =	vld [tilespmem:s6+$0xCBF0]  }
0x77: {  	[tilespmem:s6+$0x350] =	vst v25;
	v7 =	vadd.f32 v7, v9;
	v9 =	vadd.f32 v17, v22;
	v17 =	vld [tilespmem:s6+$0xCC00]  }
0x78: {  	[tilespmem:s6+$0x360] =	vst v24;
	v6 =	vadd.f32 v6, v8;
	v8 =	vld [tilespmem:s6+$0x12FD0];
	v10 =	vadd.f32 v16, v10  }
0x79: {  	[tilespmem:s6+$0x370] =	vst v23;
	v7 =	vmul.f32 $3.333333430e-01, v7;
	v5 =	vadd.f32 v5, v9;
	v9 =	vld [tilespmem:s6+$0x12FE0];
	v12 =	vadd.f32 v15, v12  }
0x7a: {  	[tilespmem:s6+$0x380] =	vst v11;
	v6 =	vmul.f32 $3.333333430e-01, v6;
	v4 =	vadd.f32 v4, v10;
	v10 =	vld [tilespmem:s6+$0x12FF0];
	v11 =	vadd.f32 v14, v18  }
0x7b: {  	s10 =	sshra.s32 s4, $0x2;
	[tilespmem:s6+$0x390] =	vst v3;
	v1 =	vadd.f32 v7, v1;
	v3 =	vmul.f32 $3.333333430e-01, v5;
	v5 =	vadd.f32 v13, v12;
	v7 =	vld [tilespmem:s6+$0x13000]  }
0x7c: {  	v14 =	vld [tilespmem:s10+$0x12F10];
	[tilespmem:s6+$0x3A0] =	vst v2;
	v0 =	vadd.f32 v6, v0;
	v2 =	vmul.f32 $3.333333430e-01, v4;
	v4 =	vadd.f32 v17, v11  }
0x7d: {  	v15 =	vld [tilespmem:s10+$0x12F20];
	[tilespmem:s6+$0x3B0] =	vst v1;
	v1 =	vadd.f32 v3, v8;
	v3 =	vmul.f32 $3.333333430e-01, v5  }
0x7e: {  	v16 =	vld [tilespmem:s10+$0x12F30];
	[tilespmem:s6+$0x3C0] =	vst v0;
	v0 =	vadd.f32 v2, v9;
	v2 =	vmul.f32 $3.333333430e-01, v4  }
0x7f: {  	v17 =	vld [tilespmem:s10+$0x12F40];
	[tilespmem:s6+$0x3D0] =	vst v1;
	v1 =	vadd.f32 v3, v10  }
0x80: {  	v10 =	vld [tilespmem:s10+$0x12F50];
	[tilespmem:s6+$0x3E0] =	vst v0;
	v0 =	vadd.f32 v2, v7  }
0x81: {  	v12 =	vld [tilespmem:s10+$0x12F60];
	[tilespmem:s6+$0x3F0] =	vst v1  }
0x82: {  	v11 =	vld [tilespmem:s10+$0x12F70];
	[tilespmem:s6+$0x400] =	vst v0;
	s6 =	smov.u32 s10  }
0x83: {  	v13 =	vld [tilespmem:s6+$0x12F80]  }
0x84: {  	v3 =	vld [tilespmem:s6+$0x12F90]  }
0x85: {  	v2 =	vld [tilespmem:s6+$0x12FA0]  }
0x86: {  	v1 =	vld [tilespmem:s6+$0x12FB0]  }
0x87: {  	v0 =	vld [tilespmem:s6+$0x12FC0]  }
0x88: {  	v8 =	vld [tilespmem:s6+$0xCB10]  }
0x89: {  	v18 =	vld [tilespmem:s6+$0xCB20]  }
0x8a: {  	v19 =	vld [tilespmem:s6+$0xCB30]  }
0x8b: {  	v20 =	vld [tilespmem:s6+$0xCB40]  }
0x8c: {  	v21 =	vld [tilespmem:s6+$0xCB50]  }
0x8d: {  	v22 =	vld [tilespmem:s6+$0xCB60]  }
0x8e: {  	v23 =	vld [tilespmem:s6+$0xCB70]  }
0x8f: {  	v24 =	vld [tilespmem:s6+$0xCB80]  }
0x90: {  	v25 =	vld [tilespmem:s6+$0xCB90]  }
0x91: {  	v26 =	vld [tilespmem:s6+$0xCBA0]  }
0x92: {  	v7 =	vld [tilespmem:s6+$0xCBB0]  }
0x93: {  	v6 =	vld [tilespmem:s6+$0xCBC0]  }
0x94: {  	v5 =	vld [tilespmem:s6+$0xCBD0]  }
0x95: {  	v4 =	vld [tilespmem:s6+$0xCBE0]  }
0x96: {  	v9 =	vld [tilespmem:s6+$0x6710]  }
0x97: {  	v27 =	vld [tilespmem:s6+$0x6720]  }
0x98: {  	v28 =	vld [tilespmem:s6+$0x6730]  }
0x99: {  	v29 =	vld [tilespmem:s6+$0x6740]  }
0x9a: {  	v30 =	vld [tilespmem:s6+$0x6750]  }
0x9b: {  	v31 =	vld [tilespmem:s6+$0x6760]  }
0x9c: {  	v32 =	vld [tilespmem:s6+$0x6770]  }
0x9d: {  	v33 =	vld [tilespmem:s6+$0x6780]  }
0x9e: {  	v34 =	vld [tilespmem:s6+$0x310]  }
0x9f: {  	v35 =	vld [tilespmem:s6+$0x320]  }
0xa0: {  	v36 =	vld [tilespmem:s6+$0x330]  }
0xa1: {  	v37 =	vld [tilespmem:s6+$0x340]  }
0xa2: {  	v38 =	vld [tilespmem:s6+$0x6790]  }
0xa3: {  	v34 =	vadd.f32 v9, v34;
	v39 =	vld [tilespmem:s6+$0x67A0]  }
0xa4: {  	v27 =	vadd.f32 v27, v35;
	v9 =	vld [tilespmem:s6+$0x67B0]  }
0xa5: {  	v34 =	vadd.f32 v8, v34;
	v28 =	vadd.f32 v28, v36;
	v8 =	vld [tilespmem:s6+$0x67C0]  }
0xa6: {  	v18 =	vadd.f32 v18, v27;
	v27 =	vadd.f32 v29, v37;
	v29 =	vld [tilespmem:s6+$0x350]  }
0xa7: {  	v19 =	vadd.f32 v19, v28;
	v28 =	vld [tilespmem:s6+$0x360]  }
0xa8: {  	v34 =	vmul.f32 $3.333333430e-01, v34;
	v18 =	vmul.f32 $3.333333430e-01, v18;
	v20 =	vadd.f32 v20, v27;
	v27 =	vld [tilespmem:s6+$0x370]  }
0xa9: {  	v19 =	vmul.f32 $3.333333430e-01, v19;
	v35 =	vld [tilespmem:s6+$0x380]  }
0xaa: {  	v34 =	vadd.f32 v34, v14;
	v36 =	vadd.f32 v18, v15;
	v14 =	vmul.f32 $3.333333430e-01, v20;
	v20 =	vld [tilespmem:s6+$0x390]  }
0xab: {  	v18 =	vadd.f32 v19, v16;
	v15 =	vadd.f32 v30, v29;
	v29 =	vld [tilespmem:s6+$0x3A0]  }
0xac: {  	v19 =	vadd.f32 v14, v17;
	v14 =	vadd.f32 v31, v28;
	v17 =	vld [tilespmem:s6+$0x67D0]  }
0xad: {  	v21 =	vadd.f32 v21, v15;
	v27 =	vadd.f32 v32, v27;
	v16 =	vld [tilespmem:s6+$0x67E0]  }
0xae: {  	v22 =	vadd.f32 v22, v14;
	v28 =	vadd.f32 v33, v35;
	v15 =	vld [tilespmem:s6+$0x67F0]  }
0xaf: {  	v23 =	vadd.f32 v23, v27;
	v27 =	vadd.f32 v38, v20;
	v14 =	vld [tilespmem:s6+$0x6800]  }
.Ltmp0:
0xb0: {  	v24 =	vadd.f32 v24, v28;
	v28 =	vadd.f32 v39, v29;
	v20 =	vld [tilespmem:s6+$0x3B0];
	(pc) =	sbr.rel @p0 .LBB2_3-.Ltmp0, $4  }
0xb1: {  	v29 =	vmul.f32 $3.333333430e-01, v21;
	v30 =	vmul.f32 $3.333333430e-01, v22;
	v27 =	vadd.f32 v25, v27;
	v21 =	vld [tilespmem:s6+$0x3C0]  }
0xb2: {  	v23 =	vmul.f32 $3.333333430e-01, v23;
	v31 =	vmul.f32 $3.333333430e-01, v24;
	v28 =	vadd.f32 v26, v28;
	v22 =	vld [tilespmem:s6+$0x3D0]  }
0xb3: {  	v25 =	vadd.f32 v29, v10;
	v24 =	vadd.f32 v30, v12;
	[tilespmem:s6+$0x310] =	vst v34;
	v26 =	vmul.f32 $3.333333430e-01, v27;
	v10 =	vld [tilespmem:s6+$0x3E0]  }
0xb4: {  	s4 =	sadd.s32 $0x400, s4;
	v23 =	vadd.f32 v23, v11;
	[tilespmem:s6+$0x320] =	vst v36;
	v11 =	vadd.f32 v31, v13;
	v13 =	vmul.f32 $3.333333430e-01, v28;
	v12 =	vld [tilespmem:s6+$0x3F0]  }
0xb5: {  	[tilespmem:s6+$0x330] =	vst v18;
	v43 =	vld [tilespmem:s6+$0x400];
	v3 =	vadd.f32 v26, v3;
	v9 =	vadd.f32 v9, v20  }
0xb6: {  	[tilespmem:s6+$0x340] =	vst v19;
	v44 =	vld [tilespmem:s6+$0xCBF0];
	v2 =	vadd.f32 v13, v2;
	v8 =	vadd.f32 v8, v21  }
0xb7: {  	[tilespmem:s6+$0x350] =	vst v25;
	v45 =	vld [tilespmem:s6+$0xCC00];
	v7 =	vadd.f32 v7, v9;
	v47 =	vadd.f32 v17, v22  }
0xb8: {  	[tilespmem:s6+$0x360] =	vst v24;
	v46 =	vld [tilespmem:s6+$0x12FD0];
	v6 =	vadd.f32 v6, v8;
	v49 =	vadd.f32 v16, v10  }
0xb9: {  	v48 =	vld [tilespmem:s6+$0x12FE0];
	[tilespmem:s6+$0x370] =	vst v23;
	v7 =	vmul.f32 $3.333333430e-01, v7;
	v5 =	vadd.f32 v5, v47;
	v50 =	vadd.f32 v15, v12  }
0xba: {  	v51 =	vld [tilespmem:s6+$0x12FF0];
	[tilespmem:s6+$0x380] =	vst v11;
	v6 =	vmul.f32 $3.333333430e-01, v6;
	v4 =	vadd.f32 v4, v49;
	v52 =	vadd.f32 v14, v43  }
0xbb: {  	v55 =	vld [tilespmem:s6+$0x13000];
	[tilespmem:s6+$0x390] =	vst v3;
	v1 =	vadd.f32 v7, v1;
	v53 =	vmul.f32 $3.333333430e-01, v5;
	v54 =	vadd.f32 v44, v50  }
0xbc: {  	[tilespmem:s6+$0x3A0] =	vst v2;
	v0 =	vadd.f32 v6, v0;
	v56 =	vmul.f32 $3.333333430e-01, v4;
	v57 =	vadd.f32 v45, v52  }
0xbd: {  	[tilespmem:s6+$0x3B0] =	vst v1;
	v58 =	vadd.f32 v53, v46;
	v59 =	vmul.f32 $3.333333430e-01, v54  }
0xbe: {  	[tilespmem:s6+$0x3C0] =	vst v0;
	v60 =	vadd.f32 v56, v48;
	v61 =	vmul.f32 $3.333333430e-01, v57  }
0xbf: {  	[tilespmem:s6+$0x3D0] =	vst v58;
	v62 =	vadd.f32 v59, v51  }
0xc0: {  	s31 =	sadd.s32 $0x1, s31;
	[tilespmem:s6+$0x3E0] =	vst v60;
	v63 =	vadd.f32 v61, v55  }
0xc1: {  	s0 =	sshll.u32 s0, $0x4;
	p0 =	sne.s32 s31, $0x19;
	[tilespmem:s6+$0x3F0] =	vst v62  }
.Ltmp1:
0xc2: {  	s0 =	sadd.s32 s8, s0;
	[tilespmem:s6+$0x400] =	vst v63;
	(pc) =	sbr.rel @p0 .LBB2_2-.Ltmp1, $4  }
0xc3: {  	[hbm4b:s0+s5] =	stream.linear.scatter [tilespmem:s20], [sflag:$0x3], $0x6400, $0x38;
	[tilespmem:$0x1D480] =	vst v63  }
0xc4: {  	_ =	swait.ge [sflag:s15], $0x6400  }
0xc5: {  	[sflag:s15] =	ssyncset.done $0x0  }
0xc6: {  	[sflag:s15] =	ssyncadd.s32 $0xFFFF9C00  }
0xc7: {  	s0 =	rddreg [dreg:$0x7]  }
0xc8: {  	[tilespmem:s25], [sflag:$0x3] =	stream.linear.gather [hbm4b:s0+s5], $0x80, $0x38;
	[tilespmem:$0x1D480] =	vst v63  }
0xc9: {  	_ =	swait.ge [sflag:s15], $0x80  }
0xca: {  	[sflag:s15] =	ssyncset.done $0x0  }
0xcb: {  	[sflag:s15] =	ssyncadd.s32 $0xFFFFFF80  }
0xcc: {  	s31 =	rddreg [dreg:$0x5]  }
0xcd: {  	[tilespmem:s28], [sflag:$0x2] =	stream.indirect.gather [hbm4b:s31+s26], $0x80, s25, s26, $0xb8;
	[tilespmem:$0x1D480] =	vst v63  }
0xce: {  	_ =	swait.ge [sflag:s29], $0x4000  }
0xcf: {  	[sflag:s29] =	ssyncset.done $0x0  }
0xd0: {  	[sflag:s29] =	ssyncadd.s32 $0xFFFFC000  }
0xd1: {  	[hbm4b:s12+s5] =	stream.linear.scatter [tilespmem:s28], [sflag:$0x3], $0x4000, $0x38;
	[tilespmem:$0x1D480] =	vst v63  }
0xd2: {  	_ =	swait.ge [sflag:s15], $0x4000  }
0xd3: {  	[sflag:s15] =	ssyncset.done $0x0  }
0xd4: {  	[sflag:s15] =	ssyncadd.s32 $0xFFFFC000  }
0xd5: {  	[tilespmem:s25], [sflag:$0x3] =	stream.linear.gather [hbm4b:s13+s5], $0x80, $0x38;
	[tilespmem:$0x1D480] =	vst v63  }
0xd6: {  	_ =	swait.ge [sflag:s15], $0x80  }
0xd7: {  	[sflag:s15] =	ssyncset.done $0x0  }
0xd8: {  	[sflag:s15] =	ssyncadd.s32 $0xFFFFFF80  }
0xd9: {  	[tilespmem:s28], [sflag:$0x2] =	stream.indirect.gather [hbm4b:s31+s26], $0x80, s25, s26, $0xb8;
	[tilespmem:$0x1D480] =	vst v63  }
0xda: {  	s30 =	sadd.s32 $0x1, s30;
	_ =	swait.ge [sflag:s29], $0x4000  }
0xdb: {  	p0 =	sne.s32 s30, s11;
	[sflag:s29] =	ssyncset.done $0x0  }
.Ltmp2:
0xdc: {  	[sflag:s29] =	ssyncadd.s32 $0xFFFFC000;
	(pc) =	sbr.rel @p0 .LBB2_1-.Ltmp2, $4  }
0xdd: {  	[hbm4b:s14+s5] =	stream.linear.scatter [tilespmem:s28], [sflag:$0x3], $0x4000, $0x38;
	[tilespmem:$0x1D480] =	vst v63  }
0xde: {  	_ =	swait.ge [sflag:s15], $0x4000  }
0xdf: {  	[sflag:s15] =	ssyncset.done $0x0  }
0xe0: {  	[sflag:s15] =	ssyncadd.s32 $0xFFFFC000  }
0xe1: {  	_ =	sfence.sel $0x180000  }
0xe2: {  	[bflag:$0x0] =	sbarrier.arrive $0xFFFF  }
0xe3: {  	_ =	strace $0x90000047  }
0xe4: {  	s0 =	stileid.u32;
	[bflag:$0x2] =	sbarrier.arrive $0xFFFF  }
0xe5: {  	p0 =	sne.s32 s0, $0x0;
	s0 =	rddreg [dreg:$0x6]  }
0xe6: {  	s0 =	sadd.s32 @!p0 $0x100000, s0  }
0xe7: {  	[sflag:s0] =	ssyncadd.tile.s32 @!p0 $0x1;
	_ =	shalt  }
.Lfunc_end2:
_tile_overlayer_lowered:
.L_overlay_start_2:
0xe8: {  	(tag) =	ssettag $0x2  }
0xe9: {  	s0 =	rddreg [dreg:$0x0];
	s2 =	stileid.u32  }
0xea: {  	s1 =	rddreg [dreg:$0x1];
	p0 =	sne.s32 s2, $0x0  }
0xeb: {  	s3 =	rddreg [dreg:$0x2];
	[bflag:$0x3] =	sbarrier.arrive $0xFFFF;
	s2 =	simm.s32 @!p0 $0x1C03  }
0xec: {  	[timem:s3], [sflag:s2] =	dma.local @!p0 [hbm:s0], s1  }
0xed: {  	s0 =	simm.s32 @!p0 $0x3  }
0xee: {  	_ =	swait.ge @!p0 [sflag:s0], s1  }
0xef: {  	s1 =	ssub.s32 @!p0 $0x0, s1;
	[sflag:s0] =	ssyncset.done @!p0 $0x0  }
0xf0: {  	[sflag:s0] =	ssyncadd.s32 @!p0 s1  }
0xf1: {  	[bflag:$0x3] =	sbarrier.arrive $0xFFFF  }
0xf2: {  	_ =	shalt  }

// kernel: kernel.8.cloned.1.call-start
scs
__scs_entry_jumppad:
0x0: {  	(pc) =	sbr.rel $0x88, $3  }
0x1: {  	(tag) =	ssettag $0x0;
	lr =	simm.s32 $0x1  }
0x2: {  	[smem:$0x3F90] =	sst lr;
	_ =	strace $0xD0000000  }
0x3: {  	_ = 	snop  }
0x4: {  	_ = 	snop  }
0x5: {  	_ = 	snop  }
0x6: {  	_ = 	snop  }
0x7: {  	_ = 	snop  }
__scs_overlays_trampoline_lowered:
0x8: {  	[smem:$0x3F9F] =	sst s0  }
0x9: {  	[smem:$0x3FA0] =	sst s1  }
0xa: {  	[smem:$0x3FA1] =	sst s2  }
0xb: {  	[smem:$0x3FA2] =	sst s3  }
0xc: {  	[smem:$0x3FA3] =	sst s4  }
0xd: {  	[smem:$0x3FA4] =	sst s5  }
0xe: {  	[smem:$0x3FA5] =	sst s6  }
0xf: {  	[smem:$0x3FA6] =	sst s7  }
0x10: {  	[smem:$0x3FA7] =	sst s8  }
0x11: {  	[smem:$0x3FA8] =	sst s9;
	s0 =	simm.s32 @!p0 $0x0  }
0x12: {  	s1 =	sld [smem:$0x3F8E];
	s0 =	simm.s32 @p0 $0x1  }
0x13: {  	[smem:$0x3FA9] =	sst s0;
	s0 =	simm.s32 @!p1 $0x0  }
0x14: {  	s2 =	sld [smem:$0x3F8D];
	s0 =	simm.s32 @p1 $0x1  }
0x15: {  	[smem:$0x3FAA] =	sst s0;
	s0 =	simm.s32 @!p2 $0x0  }
0x16: {  	s3 =	sld [smem:$0x3FDB];
	s0 =	simm.s32 @p2 $0x1  }
0x17: {  	s4 =	simm.s32 $0x1BF5;
	[smem:$0x3FAC] =	sst s0  }
0x18: {  	s0 =	sld [smem:$0x3F8F];
	_ =	swait.ge [sflag:s4], $0x0  }
0x19: {  	s7 =	sld [smem:$0x3F90]  }
0x1a: {  	s8 =	sadd.s32 $0xFFFFE003, lr  }
0x1b: {  	s9 =	sadd.s32 $0xFFFFFEF7, lr;
	s5 =	simm.s32 $0xFFFFFFFF;
	p2 =	slt.u32 s8, $0xFFFFF086  }
0x1c: {  	p1 =	slt.u32 s9, $0xF7A;
	s5 =	simm.s32 @!p2 $0x0  }
0x1d: {  	s5 =	simm.s32 @p1 $0x1;
	p0 =	seq.s32 s7, s2  }
0x1e: {  	s7 =	smul.u32 @!p0 $0xF7A, s2;
	p2 =	seq.s32 @!p0 s5, $0x0  }
0x1f: {  	s9 =	smul.u32 $0xF7A, s1;
	s8 =	simm.s32 @!p0 $0x1BF5;
	p2 =	por !p2, p0  }
0x20: {  	[sflag:s8] =	ssyncset.s32 @!p0 $0xFFFFF086;
	s6 =	sadd.s32 @!p0 s3, s7;
	s7 =	simm.s32 @!p0 $0x108  }
0x21: {  	s3 =	sadd.s32 s3, s9;
	s6 =	sadd.s32 @!p0 $0x88, s6;
	s7 =	simm.s32 @p2 $0x1082  }
0x22: {  	[simem:s7], [sflag:s8] =	dma.local @!p0 [hbm:s6], $0xF7A  }
0x23: {  	s9 =	sor.u32 $0xD0000000, s2;
	s6 =	simm.s32 $0x108;
	_ =	swait.ge @!p0 [sflag:s8], $0x0  }
0x24: {  	s3 =	sadd.s32 $0x88, s3;
	s6 =	simm.s32 @!p1 $0x1082;
	[sflag:s4] =	ssyncset.s32 $0xFFFFF086  }
0x25: {  	[simem:s6], [sflag:s4] =	dma.local [hbm:s3], $0xF7A  }
0x26: {  	[smem:$0x3F90] =	sst s1;
	(tag) =	ssettag s2;
	_ =	strace s9  }
0x27: {  	s1 =	sld [smem:$0x3FA0]  }
0x28: {  	s2 =	sld [smem:$0x3FA1]  }
0x29: {  	s4 =	sld [smem:$0x3FA3]  }
0x2a: {  	p0 =	seq.s32 s5, $0x0;
	s5 =	sld [smem:$0x3FA4]  }
0x2b: {  	s6 =	sld [smem:$0x3FA5]  }
0x2c: {  	s7 =	sld [smem:$0x3FA6]  }
0x2d: {  	s3 =	simm.s32 $0x108;
	s8 =	sld [smem:$0x3FA7]  }
0x2e: {  	s3 =	simm.s32 @!p0 $0x1082;
	s9 =	sld [smem:$0x3FA8]  }
0x2f: {  	lr =	sadd.s32 s0, s3;
	s0 =	sld [smem:$0x3F9F]  }
0x30: {  	s3 =	sld [smem:$0x3FA2]  }
0x31: {  	[smem:$0x3FAB] =	sst s10  }
0x32: {  	s10 =	sld [smem:$0x3FA9];
	_ =	sdelay $0x3  }
0x33: {  	p0 =	seq.s32 s10, $0x1;
	s10 =	sld [smem:$0x3FAB];
	_ =	sdelay $0x3  }
0x34: {  	[smem:$0x3FAB] =	sst s10  }
0x35: {  	s10 =	sld [smem:$0x3FAA];
	_ =	sdelay $0x3  }
0x36: {  	p1 =	seq.s32 s10, $0x1;
	s10 =	sld [smem:$0x3FAB];
	_ =	sdelay $0x3  }
0x37: {  	[smem:$0x3FAB] =	sst s10  }
0x38: {  	s10 =	sld [smem:$0x3FAC]  }
0x39: {  	_ = 	snop;
	(pc) =	sbr.ind lr, $3  }
0x3a: {  	_ = 	snop  }
0x3b: {  	_ = 	snop  }
0x3c: {  	p2 =	seq.s32 s10, $0x1;
	s10 =	sld [smem:$0x3FAB]  }
0x3d: {  	_ =	shalt  }
0x3e: {  	_ =	shalt  }
0x3f: {  	_ =	shalt  }
0x40: {  	_ =	shalt  }
0x41: {  	_ =	shalt  }
0x42: {  	_ =	shalt  }
0x43: {  	_ =	shalt  }
0x44: {  	_ =	shalt  }
0x45: {  	_ =	shalt  }
0x46: {  	_ =	shalt  }
0x47: {  	_ =	shalt  }
0x48: {  	_ =	shalt  }
0x49: {  	_ =	shalt  }
0x4a: {  	_ =	shalt  }
0x4b: {  	_ =	shalt  }
0x4c: {  	_ =	shalt  }
0x4d: {  	_ =	shalt  }
0x4e: {  	_ =	shalt  }
0x4f: {  	_ =	shalt  }
0x50: {  	_ =	shalt  }
0x51: {  	_ =	shalt  }
0x52: {  	_ =	shalt  }
0x53: {  	_ =	shalt  }
0x54: {  	_ =	shalt  }
0x55: {  	_ =	shalt  }
0x56: {  	_ =	shalt  }
0x57: {  	_ =	shalt  }
0x58: {  	_ =	shalt  }
0x59: {  	_ =	shalt  }
0x5a: {  	_ =	shalt  }
0x5b: {  	_ =	shalt  }
0x5c: {  	_ =	shalt  }
0x5d: {  	_ =	shalt  }
0x5e: {  	_ =	shalt  }
0x5f: {  	_ =	shalt  }
0x60: {  	_ =	shalt  }
0x61: {  	_ =	shalt  }
0x62: {  	_ =	shalt  }
0x63: {  	_ =	shalt  }
0x64: {  	_ =	shalt  }
0x65: {  	_ =	shalt  }
0x66: {  	_ =	shalt  }
0x67: {  	_ =	shalt  }
0x68: {  	_ =	shalt  }
0x69: {  	_ =	shalt  }
0x6a: {  	_ =	shalt  }
0x6b: {  	_ =	shalt  }
0x6c: {  	_ =	shalt  }
0x6d: {  	_ =	shalt  }
0x6e: {  	_ =	shalt  }
0x6f: {  	_ =	shalt  }
0x70: {  	_ =	shalt  }
0x71: {  	_ =	shalt  }
0x72: {  	_ =	shalt  }
0x73: {  	_ =	shalt  }
0x74: {  	_ =	shalt  }
0x75: {  	_ =	shalt  }
0x76: {  	_ =	shalt  }
0x77: {  	_ =	shalt  }
0x78: {  	_ =	shalt  }
0x79: {  	_ =	shalt  }
0x7a: {  	_ =	shalt  }
0x7b: {  	_ =	shalt  }
0x7c: {  	_ =	shalt  }
0x7d: {  	_ =	shalt  }
0x7e: {  	_ =	shalt  }
0x7f: {  	_ =	shalt  }
0x80: {  	_ =	shalt  }
0x81: {  	_ =	shalt  }
0x82: {  	_ =	shalt  }
0x83: {  	_ =	shalt  }
0x84: {  	_ =	shalt  }
0x85: {  	_ =	shalt  }
0x86: {  	_ =	shalt  }
0x87: {  	_ =	shalt  }
.Lfunc_end0:
.L_simem_size_0:
called_computation_lowered:
.L_overlay_start_0:
0x88: {  	s2 =	sld [smem:$0x3FD9]  }
0x89: {  	s3 =	sld [smem:$0x3FFE];
	_ =	sdelay $0x1  }
0x8a: {  	s1 =	srdreg.scid  }
0x8b: {  	s0 =	sand.u32 $0x1, s1  }
0x8c: {  	s15 =	sshll.u32 s0, $0xA;
	s2 =	sadd.s32 s3, s2  }
0x8d: {  	s2 =	sadd.s32 s2, s15  }
0x8e: {  	[smem:$0x3FB7] =	sst s2  }
0x8f: {  	_ = 	snop  }
0x90: {  	s2 =	sld [smem:$0x3FC9]  }
0x91: {  	s6 =	sld [smem:$0x3FD0]  }
0x92: {  	s5 =	sld [smem:$0x3FC8]  }
0x93: {  	s16 =	sld [smem:$0x3FC5]  }
0x94: {  	s8 =	simm.s32 $0xB;
	s7 =	simm.s32 $0x10;
	s4 =	sld [smem:$0x3FC1]  }
0x95: {  	[smem:s7], [sflag:s8] =	dma.local [hbm:s6], $0x1  }
0x96: {  	_ =	swait.eq [sflag:s8], $0x1  }
0x97: {  	[sflag:s8] =	ssyncset.done $0x0  }
0x98: {  	s17 =	sld [smem:$0x10];
	[sflag:s8] =	ssyncadd.s32 $0xFFFFFFFF  }
0x99: {  	s18 =	sld [smem:$0x11];
	(tm) =	ssettm $0x1  }
0x9a: {  	s19 =	sld [smem:$0x3FFB];
	_ =	sdelay $0x3  }
0x9b: {  	_ =	strace s19  }
0x9c: {  	s6 =	sld [smem:$0x3FFC];
	_ =	sdelay $0x3  }
0x9d: {  	_ =	strace s6  }
0x9e: {  	s6 =	sld [smem:$0x3FFD];
	_ =	sdelay $0x3  }
0x9f: {  	_ =	strace s6  }
0xa0: {  	_ =	strace $0x8FFFFFFF  }
0xa1: {  	s20 =	sld [smem:$0x3FDB];
	_ =	sdelay $0x1  }
0xa2: {  	s9 =	simm.s32 $_scs_section_size  }
0xa3: {  	s10 =	simm.s32 $_size__tile_overlayer_lowered;
	s11 =	simm.s32 $_tile_overlayer_lowered  }
0xa4: {  	s12 =	simm.s32 $0x1BFF;
	s21 =	sshll.u32 s11, $0x1;
	s9 =	sadd.s32 s9, s20  }
0xa5: {  	s22 =	simm.s32 $0x0;
	s10 =	sshll.u32 s10, $0x1;
	s11 =	sadd.s32 s21, s9  }
0xa6: {  	[timem:s22], [sflag:s12] =	dma.local [hbm:s11], s10  }
0xa7: {  	_ =	swait.ge [sflag:s12], s10  }
0xa8: {  	s10 =	ssub.s32 $0x0, s10;
	[sflag:s12] =	ssyncset.done $0x0  }
0xa9: {  	[sflag:s12] =	ssyncadd.s32 s10;
	_ =	sdelay $0x1  }
0xaa: {  	s23 =	simm.s32 $0x1B8B  }
0xab: {  	_ =	swait.ge [sflag:s23], $0x1  }
0xac: {  	[sflag:s23] =	ssyncset.done $0x0  }
0xad: {  	[sflag:s23] =	ssyncadd.s32 $0xFFFFFFFF  }
0xae: {  	s10 =	sld [smem:$0x0]  }
0xaf: {  	s11 =	sand.u32 $0xFFFFFFFE, s1  }
0xb0: {  	p0 =	sne.s32 s1, s11  }
0xb1: {  	s11 =	sshll.u32 @p0 s11, $0xE  }
0xb2: {  	s11 =	sadd.s32 @p0 $0x11B8D, s11;
	s12 =	sshll.u32 @p0 s10, $0x11  }
0xb3: {  	s11 =	sor.u32 @p0 s12, s11  }
0xb4: {  	[sflag:s11] =	ssyncadd.remote.s32 @p0 $0x1;
	_ =	sdelay $0x1  }
0xb5: {  	s11 =	simm.s32 @p0 $0x1B8D  }
0xb6: {  	_ =	swait.eq @p0 [sflag:s11], $0x1  }
0xb7: {  	[sflag:s11] =	ssyncadd.s32 @p0 $0xFFFFFFFF  }
0xb8: {  	s12 =	sshll.u32 @!p0 s1, $0xE  }
0xb9: {  	s12 =	sor.u32 @!p0 $0x4000, s12;
	s11 =	simm.s32 @!p0 $0x1B8D  }
0xba: {  	s10 =	sshll.u32 @!p0 s10, $0x11;
	s12 =	sadd.s32 @!p0 $0x11B8D, s12;
	_ =	swait.eq @!p0 [sflag:s11], $0x1  }
0xbb: {  	s10 =	sor.u32 @!p0 s10, s12;
	[sflag:s11] =	ssyncadd.s32 @!p0 $0xFFFFFFFF  }
0xbc: {  	s25 =	simm.s32 $0x1B8E;
	s24 =	sld [smem:$0x3FFE];
	[sflag:s10] =	ssyncadd.remote.s32 @!p0 $0x1  }
0xbd: {  	s26 =	simm.s32 $execute0_lowered;
	[smem:$0x3FD2] =	sst s25  }
0xbe: {  	s11 =	sshll.u32 s26, $0x1;
	_ =	strace $0x80000049;
	[dreg:$0x1] =	wrdreg $0xFFFFFFFF  }
0xbf: {  	s28 =	simm.s32 $_size_execute0_lowered;
	s9 =	sadd.s32 s9, s11;
	[dreg:$0x0] =	wrdreg $0x0  }
0xc0: {  	s11 =	sshll.u32 s28, $0x1;
	[dreg:$0x2] =	wrdreg s9  }
0xc1: {  	[dreg:$0x3] =	wrdreg s11  }
0xc2: {  	[dreg:$0x4] =	wrdreg $0xC0  }
0xc3: {  	_ =	task [dreg:s22], $0x5FFFF  }
0xc4: {  	[dreg:$0x1] =	wrdreg $0xFFFFFFFF  }
0xc5: {  	[dreg:$0x0] =	wrdreg $0x60  }
0xc6: {  	[dreg:$0x2] =	wrdreg s2  }
0xc7: {  	[dreg:$0x3] =	wrdreg s5  }
0xc8: {  	[dreg:$0x4] =	wrdreg s24  }
0xc9: {  	[dreg:$0x5] =	wrdreg s16  }
0xca: {  	[dreg:$0x6] =	wrdreg s4  }
0xcb: {  	[dreg:$0x7] =	wrdreg s17  }
0xcc: {  	[dreg:$0x8] =	wrdreg s18  }
0xcd: {  	[dreg:$0x9] =	wrdreg $0x9  }
0xce: {  	_ =	task.clear_ibuf [dreg:s22], $0xAFFFF;
	_ =	strace $0x90000049  }
0xcf: {  	s29 =	simm.s32 $0x9;
	_ =	strace $0x8000004B  }
0xd0: {  	_ =	swait.ge [sflag:s29], $0x1  }
0xd1: {  	[sflag:s29] =	ssyncadd.s32 $0xFFFFFFFF  }
0xd2: {  	_ =	strace $0x9000004B  }
0xd3: {  	_ =	sfence  }
0xd4: {  	s30 =	sld [smem:$0x0];
	_ =	sdelay $0x2  }
0xd5: {  	s31 =	sshll.u32 s1, $0xD;
	s1 =	sshrl.u32 s1, $0x2  }
0xd6: {  	s3 =	sand.u32 $0x4000, s31;
	s1 =	sadd.s32 s1, s30  }
0xd7: {  	s0 =	sor.u32 s3, s0;
	s1 =	sshll.u32 s1, $0x11  }
0xd8: {  	s0 =	sor.u32 s1, s0  }
0xd9: {  	s0 =	sadd.s32 $0x8F2B, s0  }
0xda: {  	[sflag:s0] =	ssyncadd.remote.s32 $0x1  }
0xdb: {  	_ =	sfence.sel $0xFFFF  }
0xdc: {  	[dreg:$0x0] =	wrdreg $0xFFFFFFFF;
	(pc) =	sbr.abs _section_cstart, $3  }
0xdd: {  	[dreg:$0x1] =	wrdreg $0xFFFFFFFF  }
0xde: {  	_ =	task.clear_ibuf [dreg:s22], $0x2FFFF;
	_ =	strace $0x9FFFFFFF  }
0xdf: {  	(tm) =	ssettm $0x7FFFFFFF  }
tec
execute0_lowered:
.L_overlay_start_1:
0x0: {  	(tag) =	ssettag $0x1  }
0x1: {  	s0 =	rddreg [dreg:$0x0]  }
0x2: {  	s2 =	rddreg [dreg:$0x1]  }
0x3: {  	s1 =	rddreg [dreg:$0x2]  }
0x4: {  	s3 =	rddreg [dreg:$0x3]  }
0x5: {  	s4 =	rddreg [dreg:$0x4]  }
0x6: {  	s6 =	rddreg [dreg:$0x6];
	s5 =	simm.s32 $0x0;
	s7 =	srdreg.scid  }
0x7: {  	s8 =	stileid.u32;
	s15 =	simm.s32 $0x3;
	s16 =	simm.s32 $0x100  }
0x8: {  	s17 =	simm.s32 $0x200;
	s18 =	simm.s32 $0x300;
	s19 =	simm.s32 $0xC8  }
0x9: {  	s20 =	simm.s32 $0x400;
	s21 =	simm.s32 $0x6800;
	s22 =	simm.s32 $0xCC00  }
0xa: {  	s23 =	simm.s32 $0x13000;
	s24 =	simm.s32 $0x1;
	s28 =	simm.s32 $0x19480  }
0xb: {  	s29 =	simm.s32 $0x2;
	s30 =	simm.s32 $0x0;
	[smem:$0x7FF] =	sst s5  }
0xc: {  	s9 =	sand.u32 $0x1, s7;
	s7 =	sadd.s32 $0x2A7600, s1;
	s12 =	sshll.u32 s8, $0x1  }
0xd: {  	s8 =	sadd.s32 $0x2B6200, s1;
	s10 =	ssub.s32 $0x2, s9;
	s12 =	sor.u32 s9, s12  }
0xe: {  	_ =	strace $0x8000004A;
	s11 =	sshrl.u32 s10, $0x1;
	s9 =	smul.u32 $0x1388, s12  }
0xf: {  	s13 =	sshll.u32 s12, $0x8;
	s26 =	sshll.u32 s12, $0x5;
	s12 =	sshll.u32 s12, $0xC  }
0x10: {  	s25 =	ssub.s32 s10, s11;
	s10 =	sadd.s32 s4, s26;
	s31 =	sor.u32 $0x80, s13  }
0x11: {  	s12 =	sadd.s32 s6, s12;
	s26 =	simm.s32 $0x80;
	[dreg:$0x8] =	wrdreg s10  }
0x12: {  	s11 =	smax.u32 s25, $0x1;
	s13 =	sshrl.u32 s31, $0x3;
	s1 =	sshll.u32 s31, $0x4  }
0x13: {  	s25 =	simm.s32 $0x19400;
	s13 =	sadd.s32 s4, s13;
	s14 =	sadd.s32 s6, s1  }
.LBB2_1:
0x14: {  	s31 =	simm.s32 $0x0  }
.LBB2_2:
0x15: {  	s1 =	smul.u32 $0xC8, s31;
	_ =	sdelay $0x1  }
0x16: {  	s1 =	sadd.s32 s9, s1  }
0x17: {  	s4 =	sshrl.u32 s1, $0x3  }
0x18: {  	s6 =	sadd.s32 s7, s4  }
0x19: {  	[tilespmem:s5], [sflag:$0x3] =	stream.linear.gather [hbm4b:s6+s5], $0xC8, $0x38;
	[tilespmem:$0x1D480] =	vst v63  }
0x1a: {  	_ =	swait.ge [sflag:s15], $0xC8  }
0x1b: {  	[sflag:s15] =	ssyncset.done $0x0  }
0x1c: {  	s10 =	sadd.s32 $0x4E20, s6;
	[sflag:s15] =	ssyncadd.s32 $0xFFFFFF38  }
0x1d: {  	[tilespmem:s16], [sflag:$0x3] =	stream.linear.gather [hbm4b:s10+s5], $0xC8, $0x38;
	[tilespmem:$0x1D480] =	vst v63  }
0x1e: {  	_ =	swait.ge [sflag:s15], $0xC8  }
0x1f: {  	[sflag:s15] =	ssyncset.done $0x0  }
0x20: {  	s6 =	sadd.s32 $0x9C40, s6;
	[sflag:s15] =	ssyncadd.s32 $0xFFFFFF38  }
0x21: {  	[tilespmem:s17], [sflag:$0x3] =	stream.linear.gather [hbm4b:s6+s5], $0xC8, $0x38;
	[tilespmem:$0x1D480] =	vst v63  }
0x22: {  	_ =	swait.ge [sflag:s15], $0xC8  }
0x23: {  	[sflag:s15] =	ssyncset.done $0x0  }
0x24: {  	s4 =	sadd.s32 s3, s4;
	[sflag:s15] =	ssyncadd.s32 $0xFFFFFF38  }
0x25: {  	[tilespmem:s18], [sflag:$0x3] =	stream.linear.gather [hbm4b:s4+s5], $0xC8, $0x38;
	[tilespmem:$0x1D480] =	vst v63  }
0x26: {  	_ =	swait.ge [sflag:s15], $0xC8  }
0x27: {  	[sflag:s15] =	ssyncset.done $0x0  }
0x28: {  	[sflag:s15] =	ssyncadd.s32 $0xFFFFFF38  }
0x29: {  	[tilespmem:s20], [sflag:$0x1] =	stream.indirect.gather [hbm4b:s0+s19], $0x80, s5, s19, $0xb8;
	[tilespmem:$0x1D480] =	vst v63  }
0x2a: {  	_ = 	snop  }
0x2b: {  	[tilespmem:s21], [sflag:$0x1] =	stream.indirect.gather [hbm4b:s0+s19], $0x80, s16, s19, $0xb8;
	[tilespmem:$0x1D480] =	vst v63  }
0x2c: {  	_ = 	snop  }
0x2d: {  	[tilespmem:s22], [sflag:$0x1] =	stream.indirect.gather [hbm4b:s0+s19], $0x80, s17, s19, $0xb8;
	[tilespmem:$0x1D480] =	vst v63  }
0x2e: {  	_ = 	snop  }
0x2f: {  	[tilespmem:s23], [sflag:$0x1] =	stream.indirect.gather [hbm4b:s2+s19], $0x80, s18, s19, $0xb8;
	[tilespmem:$0x1D480] =	vst v63  }
0x30: {  	_ =	swait.ge [sflag:s24], $0x6400  }
0x31: {  	[sflag:s24] =	ssyncset.done $0x0  }
0x32: {  	[sflag:s24] =	ssyncadd.s32 $0xFFFF9C00  }
0x33: {  	_ =	swait.ge [sflag:s24], $0x6400  }
0x34: {  	[sflag:s24] =	ssyncset.done $0x0  }
0x35: {  	[sflag:s24] =	ssyncadd.s32 $0xFFFF9C00  }
0x36: {  	_ =	swait.ge [sflag:s24], $0x6400  }
0x37: {  	[sflag:s24] =	ssyncset.done $0x0  }
0x38: {  	[sflag:s24] =	ssyncadd.s32 $0xFFFF9C00  }
0x39: {  	_ =	swait.ge [sflag:s24], $0x6400  }
0x3a: {  	[sflag:s24] =	ssyncset.done $0x0  }
0x3b: {  	s6 =	simm.s32 $0xF0;
	[sflag:s24] =	ssyncadd.s32 $0xFFFF9C00  }
0x3c: {  	v10 =	vld [tilespmem:s6+$0x12F10]  }
0x3d: {  	v11 =	vld [tilespmem:s6+$0x12F20]  }
0x3e: {  	v12 =	vld [tilespmem:s6+$0x12F30]  }
0x3f: {  	v13 =	vld [tilespmem:s6+$0x12F40]  }
0x40: {  	v23 =	vld [tilespmem:s6+$0x12F50]  }
0x41: {  	v24 =	vld [tilespmem:s6+$0x12F60]  }
0x42: {  	v27 =	vld [tilespmem:s6+$0x12F70]  }
0x43: {  	v28 =	vld [tilespmem:s6+$0x12F80]  }
0x44: {  	v3 =	vld [tilespmem:s6+$0x12F90]  }
0x45: {  	v2 =	vld [tilespmem:s6+$0x12FA0]  }
0x46: {  	v1 =	vld [tilespmem:s6+$0x12FB0]  }
0x47: {  	v0 =	vld [tilespmem:s6+$0x12FC0]  }
0x48: {  	v14 =	vld [tilespmem:s6+$0xCB10]  }
0x49: {  	v15 =	vld [tilespmem:s6+$0xCB20]  }
0x4a: {  	v16 =	vld [tilespmem:s6+$0xCB30]  }
0x4b: {  	v17 =	vld [tilespmem:s6+$0xCB40]  }
0x4c: {  	v20 =	vld [tilespmem:s6+$0xCB50]  }
0x4d: {  	v21 =	vld [tilespmem:s6+$0xCB60]  }
0x4e: {  	v22 =	vld [tilespmem:s6+$0xCB70]  }
0x4f: {  	v25 =	vld [tilespmem:s6+$0xCB80]  }
0x50: {  	v26 =	vld [tilespmem:s6+$0xCB90]  }
0x51: {  	v29 =	vld [tilespmem:s6+$0xCBA0]  }
0x52: {  	v7 =	vld [tilespmem:s6+$0xCBB0]  }
0x53: {  	v6 =	vld [tilespmem:s6+$0xCBC0]  }
0x54: {  	v5 =	vld [tilespmem:s6+$0xCBD0]  }
0x55: {  	v4 =	vld [tilespmem:s6+$0xCBE0]  }
0x56: {  	v8 =	vld [tilespmem:s6+$0x6710]  }
0x57: {  	v18 =	vld [tilespmem:s6+$0x6720]  }
0x58: {  	v19 =	vld [tilespmem:s6+$0x6730]  }
0x59: {  	v30 =	vld [tilespmem:s6+$0x6740]  }
0x5a: {  	v31 =	vld [tilespmem:s6+$0x6750]  }
0x5b: {  	v32 =	vld [tilespmem:s6+$0x6760]  }
0x5c: {  	v33 =	vld [tilespmem:s6+$0x6770]  }
0x5d: {  	v34 =	vld [tilespmem:s6+$0x6780]  }
0x5e: {  	v35 =	vld [tilespmem:s6+$0x310]  }
0x5f: {  	v36 =	vld [tilespmem:s6+$0x320]  }
0x60: {  	v37 =	vld [tilespmem:s6+$0x330]  }
0x61: {  	v38 =	vld [tilespmem:s6+$0x340]  }
0x62: {  	v39 =	vld [tilespmem:s6+$0x6790]  }
0x63: {  	v40 =	vld [tilespmem:s6+$0x67A0]  }
0x64: {  	v58 =	vld [tilespmem:s6+$0x380]  }
0x65: {  	v57 =	vld [tilespmem:s6+$0x370];
	v35 =	vadd.f32 v8, v35  }
0x66: {  	v59 =	vld [tilespmem:s6+$0x390];
	v18 =	vadd.f32 v18, v36  }
0x67: {  	v9 =	vld [tilespmem:s6+$0x67B0];
	v19 =	vadd.f32 v19, v37;
	v14 =	vadd.f32 v14, v35  }
0x68: {  	v55 =	vld [tilespmem:s6+$0x350];
	v15 =	vadd.f32 v15, v18;
	v18 =	vadd.f32 v30, v38  }
0x69: {  	v56 =	vld [tilespmem:s6+$0x360];
	v60 =	vadd.f32 v34, v58;
	v16 =	vadd.f32 v16, v19  }
0x6a: {  	v41 =	vld [tilespmem:s6+$0x3A0];
	v30 =	vadd.f32 v33, v57;
	v14 =	vmul.f32 $3.333333430e-01, v14;
	v17 =	vadd.f32 v17, v18  }
0x6b: {  	v8 =	vld [tilespmem:s6+$0x67C0];
	v61 =	vadd.f32 v39, v59;
	v25 =	vadd.f32 v25, v60;
	v16 =	vmul.f32 $3.333333430e-01, v16  }
0x6c: {  	v30 =	vadd.f32 v22, v30;
	v22 =	vld [tilespmem:s6+$0x3D0];
	v10 =	vadd.f32 v14, v10;
	v14 =	vmul.f32 $3.333333430e-01, v17  }
0x6d: {  	v15 =	vmul.f32 $3.333333430e-01, v15;
	v17 =	vld [tilespmem:s6+$0x67D0];
	v18 =	vadd.f32 v16, v12;
	v12 =	vadd.f32 v31, v55  }
0x6e: {  	v16 =	vld [tilespmem:s6+$0x67E0];
	v19 =	vadd.f32 v14, v13;
	v13 =	vadd.f32 v32, v56  }
0x6f: {  	v11 =	vadd.f32 v15, v11;
	v15 =	vld [tilespmem:s6+$0x67F0];
	v12 =	vadd.f32 v20, v12  }
0x70: {  	v62 =	vadd.f32 v40, v41;
	v20 =	vld [tilespmem:s6+$0x3B0];
	v13 =	vadd.f32 v21, v13  }
0x71: {  	v26 =	vadd.f32 v26, v61;
	v63 =	vmul.f32 $3.333333430e-01, v25;
	v21 =	vld [tilespmem:s6+$0x3C0];
	v12 =	vmul.f32 $3.333333430e-01, v12  }
0x72: {  	v29 =	vadd.f32 v29, v62;
	v30 =	vmul.f32 $3.333333430e-01, v30;
	v14 =	vld [tilespmem:s6+$0x6800];
	[tilespmem:s6+$0x310] =	vst v10;
	v13 =	vmul.f32 $3.333333430e-01, v13  }
0x73: {  	v26 =	vmul.f32 $3.333333430e-01, v26;
	v10 =	vld [tilespmem:s6+$0x3E0];
	[tilespmem:s6+$0x320] =	vst v11;
	v11 =	vadd.f32 v63, v28;
	v25 =	vadd.f32 v12, v23  }
0x74: {  	s4 =	simm.s32 $0x7C0;
	v23 =	vadd.f32 v30, v27;
	v12 =	vld [tilespmem:s6+$0x3F0];
	v24 =	vadd.f32 v13, v24;
	v13 =	vmul.f32 $3.333333430e-01, v29  }
.LBB2_3:
0x75: {  	p0 =	sne.s32 s4, $0x18FC0;
	[tilespmem:s6+$0x330] =	vst v18;
	v3 =	vadd.f32 v26, v3;
	v9 =	vadd.f32 v9, v20;
	v18 =	vld [tilespmem:s6+$0x400]  }
0x76: {  	[tilespmem:s6+$0x340] =	vst v19;
	v2 =	vadd.f32 v13, v2;
	v8 =	vadd.f32 v8, v21;
	v13 =	vld [tilespmem:s6+$0xCBF0]  }
0x77: {  	[tilespmem:s6+$0x350] =	vst v25;
	v7 =	vadd.f32 v7, v9;
	v9 =	vadd.f32 v17, v22;
	v17 =	vld [tilespmem:s6+$0xCC00]  }
0x78: {  	[tilespmem:s6+$0x360] =	vst v24;
	v6 =	vadd.f32 v6, v8;
	v8 =	vld [tilespmem:s6+$0x12FD0];
	v10 =	vadd.f32 v16, v10  }
0x79: {  	[tilespmem:s6+$0x370] =	vst v23;
	v7 =	vmul.f32 $3.333333430e-01, v7;
	v5 =	vadd.f32 v5, v9;
	v9 =	vld [tilespmem:s6+$0x12FE0];
	v12 =	vadd.f32 v15, v12  }
0x7a: {  	[tilespmem:s6+$0x380] =	vst v11;
	v6 =	vmul.f32 $3.333333430e-01, v6;
	v4 =	vadd.f32 v4, v10;
	v10 =	vld [tilespmem:s6+$0x12FF0];
	v11 =	vadd.f32 v14, v18  }
0x7b: {  	s10 =	sshra.s32 s4, $0x2;
	[tilespmem:s6+$0x390] =	vst v3;
	v1 =	vadd.f32 v7, v1;
	v3 =	vmul.f32 $3.333333430e-01, v5;
	v5 =	vadd.f32 v13, v12;
	v7 =	vld [tilespmem:s6+$0x13000]  }
0x7c: {  	v14 =	vld [tilespmem:s10+$0x12F10];
	[tilespmem:s6+$0x3A0] =	vst v2;
	v0 =	vadd.f32 v6, v0;
	v2 =	vmul.f32 $3.333333430e-01, v4;
	v4 =	vadd.f32 v17, v11  }
0x7d: {  	v15 =	vld [tilespmem:s10+$0x12F20];
	[tilespmem:s6+$0x3B0] =	vst v1;
	v1 =	vadd.f32 v3, v8;
	v3 =	vmul.f32 $3.333333430e-01, v5  }
0x7e: {  	v16 =	vld [tilespmem:s10+$0x12F30];
	[tilespmem:s6+$0x3C0] =	vst v0;
	v0 =	vadd.f32 v2, v9;
	v2 =	vmul.f32 $3.333333430e-01, v4  }
0x7f: {  	v17 =	vld [tilespmem:s10+$0x12F40];
	[tilespmem:s6+$0x3D0] =	vst v1;
	v1 =	vadd.f32 v3, v10  }
0x80: {  	v10 =	vld [tilespmem:s10+$0x12F50];
	[tilespmem:s6+$0x3E0] =	vst v0;
	v0 =	vadd.f32 v2, v7  }
0x81: {  	v12 =	vld [tilespmem:s10+$0x12F60];
	[tilespmem:s6+$0x3F0] =	vst v1  }
0x82: {  	v11 =	vld [tilespmem:s10+$0x12F70];
	[tilespmem:s6+$0x400] =	vst v0;
	s6 =	smov.u32 s10  }
0x83: {  	v13 =	vld [tilespmem:s6+$0x12F80]  }
0x84: {  	v3 =	vld [tilespmem:s6+$0x12F90]  }
0x85: {  	v2 =	vld [tilespmem:s6+$0x12FA0]  }
0x86: {  	v1 =	vld [tilespmem:s6+$0x12FB0]  }
0x87: {  	v0 =	vld [tilespmem:s6+$0x12FC0]  }
0x88: {  	v8 =	vld [tilespmem:s6+$0xCB10]  }
0x89: {  	v18 =	vld [tilespmem:s6+$0xCB20]  }
0x8a: {  	v19 =	vld [tilespmem:s6+$0xCB30]  }
0x8b: {  	v20 =	vld [tilespmem:s6+$0xCB40]  }
0x8c: {  	v21 =	vld [tilespmem:s6+$0xCB50]  }
0x8d: {  	v22 =	vld [tilespmem:s6+$0xCB60]  }
0x8e: {  	v23 =	vld [tilespmem:s6+$0xCB70]  }
0x8f: {  	v24 =	vld [tilespmem:s6+$0xCB80]  }
0x90: {  	v25 =	vld [tilespmem:s6+$0xCB90]  }
0x91: {  	v26 =	vld [tilespmem:s6+$0xCBA0]  }
0x92: {  	v7 =	vld [tilespmem:s6+$0xCBB0]  }
0x93: {  	v6 =	vld [tilespmem:s6+$0xCBC0]  }
0x94: {  	v5 =	vld [tilespmem:s6+$0xCBD0]  }
0x95: {  	v4 =	vld [tilespmem:s6+$0xCBE0]  }
0x96: {  	v9 =	vld [tilespmem:s6+$0x6710]  }
0x97: {  	v27 =	vld [tilespmem:s6+$0x6720]  }
0x98: {  	v28 =	vld [tilespmem:s6+$0x6730]  }
0x99: {  	v29 =	vld [tilespmem:s6+$0x6740]  }
0x9a: {  	v30 =	vld [tilespmem:s6+$0x6750]  }
0x9b: {  	v31 =	vld [tilespmem:s6+$0x6760]  }
0x9c: {  	v32 =	vld [tilespmem:s6+$0x6770]  }
0x9d: {  	v33 =	vld [tilespmem:s6+$0x6780]  }
0x9e: {  	v34 =	vld [tilespmem:s6+$0x310]  }
0x9f: {  	v35 =	vld [tilespmem:s6+$0x320]  }
0xa0: {  	v36 =	vld [tilespmem:s6+$0x330]  }
0xa1: {  	v37 =	vld [tilespmem:s6+$0x340]  }
0xa2: {  	v38 =	vld [tilespmem:s6+$0x6790]  }
0xa3: {  	v34 =	vadd.f32 v9, v34;
	v39 =	vld [tilespmem:s6+$0x67A0]  }
0xa4: {  	v27 =	vadd.f32 v27, v35;
	v9 =	vld [tilespmem:s6+$0x67B0]  }
0xa5: {  	v34 =	vadd.f32 v8, v34;
	v28 =	vadd.f32 v28, v36;
	v8 =	vld [tilespmem:s6+$0x67C0]  }
0xa6: {  	v18 =	vadd.f32 v18, v27;
	v27 =	vadd.f32 v29, v37;
	v29 =	vld [tilespmem:s6+$0x350]  }
0xa7: {  	v19 =	vadd.f32 v19, v28;
	v28 =	vld [tilespmem:s6+$0x360]  }
0xa8: {  	v34 =	vmul.f32 $3.333333430e-01, v34;
	v18 =	vmul.f32 $3.333333430e-01, v18;
	v20 =	vadd.f32 v20, v27;
	v27 =	vld [tilespmem:s6+$0x370]  }
0xa9: {  	v19 =	vmul.f32 $3.333333430e-01, v19;
	v35 =	vld [tilespmem:s6+$0x380]  }
0xaa: {  	v34 =	vadd.f32 v34, v14;
	v36 =	vadd.f32 v18, v15;
	v14 =	vmul.f32 $3.333333430e-01, v20;
	v20 =	vld [tilespmem:s6+$0x390]  }
0xab: {  	v18 =	vadd.f32 v19, v16;
	v15 =	vadd.f32 v30, v29;
	v29 =	vld [tilespmem:s6+$0x3A0]  }
0xac: {  	v19 =	vadd.f32 v14, v17;
	v14 =	vadd.f32 v31, v28;
	v17 =	vld [tilespmem:s6+$0x67D0]  }
0xad: {  	v21 =	vadd.f32 v21, v15;
	v27 =	vadd.f32 v32, v27;
	v16 =	vld [tilespmem:s6+$0x67E0]  }
0xae: {  	v22 =	vadd.f32 v22, v14;
	v28 =	vadd.f32 v33, v35;
	v15 =	vld [tilespmem:s6+$0x67F0]  }
0xaf: {  	v23 =	vadd.f32 v23, v27;
	v27 =	vadd.f32 v38, v20;
	v14 =	vld [tilespmem:s6+$0x6800]  }
.Ltmp0:
0xb0: {  	v24 =	vadd.f32 v24, v28;
	v28 =	vadd.f32 v39, v29;
	v20 =	vld [tilespmem:s6+$0x3B0];
	(pc) =	sbr.rel @p0 .LBB2_3-.Ltmp0, $4  }
0xb1: {  	v29 =	vmul.f32 $3.333333430e-01, v21;
	v30 =	vmul.f32 $3.333333430e-01, v22;
	v27 =	vadd.f32 v25, v27;
	v21 =	vld [tilespmem:s6+$0x3C0]  }
0xb2: {  	v23 =	vmul.f32 $3.333333430e-01, v23;
	v31 =	vmul.f32 $3.333333430e-01, v24;
	v28 =	vadd.f32 v26, v28;
	v22 =	vld [tilespmem:s6+$0x3D0]  }
0xb3: {  	v25 =	vadd.f32 v29, v10;
	v24 =	vadd.f32 v30, v12;
	[tilespmem:s6+$0x310] =	vst v34;
	v26 =	vmul.f32 $3.333333430e-01, v27;
	v10 =	vld [tilespmem:s6+$0x3E0]  }
0xb4: {  	s4 =	sadd.s32 $0x400, s4;
	v23 =	vadd.f32 v23, v11;
	[tilespmem:s6+$0x320] =	vst v36;
	v11 =	vadd.f32 v31, v13;
	v13 =	vmul.f32 $3.333333430e-01, v28;
	v12 =	vld [tilespmem:s6+$0x3F0]  }
0xb5: {  	[tilespmem:s6+$0x330] =	vst v18;
	v43 =	vld [tilespmem:s6+$0x400];
	v3 =	vadd.f32 v26, v3;
	v9 =	vadd.f32 v9, v20  }
0xb6: {  	[tilespmem:s6+$0x340] =	vst v19;
	v44 =	vld [tilespmem:s6+$0xCBF0];
	v2 =	vadd.f32 v13, v2;
	v8 =	vadd.f32 v8, v21  }
0xb7: {  	[tilespmem:s6+$0x350] =	vst v25;
	v45 =	vld [tilespmem:s6+$0xCC00];
	v7 =	vadd.f32 v7, v9;
	v47 =	vadd.f32 v17, v22  }
0xb8: {  	[tilespmem:s6+$0x360] =	vst v24;
	v46 =	vld [tilespmem:s6+$0x12FD0];
	v6 =	vadd.f32 v6, v8;
	v49 =	vadd.f32 v16, v10  }
0xb9: {  	v48 =	vld [tilespmem:s6+$0x12FE0];
	[tilespmem:s6+$0x370] =	vst v23;
	v7 =	vmul.f32 $3.333333430e-01, v7;
	v5 =	vadd.f32 v5, v47;
	v50 =	vadd.f32 v15, v12  }
0xba: {  	v51 =	vld [tilespmem:s6+$0x12FF0];
	[tilespmem:s6+$0x380] =	vst v11;
	v6 =	vmul.f32 $3.333333430e-01, v6;
	v4 =	vadd.f32 v4, v49;
	v52 =	vadd.f32 v14, v43  }
0xbb: {  	v55 =	vld [tilespmem:s6+$0x13000];
	[tilespmem:s6+$0x390] =	vst v3;
	v1 =	vadd.f32 v7, v1;
	v53 =	vmul.f32 $3.333333430e-01, v5;
	v54 =	vadd.f32 v44, v50  }
0xbc: {  	[tilespmem:s6+$0x3A0] =	vst v2;
	v0 =	vadd.f32 v6, v0;
	v56 =	vmul.f32 $3.333333430e-01, v4;
	v57 =	vadd.f32 v45, v52  }
0xbd: {  	[tilespmem:s6+$0x3B0] =	vst v1;
	v58 =	vadd.f32 v53, v46;
	v59 =	vmul.f32 $3.333333430e-01, v54  }
0xbe: {  	[tilespmem:s6+$0x3C0] =	vst v0;
	v60 =	vadd.f32 v56, v48;
	v61 =	vmul.f32 $3.333333430e-01, v57  }
0xbf: {  	[tilespmem:s6+$0x3D0] =	vst v58;
	v62 =	vadd.f32 v59, v51  }
0xc0: {  	s31 =	sadd.s32 $0x1, s31;
	[tilespmem:s6+$0x3E0] =	vst v60;
	v63 =	vadd.f32 v61, v55  }
0xc1: {  	s1 =	sshll.u32 s1, $0x4;
	p0 =	sne.s32 s31, $0x19;
	[tilespmem:s6+$0x3F0] =	vst v62  }
.Ltmp1:
0xc2: {  	s1 =	sadd.s32 s8, s1;
	[tilespmem:s6+$0x400] =	vst v63;
	(pc) =	sbr.rel @p0 .LBB2_2-.Ltmp1, $4  }
0xc3: {  	[hbm4b:s1+s5] =	stream.linear.scatter [tilespmem:s20], [sflag:$0x3], $0x6400, $0x38;
	[tilespmem:$0x1D480] =	vst v63  }
0xc4: {  	_ =	swait.ge [sflag:s15], $0x6400  }
0xc5: {  	[sflag:s15] =	ssyncset.done $0x0  }
0xc6: {  	[sflag:s15] =	ssyncadd.s32 $0xFFFF9C00  }
0xc7: {  	s1 =	rddreg [dreg:$0x8]  }
0xc8: {  	[tilespmem:s25], [sflag:$0x3] =	stream.linear.gather [hbm4b:s1+s5], $0x80, $0x38;
	[tilespmem:$0x1D480] =	vst v63  }
0xc9: {  	_ =	swait.ge [sflag:s15], $0x80  }
0xca: {  	[sflag:s15] =	ssyncset.done $0x0  }
0xcb: {  	[sflag:s15] =	ssyncadd.s32 $0xFFFFFF80  }
0xcc: {  	s31 =	rddreg [dreg:$0x5]  }
0xcd: {  	[tilespmem:s28], [sflag:$0x2] =	stream.indirect.gather [hbm4b:s31+s26], $0x80, s25, s26, $0xb8;
	[tilespmem:$0x1D480] =	vst v63  }
0xce: {  	_ =	swait.ge [sflag:s29], $0x4000  }
0xcf: {  	[sflag:s29] =	ssyncset.done $0x0  }
0xd0: {  	[sflag:s29] =	ssyncadd.s32 $0xFFFFC000  }
0xd1: {  	[hbm4b:s12+s5] =	stream.linear.scatter [tilespmem:s28], [sflag:$0x3], $0x4000, $0x38;
	[tilespmem:$0x1D480] =	vst v63  }
0xd2: {  	_ =	swait.ge [sflag:s15], $0x4000  }
0xd3: {  	[sflag:s15] =	ssyncset.done $0x0  }
0xd4: {  	[sflag:s15] =	ssyncadd.s32 $0xFFFFC000  }
0xd5: {  	[tilespmem:s25], [sflag:$0x3] =	stream.linear.gather [hbm4b:s13+s5], $0x80, $0x38;
	[tilespmem:$0x1D480] =	vst v63  }
0xd6: {  	_ =	swait.ge [sflag:s15], $0x80  }
0xd7: {  	[sflag:s15] =	ssyncset.done $0x0  }
0xd8: {  	[sflag:s15] =	ssyncadd.s32 $0xFFFFFF80  }
0xd9: {  	[tilespmem:s28], [sflag:$0x2] =	stream.indirect.gather [hbm4b:s31+s26], $0x80, s25, s26, $0xb8;
	[tilespmem:$0x1D480] =	vst v63  }
0xda: {  	s30 =	sadd.s32 $0x1, s30;
	_ =	swait.ge [sflag:s29], $0x4000  }
0xdb: {  	p0 =	sne.s32 s30, s11;
	[sflag:s29] =	ssyncset.done $0x0  }
.Ltmp2:
0xdc: {  	[sflag:s29] =	ssyncadd.s32 $0xFFFFC000;
	(pc) =	sbr.rel @p0 .LBB2_1-.Ltmp2, $4  }
0xdd: {  	[hbm4b:s14+s5] =	stream.linear.scatter [tilespmem:s28], [sflag:$0x3], $0x4000, $0x38;
	[tilespmem:$0x1D480] =	vst v63  }
0xde: {  	_ =	swait.ge [sflag:s15], $0x4000  }
0xdf: {  	[sflag:s15] =	ssyncset.done $0x0  }
0xe0: {  	[sflag:s15] =	ssyncadd.s32 $0xFFFFC000  }
0xe1: {  	_ =	sfence.sel $0x180000  }
0xe2: {  	[bflag:$0x0] =	sbarrier.arrive $0xFFFF  }
0xe3: {  	_ =	strace $0x9000004A  }
0xe4: {  	s0 =	stileid.u32;
	[bflag:$0x2] =	sbarrier.arrive $0xFFFF  }
0xe5: {  	p0 =	sne.s32 s0, $0x0;
	s0 =	rddreg [dreg:$0x7]  }
0xe6: {  	s0 =	sadd.s32 @!p0 $0x100000, s0  }
0xe7: {  	[sflag:s0] =	ssyncadd.tile.s32 @!p0 $0x1;
	_ =	shalt  }
.Lfunc_end2:
_tile_overlayer_lowered:
.L_overlay_start_2:
0xe8: {  	(tag) =	ssettag $0x2  }
0xe9: {  	s0 =	rddreg [dreg:$0x0];
	s2 =	stileid.u32  }
0xea: {  	s1 =	rddreg [dreg:$0x1];
	p0 =	sne.s32 s2, $0x0  }
0xeb: {  	s3 =	rddreg [dreg:$0x2];
	[bflag:$0x3] =	sbarrier.arrive $0xFFFF;
	s2 =	simm.s32 @!p0 $0x1C03  }
0xec: {  	[timem:s3], [sflag:s2] =	dma.local @!p0 [hbm:s0], s1  }
0xed: {  	s0 =	simm.s32 @!p0 $0x3  }
0xee: {  	_ =	swait.ge @!p0 [sflag:s0], s1  }
0xef: {  	s1 =	ssub.s32 @!p0 $0x0, s1;
	[sflag:s0] =	ssyncset.done @!p0 $0x0  }
0xf0: {  	[sflag:s0] =	ssyncadd.s32 @!p0 s1  }
0xf1: {  	[bflag:$0x3] =	sbarrier.arrive $0xFFFF  }
0xf2: {  	_ =	shalt  }

</sc_bundles>
